<compile_context>
chip_gen: v7x
topology: tpu7x:2x2x1
jax: 0.10.2.dev20260603
libtpu: 0.0.44.dev20260713+nightly
codegen_flags: <defaults>
</compile_context>

<pallas_src>
import functools

import jax
import jax.numpy as jnp
from jax import lax
from jax.experimental import pallas as pl
from jax.experimental.pallas import tpu as pltpu
from jax.experimental.pallas import tpu_sc as plsc

_B, _T, _D = 1024, 50, 1000
_CW = 200
_NDC = _D // _CW
_NBT = _B // 128
_NSL = _T * _NBT
_NU = _NSL * _NDC
_NW = 32
_UPW = -(-_NU // _NW)
_NK = -(-_UPW // 2)
_MAXSL = 14


@functools.partial(
    pl.kernel,
    out_type=jax.ShapeDtypeStruct((_T, _D // 8, _NBT, 8, 128), jnp.float32),
    mesh=plsc.VectorSubcoreMesh(core_axis_name="c", subcore_axis_name="s"),
    scratch_types=[
        pltpu.VMEM((_MAXSL, 128), jnp.int32),
        pltpu.VMEM((128,), jnp.int32),
        pltpu.VMEM((128,), jnp.int32),
        pltpu.VMEM((128, _CW), jnp.float32),
        pltpu.VMEM((128, _CW), jnp.float32),
        pltpu.VMEM((_CW // 8, 8, 128), jnp.float32),
        pltpu.VMEM((_CW // 8, 8, 128), jnp.float32),
        pltpu.SemaphoreType.DMA,
        pltpu.SemaphoreType.DMA,
        pltpu.SemaphoreType.DMA,
        pltpu.SemaphoreType.DMA,
    ],
    compiler_params=pltpu.CompilerParams(
        use_tc_tiling_on_sc=False, needs_layout_passes=False),
)
def _gather_t_sc(x5_hbm, table5_hbm, out5_hbm, xslab_v, idx0, idx1,
                 gbuf0, gbuf1, tbuf0, tbuf1, gs0, gs1, ss0, ss1):
    wid = lax.axis_index("s") * 2 + lax.axis_index("c")
    base = wid * _UPW
    uend = jnp.minimum(base + _UPW, _NU)

    slc = jnp.minimum(base // _NDC, _NSL - _MAXSL)
    pltpu.sync_copy(x5_hbm.at[pl.ds(slc, _MAXSL)], xslab_v)

    idxs = (idx0, idx1)
    gbufs = (gbuf0, gbuf1)
    tbufs = (tbuf0, tbuf1)
    gsems = (gs0, gs1)
    ssems = (ss0, ss1)

    def issue_gather(u, p):
        sl = u // _NDC
        dc = u - sl * _NDC
        row = sl - slc
        for g in range(8):
            idxs[p][pl.ds(16 * g, 16)] = (
                xslab_v[row, pl.ds(16 * g, 16)] + dc)
        pltpu.async_copy(table5_hbm.at[idxs[p]], gbufs[p], gsems[p])

    def wait_gather(p):
        pltpu.make_async_copy(
            table5_hbm.at[pl.ds(0, 128)], gbufs[p], gsems[p]).wait()

    def wait_store(p):
        pltpu.make_async_copy(
            tbufs[p], out5_hbm.at[0, pl.ds(0, _CW // 8), 0], ssems[p]).wait()

    rowvs = [lax.iota(jnp.int32, 16) + 16 * g for g in range(8)]

    def transpose(p):
        def body(dtl, carry):
            for batch in range(4):
                vals = []
                for di in range(2 * batch, 2 * batch + 2):
                    col = jnp.full((16,), dtl * 8 + di, dtype=jnp.int32)
                    for g in range(8):
                        vals.append(
                            (di, g, plsc.load_gather(gbufs[p], [rowvs[g], col])))
                for di, g, v in vals:
                    tbufs[p][dtl, di, pl.ds(16 * g, 16)] = v
            return carry
        lax.fori_loop(0, _CW // 8, body, 0)

    def issue_store(u, p):
        sl = u // _NDC
        dc = u - sl * _NDC
        t = sl // _NBT
        bt = sl - t * _NBT
        pltpu.async_copy(
            tbufs[p], out5_hbm.at[t, pl.ds(dc * (_CW // 8), _CW // 8), bt],
            ssems[p])

    @pl.when(base < uend)
    def _():
        issue_gather(base, 0)

    @pl.when(base + 1 < uend)
    def _():
        issue_gather(base + 1, 1)

    def round_body(k, carry):
        for p in range(2):
            u = base + 2 * k + p

            @pl.when(u < uend)
            def _():
                @pl.when(k > 0)
                def _():
                    wait_store(p)
                wait_gather(p)
                transpose(p)
                issue_store(u, p)

                @pl.when(u + 2 < uend)
                def _():
                    issue_gather(u + 2, p)
        return carry

    lax.fori_loop(0, _NK, round_body, 0)

    for p in range(2):
        @pl.when(base + p < uend)
        def _():
            wait_store(p)


def kernel(x, embedding):
    x5 = (x.astype(jnp.int32).T * _NDC).reshape(_NSL, 128)
    table5 = embedding.reshape(_D * _NDC, _CW)
    p5 = _gather_t_sc(x5, table5)
    return p5.transpose(2, 4, 0, 1, 3).reshape(_B, _T, _D)

# --- scband reference (transcript-rebuilt; emitter-appended) ---
"""Pipeline reference for scband-bi-gram-11458972746389 (READ-ONLY COPY).

The authoritative reference and input builder live on the scoring server;
editing this copy changes nothing except your own understanding.
"""

import jax, jax.numpy as jnp
import numpy as np

VOCAB = 1000
B, T = 1024, 50

def setup_inputs(seed: int = 0) -> dict:
    key = jax.random.key(seed)
    k_idx, k_emb = jax.random.split(key)
    x = jax.random.randint(k_idx, (B, T), 0, VOCAB, dtype=jnp.int64 if jax.config.jax_enable_x64 else jnp.int32)
    embedding = jax.random.normal(k_emb, (VOCAB, VOCAB), dtype=jnp.float32)
    return {"x": x, "embedding": embedding}

def reference(x, embedding):
    # nn.Embedding lookup: logits[b, t, :] = embedding[x[b, t], :]
    logits = jnp.take(embedding, x, axis=0)
    return logits

if __name__ == "__main__":
    import jax
    _d = setup_inputs()
    print(jax.jit(kernel)(*tuple(_d.values())))

</pallas_src>

<mosaic_0001>
#map = affine_map<(d0, d1) -> (0, 0)>
#map1 = affine_map<(d0, d1) -> (0, 0, 0, 0, 0)>
module attributes {stable_mosaic.version = 14 : i64} {
  func.func @_gather_t_sc(%arg0: i32, %arg1: i32, %arg2: memref<400x128xi32, #tpu.memory_space<hbm>>, %arg3: memref<5000x200xf32, #tpu.memory_space<hbm>>, %arg4: memref<50x125x8x8x128xf32, #tpu.memory_space<hbm>>, %arg5: memref<14x128xi32, #tpu.memory_space<vmem>>, %arg6: memref<128xi32, #tpu.memory_space<vmem>>, %arg7: memref<128xi32, #tpu.memory_space<vmem>>, %arg8: memref<128x200xf32, #tpu.memory_space<vmem>>, %arg9: memref<128x200xf32, #tpu.memory_space<vmem>>, %arg10: memref<25x8x128xf32, #tpu.memory_space<vmem>>, %arg11: memref<25x8x128xf32, #tpu.memory_space<vmem>>, %arg12: memref<!tpu.dma_semaphore, #tpu.memory_space<semaphore_mem>>, %arg13: memref<!tpu.dma_semaphore, #tpu.memory_space<semaphore_mem>>, %arg14: memref<!tpu.dma_semaphore, #tpu.memory_space<semaphore_mem>>, %arg15: memref<!tpu.dma_semaphore, #tpu.memory_space<semaphore_mem>>) attributes {dimension_semantics = [#tpu.dimension_semantics<core_parallel>, #tpu.dimension_semantics<subcore_parallel>], iteration_bounds = array<i64: 2, 16>, scalar_prefetch = 0 : i64, scratch_operands = 11 : i64, tpu.core_type = #tpu.core_type<sc_vector_subcore>, window_params = [{transform_indices = #map}, {transform_indices = #map}, {transform_indices = #map1}]} {
    %mul3A = arith.constant 2 : i32
    %mul3A_0 = arith.muli %arg1, %mul3A : i32
    %add3A = arith.addi %mul3A_0, %arg0 : i32
    %mul3A_1 = arith.constant 63 : i32
    %mul3A_2 = arith.muli %add3A, %mul3A_1 : i32
    %add3A_3 = arith.constant 63 : i32
    %add3A_4 = arith.addi %mul3A_2, %add3A_3 : i32
    %min3A = arith.constant 2000 : i32
    %min3A_5 = arith.minsi %add3A_4, %min3A : i32
    %jit3A = arith.constant 5 : i32
    %div3A = arith.divsi %mul3A_2, %jit3A : i32
    %sign3A = arith.constant 0 : i32
    %sign3A_6 = arith.cmpi sgt, %mul3A_2, %sign3A : i32
    %sign3A_7 = arith.extui %sign3A_6 : i1 to i32
    %sign3A_8 = arith.constant 0 : i32
    %sign3A_9 = arith.cmpi slt, %mul3A_2, %sign3A_8 : i32
    %sign3A_10 = arith.extui %sign3A_9 : i1 to i32
    %sign3A_11 = arith.subi %sign3A_7, %sign3A_10 : i32
    %sign3A_12 = arith.constant 0 : i32
    %sign3A_13 = arith.cmpi sgt, %jit3A, %sign3A_12 : i32
    %sign3A_14 = arith.extui %sign3A_13 : i1 to i32
    %sign3A_15 = arith.constant 0 : i32
    %sign3A_16 = arith.cmpi slt, %jit3A, %sign3A_15 : i32
    %sign3A_17 = arith.extui %sign3A_16 : i1 to i32
    %sign3A_18 = arith.subi %sign3A_14, %sign3A_17 : i32
    %ne3A = arith.cmpi ne, %sign3A_11, %sign3A_18 : i32
    %rem3A = arith.remsi %mul3A_2, %jit3A : i32
    %ne3A_19 = arith.constant 0 : i32
    %ne3A_20 = arith.cmpi ne, %rem3A, %ne3A_19 : i32
    %and3A = arith.andi %ne3A, %ne3A_20 : i1
    %sub3A = arith.constant 1 : i32
    %sub3A_21 = arith.subi %div3A, %sub3A : i32
    %select_n3A = arith.select %and3A, %sub3A_21, %div3A : i32
    %min3A_22 = arith.constant 386 : i32
    %min3A_23 = arith.minsi %select_n3A, %min3A_22 : i32
    "tpu.region"() ({
      %run_scoped3A = tpu.sem_alloc : memref<!tpu.dma_semaphore, #tpu.memory_space<semaphore_mem>>
      %dma_start3A = arith.constant 0 : i32
      %dma_start3A_79 = tpu.memref_slice %arg2[%min3A_23, %dma_start3A] : memref<400x128xi32, #tpu.memory_space<hbm>> -> memref<14x128xi32, #tpu.memory_space<hbm>>
      %dma_start3A_80 = arith.constant 0 : i32
      %dma_start3A_81 = tpu.memref_slice %arg2[%min3A_23, %dma_start3A_80] : memref<400x128xi32, #tpu.memory_space<hbm>> -> memref<14x128xi32, #tpu.memory_space<hbm>>
      tpu.enqueue_dma source(%dma_start3A_81 : memref<14x128xi32, #tpu.memory_space<hbm>>) target(%arg5 : memref<14x128xi32, #tpu.memory_space<vmem>>) target_semaphore(%run_scoped3A : memref<!tpu.dma_semaphore, #tpu.memory_space<semaphore_mem>>)
      %dma_wait3A = arith.constant 0 : i32
      %dma_wait3A_82 = tpu.memref_slice %arg2[%min3A_23, %dma_wait3A] : memref<400x128xi32, #tpu.memory_space<hbm>> -> memref<14x128xi32, #tpu.memory_space<hbm>>
      %dma_wait3A_83 = arith.constant 0 : i32
      %dma_wait3A_84 = tpu.memref_slice %arg2[%min3A_23, %dma_wait3A_83] : memref<400x128xi32, #tpu.memory_space<hbm>> -> memref<14x128xi32, #tpu.memory_space<hbm>>
      tpu.wait_dma2 semaphore(%run_scoped3A : memref<!tpu.dma_semaphore, #tpu.memory_space<semaphore_mem>>) src(%dma_wait3A_84 : memref<14x128xi32, #tpu.memory_space<hbm>>) dst(%arg5 : memref<14x128xi32, #tpu.memory_space<vmem>>)
      tpu.yield
    }) : () -> ()
    %iota3A = tpu.iota {dimensions = array<i32: 0>} : vector<16xi32>
    %add3A_24 = arith.constant 0 : i32
    %add3A_25 = vector.broadcast %add3A_24 : i32 to vector<16xi32>
    %add3A_26 = arith.addi %iota3A, %add3A_25 : vector<16xi32>
    %iota3A_27 = tpu.iota {dimensions = array<i32: 0>} : vector<16xi32>
    %add3A_28 = arith.constant 16 : i32
    %add3A_29 = vector.broadcast %add3A_28 : i32 to vector<16xi32>
    %add3A_30 = arith.addi %iota3A_27, %add3A_29 : vector<16xi32>
    %iota3A_31 = tpu.iota {dimensions = array<i32: 0>} : vector<16xi32>
    %add3A_32 = arith.constant 32 : i32
    %add3A_33 = vector.broadcast %add3A_32 : i32 to vector<16xi32>
    %add3A_34 = arith.addi %iota3A_31, %add3A_33 : vector<16xi32>
    %iota3A_35 = tpu.iota {dimensions = array<i32: 0>} : vector<16xi32>
    %add3A_36 = arith.constant 48 : i32
    %add3A_37 = vector.broadcast %add3A_36 : i32 to vector<16xi32>
    %add3A_38 = arith.addi %iota3A_35, %add3A_37 : vector<16xi32>
    %iota3A_39 = tpu.iota {dimensions = array<i32: 0>} : vector<16xi32>
    %add3A_40 = arith.constant 64 : i32
    %add3A_41 = vector.broadcast %add3A_40 : i32 to vector<16xi32>
    %add3A_42 = arith.addi %iota3A_39, %add3A_41 : vector<16xi32>
    %iota3A_43 = tpu.iota {dimensions = array<i32: 0>} : vector<16xi32>
    %add3A_44 = arith.constant 80 : i32
    %add3A_45 = vector.broadcast %add3A_44 : i32 to vector<16xi32>
    %add3A_46 = arith.addi %iota3A_43, %add3A_45 : vector<16xi32>
    %iota3A_47 = tpu.iota {dimensions = array<i32: 0>} : vector<16xi32>
    %add3A_48 = arith.constant 96 : i32
    %add3A_49 = vector.broadcast %add3A_48 : i32 to vector<16xi32>
    %add3A_50 = arith.addi %iota3A_47, %add3A_49 : vector<16xi32>
    %iota3A_51 = tpu.iota {dimensions = array<i32: 0>} : vector<16xi32>
    %add3A_52 = arith.constant 112 : i32
    %add3A_53 = vector.broadcast %add3A_52 : i32 to vector<16xi32>
    %add3A_54 = arith.addi %iota3A_51, %add3A_53 : vector<16xi32>
    %lt3A = arith.cmpi slt, %mul3A_2, %min3A_5 : i32
    %convert_element_type3A = arith.extui %lt3A : i1 to i32
    %cond3A = arith.constant 0 : i32
    %cond3A_55 = arith.cmpi ne, %convert_element_type3A, %cond3A : i32
    scf.if %cond3A_55 {
      %jit3A_79 = arith.constant 5 : i32
      %div3A_80 = arith.divsi %mul3A_2, %jit3A_79 : i32
      %sign3A_81 = arith.constant 0 : i32
      %sign3A_82 = arith.cmpi sgt, %mul3A_2, %sign3A_81 : i32
      %sign3A_83 = arith.extui %sign3A_82 : i1 to i32
      %sign3A_84 = arith.constant 0 : i32
      %sign3A_85 = arith.cmpi slt, %mul3A_2, %sign3A_84 : i32
      %sign3A_86 = arith.extui %sign3A_85 : i1 to i32
      %sign3A_87 = arith.subi %sign3A_83, %sign3A_86 : i32
      %sign3A_88 = arith.constant 0 : i32
      %sign3A_89 = arith.cmpi sgt, %jit3A_79, %sign3A_88 : i32
      %sign3A_90 = arith.extui %sign3A_89 : i1 to i32
      %sign3A_91 = arith.constant 0 : i32
      %sign3A_92 = arith.cmpi slt, %jit3A_79, %sign3A_91 : i32
      %sign3A_93 = arith.extui %sign3A_92 : i1 to i32
      %sign3A_94 = arith.subi %sign3A_90, %sign3A_93 : i32
      %ne3A_95 = arith.cmpi ne, %sign3A_87, %sign3A_94 : i32
      %rem3A_96 = arith.remsi %mul3A_2, %jit3A_79 : i32
      %ne3A_97 = arith.constant 0 : i32
      %ne3A_98 = arith.cmpi ne, %rem3A_96, %ne3A_97 : i32
      %and3A_99 = arith.andi %ne3A_95, %ne3A_98 : i1
      %sub3A_100 = arith.constant 1 : i32
      %sub3A_101 = arith.subi %div3A_80, %sub3A_100 : i32
      %select_n3A_102 = arith.select %and3A_99, %sub3A_101, %div3A_80 : i32
      %mul3A_103 = arith.constant 5 : i32
      %mul3A_104 = arith.muli %select_n3A_102, %mul3A_103 : i32
      %sub3A_105 = arith.subi %mul3A_2, %mul3A_104 : i32
      %sub3A_106 = arith.subi %select_n3A_102, %min3A_23 : i32
      %get3A = arith.index_cast %sub3A_106 : i32 to index
      %get3A_107 = arith.constant 0 : index
      %get3A_108 = tpu.vector_load %arg5[%get3A, %get3A_107] {strides = array<i32>} : memref<14x128xi32, #tpu.memory_space<vmem>>, vector<16xi32>,
      %add3A_109 = vector.broadcast %sub3A_105 : i32 to vector<16xi32>
      %add3A_110 = arith.addi %get3A_108, %add3A_109 : vector<16xi32>
      %swap3A = arith.constant 0 : index
      %swap3A_111 = tpu.vector_load %arg6[%swap3A] {strides = array<i32>} : memref<128xi32, #tpu.memory_space<vmem>>, vector<16xi32>,
      tpu.vector_store %arg6[%swap3A], %add3A_110 {strides = array<i32>} : memref<128xi32, #tpu.memory_space<vmem>>, vector<16xi32>,
      %get3A_112 = arith.index_cast %sub3A_106 : i32 to index
      %get3A_113 = arith.constant 16 : index
      %get3A_114 = tpu.vector_load %arg5[%get3A_112, %get3A_113] {strides = array<i32>} : memref<14x128xi32, #tpu.memory_space<vmem>>, vector<16xi32>,
      %add3A_115 = vector.broadcast %sub3A_105 : i32 to vector<16xi32>
      %add3A_116 = arith.addi %get3A_114, %add3A_115 : vector<16xi32>
      %swap3A_117 = arith.constant 16 : index
      %swap3A_118 = tpu.vector_load %arg6[%swap3A_117] {strides = array<i32>} : memref<128xi32, #tpu.memory_space<vmem>>, vector<16xi32>,
      tpu.vector_store %arg6[%swap3A_117], %add3A_116 {strides = array<i32>} : memref<128xi32, #tpu.memory_space<vmem>>, vector<16xi32>,
      %get3A_119 = arith.index_cast %sub3A_106 : i32 to index
      %get3A_120 = arith.constant 32 : index
      %get3A_121 = tpu.vector_load %arg5[%get3A_119, %get3A_120] {strides = array<i32>} : memref<14x128xi32, #tpu.memory_space<vmem>>, vector<16xi32>,
      %add3A_122 = vector.broadcast %sub3A_105 : i32 to vector<16xi32>
      %add3A_123 = arith.addi %get3A_121, %add3A_122 : vector<16xi32>
      %swap3A_124 = arith.constant 32 : index
      %swap3A_125 = tpu.vector_load %arg6[%swap3A_124] {strides = array<i32>} : memref<128xi32, #tpu.memory_space<vmem>>, vector<16xi32>,
      tpu.vector_store %arg6[%swap3A_124], %add3A_123 {strides = array<i32>} : memref<128xi32, #tpu.memory_space<vmem>>, vector<16xi32>,
      %get3A_126 = arith.index_cast %sub3A_106 : i32 to index
      %get3A_127 = arith.constant 48 : index
      %get3A_128 = tpu.vector_load %arg5[%get3A_126, %get3A_127] {strides = array<i32>} : memref<14x128xi32, #tpu.memory_space<vmem>>, vector<16xi32>,
      %add3A_129 = vector.broadcast %sub3A_105 : i32 to vector<16xi32>
      %add3A_130 = arith.addi %get3A_128, %add3A_129 : vector<16xi32>
      %swap3A_131 = arith.constant 48 : index
      %swap3A_132 = tpu.vector_load %arg6[%swap3A_131] {strides = array<i32>} : memref<128xi32, #tpu.memory_space<vmem>>, vector<16xi32>,
      tpu.vector_store %arg6[%swap3A_131], %add3A_130 {strides = array<i32>} : memref<128xi32, #tpu.memory_space<vmem>>, vector<16xi32>,
      %get3A_133 = arith.index_cast %sub3A_106 : i32 to index
      %get3A_134 = arith.constant 64 : index
      %get3A_135 = tpu.vector_load %arg5[%get3A_133, %get3A_134] {strides = array<i32>} : memref<14x128xi32, #tpu.memory_space<vmem>>, vector<16xi32>,
      %add3A_136 = vector.broadcast %sub3A_105 : i32 to vector<16xi32>
      %add3A_137 = arith.addi %get3A_135, %add3A_136 : vector<16xi32>
      %swap3A_138 = arith.constant 64 : index
      %swap3A_139 = tpu.vector_load %arg6[%swap3A_138] {strides = array<i32>} : memref<128xi32, #tpu.memory_space<vmem>>, vector<16xi32>,
      tpu.vector_store %arg6[%swap3A_138], %add3A_137 {strides = array<i32>} : memref<128xi32, #tpu.memory_space<vmem>>, vector<16xi32>,
      %get3A_140 = arith.index_cast %sub3A_106 : i32 to index
      %get3A_141 = arith.constant 80 : index
      %get3A_142 = tpu.vector_load %arg5[%get3A_140, %get3A_141] {strides = array<i32>} : memref<14x128xi32, #tpu.memory_space<vmem>>, vector<16xi32>,
      %add3A_143 = vector.broadcast %sub3A_105 : i32 to vector<16xi32>
      %add3A_144 = arith.addi %get3A_142, %add3A_143 : vector<16xi32>
      %swap3A_145 = arith.constant 80 : index
      %swap3A_146 = tpu.vector_load %arg6[%swap3A_145] {strides = array<i32>} : memref<128xi32, #tpu.memory_space<vmem>>, vector<16xi32>,
      tpu.vector_store %arg6[%swap3A_145], %add3A_144 {strides = array<i32>} : memref<128xi32, #tpu.memory_space<vmem>>, vector<16xi32>,
      %get3A_147 = arith.index_cast %sub3A_106 : i32 to index
      %get3A_148 = arith.constant 96 : index
      %get3A_149 = tpu.vector_load %arg5[%get3A_147, %get3A_148] {strides = array<i32>} : memref<14x128xi32, #tpu.memory_space<vmem>>, vector<16xi32>,
      %add3A_150 = vector.broadcast %sub3A_105 : i32 to vector<16xi32>
      %add3A_151 = arith.addi %get3A_149, %add3A_150 : vector<16xi32>
      %swap3A_152 = arith.constant 96 : index
      %swap3A_153 = tpu.vector_load %arg6[%swap3A_152] {strides = array<i32>} : memref<128xi32, #tpu.memory_space<vmem>>, vector<16xi32>,
      tpu.vector_store %arg6[%swap3A_152], %add3A_151 {strides = array<i32>} : memref<128xi32, #tpu.memory_space<vmem>>, vector<16xi32>,
      %get3A_154 = arith.index_cast %sub3A_106 : i32 to index
      %get3A_155 = arith.constant 112 : index
      %get3A_156 = tpu.vector_load %arg5[%get3A_154, %get3A_155] {strides = array<i32>} : memref<14x128xi32, #tpu.memory_space<vmem>>, vector<16xi32>,
      %add3A_157 = vector.broadcast %sub3A_105 : i32 to vector<16xi32>
      %add3A_158 = arith.addi %get3A_156, %add3A_157 : vector<16xi32>
      %swap3A_159 = arith.constant 112 : index
      %swap3A_160 = tpu.vector_load %arg6[%swap3A_159] {strides = array<i32>} : memref<128xi32, #tpu.memory_space<vmem>>, vector<16xi32>,
      tpu.vector_store %arg6[%swap3A_159], %add3A_158 {strides = array<i32>} : memref<128xi32, #tpu.memory_space<vmem>>, vector<16xi32>,
      %dma_start3A = arith.constant 0 : i32
      %dma_start3A_161 = arith.constant 0 : i32
      %dma_start3A_162 = tpu.memref_slice %arg3[%dma_start3A, %dma_start3A_161] : memref<5000x200xf32, #tpu.memory_space<hbm>> -> memref<5000x200xf32, #tpu.memory_space<hbm>>
      tpu.enqueue_indirect_dma source(%dma_start3A_162 : memref<5000x200xf32, #tpu.memory_space<hbm>>) target(%arg8 : memref<128x200xf32, #tpu.memory_space<vmem>>) offsets(%arg6 : memref<128xi32, #tpu.memory_space<vmem>>) semaphore(%arg12 : memref<!tpu.dma_semaphore, #tpu.memory_space<semaphore_mem>>)
    } else {
    }
    %add3A_56 = arith.constant 1 : i32
    %add3A_57 = arith.addi %mul3A_2, %add3A_56 : i32
    %lt3A_58 = arith.cmpi slt, %add3A_57, %min3A_5 : i32
    %convert_element_type3A_59 = arith.extui %lt3A_58 : i1 to i32
    %cond3A_60 = arith.constant 0 : i32
    %cond3A_61 = arith.cmpi ne, %convert_element_type3A_59, %cond3A_60 : i32
    scf.if %cond3A_61 {
      %add3A_79 = arith.constant 1 : i32
      %add3A_80 = arith.addi %mul3A_2, %add3A_79 : i32
      %jit3A_81 = arith.constant 5 : i32
      %div3A_82 = arith.divsi %add3A_80, %jit3A_81 : i32
      %sign3A_83 = arith.constant 0 : i32
      %sign3A_84 = arith.cmpi sgt, %add3A_80, %sign3A_83 : i32
      %sign3A_85 = arith.extui %sign3A_84 : i1 to i32
      %sign3A_86 = arith.constant 0 : i32
      %sign3A_87 = arith.cmpi slt, %add3A_80, %sign3A_86 : i32
      %sign3A_88 = arith.extui %sign3A_87 : i1 to i32
      %sign3A_89 = arith.subi %sign3A_85, %sign3A_88 : i32
      %sign3A_90 = arith.constant 0 : i32
      %sign3A_91 = arith.cmpi sgt, %jit3A_81, %sign3A_90 : i32
      %sign3A_92 = arith.extui %sign3A_91 : i1 to i32
      %sign3A_93 = arith.constant 0 : i32
      %sign3A_94 = arith.cmpi slt, %jit3A_81, %sign3A_93 : i32
      %sign3A_95 = arith.extui %sign3A_94 : i1 to i32
      %sign3A_96 = arith.subi %sign3A_92, %sign3A_95 : i32
      %ne3A_97 = arith.cmpi ne, %sign3A_89, %sign3A_96 : i32
      %rem3A_98 = arith.remsi %add3A_80, %jit3A_81 : i32
      %ne3A_99 = arith.constant 0 : i32
      %ne3A_100 = arith.cmpi ne, %rem3A_98, %ne3A_99 : i32
      %and3A_101 = arith.andi %ne3A_97, %ne3A_100 : i1
      %sub3A_102 = arith.constant 1 : i32
      %sub3A_103 = arith.subi %div3A_82, %sub3A_102 : i32
      %select_n3A_104 = arith.select %and3A_101, %sub3A_103, %div3A_82 : i32
      %mul3A_105 = arith.constant 5 : i32
      %mul3A_106 = arith.muli %select_n3A_104, %mul3A_105 : i32
      %sub3A_107 = arith.subi %add3A_80, %mul3A_106 : i32
      %sub3A_108 = arith.subi %select_n3A_104, %min3A_23 : i32
      %get3A = arith.index_cast %sub3A_108 : i32 to index
      %get3A_109 = arith.constant 0 : index
      %get3A_110 = tpu.vector_load %arg5[%get3A, %get3A_109] {strides = array<i32>} : memref<14x128xi32, #tpu.memory_space<vmem>>, vector<16xi32>,
      %add3A_111 = vector.broadcast %sub3A_107 : i32 to vector<16xi32>
      %add3A_112 = arith.addi %get3A_110, %add3A_111 : vector<16xi32>
      %swap3A = arith.constant 0 : index
      %swap3A_113 = tpu.vector_load %arg7[%swap3A] {strides = array<i32>} : memref<128xi32, #tpu.memory_space<vmem>>, vector<16xi32>,
      tpu.vector_store %arg7[%swap3A], %add3A_112 {strides = array<i32>} : memref<128xi32, #tpu.memory_space<vmem>>, vector<16xi32>,
      %get3A_114 = arith.index_cast %sub3A_108 : i32 to index
      %get3A_115 = arith.constant 16 : index
      %get3A_116 = tpu.vector_load %arg5[%get3A_114, %get3A_115] {strides = array<i32>} : memref<14x128xi32, #tpu.memory_space<vmem>>, vector<16xi32>,
      %add3A_117 = vector.broadcast %sub3A_107 : i32 to vector<16xi32>
      %add3A_118 = arith.addi %get3A_116, %add3A_117 : vector<16xi32>
      %swap3A_119 = arith.constant 16 : index
      %swap3A_120 = tpu.vector_load %arg7[%swap3A_119] {strides = array<i32>} : memref<128xi32, #tpu.memory_space<vmem>>, vector<16xi32>,
      tpu.vector_store %arg7[%swap3A_119], %add3A_118 {strides = array<i32>} : memref<128xi32, #tpu.memory_space<vmem>>, vector<16xi32>,
      %get3A_121 = arith.index_cast %sub3A_108 : i32 to index
      %get3A_122 = arith.constant 32 : index
      %get3A_123 = tpu.vector_load %arg5[%get3A_121, %get3A_122] {strides = array<i32>} : memref<14x128xi32, #tpu.memory_space<vmem>>, vector<16xi32>,
      %add3A_124 = vector.broadcast %sub3A_107 : i32 to vector<16xi32>
      %add3A_125 = arith.addi %get3A_123, %add3A_124 : vector<16xi32>
      %swap3A_126 = arith.constant 32 : index
      %swap3A_127 = tpu.vector_load %arg7[%swap3A_126] {strides = array<i32>} : memref<128xi32, #tpu.memory_space<vmem>>, vector<16xi32>,
      tpu.vector_store %arg7[%swap3A_126], %add3A_125 {strides = array<i32>} : memref<128xi32, #tpu.memory_space<vmem>>, vector<16xi32>,
      %get3A_128 = arith.index_cast %sub3A_108 : i32 to index
      %get3A_129 = arith.constant 48 : index
      %get3A_130 = tpu.vector_load %arg5[%get3A_128, %get3A_129] {strides = array<i32>} : memref<14x128xi32, #tpu.memory_space<vmem>>, vector<16xi32>,
      %add3A_131 = vector.broadcast %sub3A_107 : i32 to vector<16xi32>
      %add3A_132 = arith.addi %get3A_130, %add3A_131 : vector<16xi32>
      %swap3A_133 = arith.constant 48 : index
      %swap3A_134 = tpu.vector_load %arg7[%swap3A_133] {strides = array<i32>} : memref<128xi32, #tpu.memory_space<vmem>>, vector<16xi32>,
      tpu.vector_store %arg7[%swap3A_133], %add3A_132 {strides = array<i32>} : memref<128xi32, #tpu.memory_space<vmem>>, vector<16xi32>,
      %get3A_135 = arith.index_cast %sub3A_108 : i32 to index
      %get3A_136 = arith.constant 64 : index
      %get3A_137 = tpu.vector_load %arg5[%get3A_135, %get3A_136] {strides = array<i32>} : memref<14x128xi32, #tpu.memory_space<vmem>>, vector<16xi32>,
      %add3A_138 = vector.broadcast %sub3A_107 : i32 to vector<16xi32>
      %add3A_139 = arith.addi %get3A_137, %add3A_138 : vector<16xi32>
      %swap3A_140 = arith.constant 64 : index
      %swap3A_141 = tpu.vector_load %arg7[%swap3A_140] {strides = array<i32>} : memref<128xi32, #tpu.memory_space<vmem>>, vector<16xi32>,
      tpu.vector_store %arg7[%swap3A_140], %add3A_139 {strides = array<i32>} : memref<128xi32, #tpu.memory_space<vmem>>, vector<16xi32>,
      %get3A_142 = arith.index_cast %sub3A_108 : i32 to index
      %get3A_143 = arith.constant 80 : index
      %get3A_144 = tpu.vector_load %arg5[%get3A_142, %get3A_143] {strides = array<i32>} : memref<14x128xi32, #tpu.memory_space<vmem>>, vector<16xi32>,
      %add3A_145 = vector.broadcast %sub3A_107 : i32 to vector<16xi32>
      %add3A_146 = arith.addi %get3A_144, %add3A_145 : vector<16xi32>
      %swap3A_147 = arith.constant 80 : index
      %swap3A_148 = tpu.vector_load %arg7[%swap3A_147] {strides = array<i32>} : memref<128xi32, #tpu.memory_space<vmem>>, vector<16xi32>,
      tpu.vector_store %arg7[%swap3A_147], %add3A_146 {strides = array<i32>} : memref<128xi32, #tpu.memory_space<vmem>>, vector<16xi32>,
      %get3A_149 = arith.index_cast %sub3A_108 : i32 to index
      %get3A_150 = arith.constant 96 : index
      %get3A_151 = tpu.vector_load %arg5[%get3A_149, %get3A_150] {strides = array<i32>} : memref<14x128xi32, #tpu.memory_space<vmem>>, vector<16xi32>,
      %add3A_152 = vector.broadcast %sub3A_107 : i32 to vector<16xi32>
      %add3A_153 = arith.addi %get3A_151, %add3A_152 : vector<16xi32>
      %swap3A_154 = arith.constant 96 : index
      %swap3A_155 = tpu.vector_load %arg7[%swap3A_154] {strides = array<i32>} : memref<128xi32, #tpu.memory_space<vmem>>, vector<16xi32>,
      tpu.vector_store %arg7[%swap3A_154], %add3A_153 {strides = array<i32>} : memref<128xi32, #tpu.memory_space<vmem>>, vector<16xi32>,
      %get3A_156 = arith.index_cast %sub3A_108 : i32 to index
      %get3A_157 = arith.constant 112 : index
      %get3A_158 = tpu.vector_load %arg5[%get3A_156, %get3A_157] {strides = array<i32>} : memref<14x128xi32, #tpu.memory_space<vmem>>, vector<16xi32>,
      %add3A_159 = vector.broadcast %sub3A_107 : i32 to vector<16xi32>
      %add3A_160 = arith.addi %get3A_158, %add3A_159 : vector<16xi32>
      %swap3A_161 = arith.constant 112 : index
      %swap3A_162 = tpu.vector_load %arg7[%swap3A_161] {strides = array<i32>} : memref<128xi32, #tpu.memory_space<vmem>>, vector<16xi32>,
      tpu.vector_store %arg7[%swap3A_161], %add3A_160 {strides = array<i32>} : memref<128xi32, #tpu.memory_space<vmem>>, vector<16xi32>,
      %dma_start3A = arith.constant 0 : i32
      %dma_start3A_163 = arith.constant 0 : i32
      %dma_start3A_164 = tpu.memref_slice %arg3[%dma_start3A, %dma_start3A_163] : memref<5000x200xf32, #tpu.memory_space<hbm>> -> memref<5000x200xf32, #tpu.memory_space<hbm>>
      tpu.enqueue_indirect_dma source(%dma_start3A_164 : memref<5000x200xf32, #tpu.memory_space<hbm>>) target(%arg9 : memref<128x200xf32, #tpu.memory_space<vmem>>) offsets(%arg7 : memref<128xi32, #tpu.memory_space<vmem>>) semaphore(%arg13 : memref<!tpu.dma_semaphore, #tpu.memory_space<semaphore_mem>>)
    } else {
    }
    %scan3A = arith.constant 0 : i32
    %scan3A_62 = arith.constant 0 : i32
    %scan3A_63 = arith.constant 32 : i32
    %scan3A_64 = arith.addi %scan3A_62, %scan3A_63 : i32
    %scan3A_65 = arith.constant 1 : i32
    scf.for %scan3A_79 = %scan3A_62 to %scan3A_64 step %scan3A_65  : i32 {
      %mul3A_80 = arith.constant 2 : i32
      %mul3A_81 = arith.muli %mul3A_80, %scan3A_79 : i32
      %add3A_82 = arith.addi %mul3A_2, %mul3A_81 : i32
      %add3A_83 = arith.constant 0 : i32
      %add3A_84 = arith.addi %add3A_82, %add3A_83 : i32
      %lt3A_85 = arith.cmpi slt, %add3A_84, %min3A_5 : i32
      %convert_element_type3A_86 = arith.extui %lt3A_85 : i1 to i32
      %cond3A_87 = arith.constant 0 : i32
      %cond3A_88 = arith.cmpi ne, %convert_element_type3A_86, %cond3A_87 : i32
      scf.if %cond3A_88 {
        %gt3A = arith.constant 0 : i32
        %gt3A_98 = arith.cmpi sgt, %scan3A_79, %gt3A : i32
        %convert_element_type3A_99 = arith.extui %gt3A_98 : i1 to i32
        %cond3A_100 = arith.constant 0 : i32
        %cond3A_101 = arith.cmpi ne, %convert_element_type3A_99, %cond3A_100 : i32
        scf.if %cond3A_101 {
          %dma_wait3A_182 = arith.constant 0 : i32
          %dma_wait3A_183 = arith.constant 0 : i32
          %dma_wait3A_184 = arith.constant 0 : i32
          %dma_wait3A_185 = arith.constant 0 : i32
          %dma_wait3A_186 = arith.constant 0 : i32
          %dma_wait3A_187 = tpu.memref_slice %arg4[%dma_wait3A_182, %dma_wait3A_184, %dma_wait3A_183, %dma_wait3A_185, %dma_wait3A_186] : memref<50x125x8x8x128xf32, #tpu.memory_space<hbm>> -> memref<1x25x1x8x128xf32, #tpu.memory_space<hbm>>
          %dma_wait3A_188 = tpu.memref_squeeze %dma_wait3A_187 : memref<1x25x1x8x128xf32, #tpu.memory_space<hbm>> -> memref<25x8x128xf32, #tpu.memory_space<hbm>>
          %dma_wait3A_189 = arith.constant 0 : i32
          %dma_wait3A_190 = arith.constant 0 : i32
          %dma_wait3A_191 = arith.constant 0 : i32
          %dma_wait3A_192 = tpu.memref_slice %arg4[%dma_wait3A_182, %dma_wait3A_189, %dma_wait3A_183, %dma_wait3A_190, %dma_wait3A_191] : memref<50x125x8x8x128xf32, #tpu.memory_space<hbm>> -> memref<1x25x1x8x128xf32, #tpu.memory_space<hbm>>
          %dma_wait3A_193 = tpu.memref_squeeze %dma_wait3A_192 : memref<1x25x1x8x128xf32, #tpu.memory_space<hbm>> -> memref<25x8x128xf32, #tpu.memory_space<hbm>>
          tpu.wait_dma2 semaphore(%arg14 : memref<!tpu.dma_semaphore, #tpu.memory_space<semaphore_mem>>) src(%arg10 : memref<25x8x128xf32, #tpu.memory_space<vmem>>) dst(%dma_wait3A_193 : memref<25x8x128xf32, #tpu.memory_space<hbm>>)
        } else {
        }
        %dma_wait3A = arith.constant 0 : i32
        %dma_wait3A_102 = arith.constant 0 : i32
        %dma_wait3A_103 = tpu.memref_slice %arg3[%dma_wait3A, %dma_wait3A_102] : memref<5000x200xf32, #tpu.memory_space<hbm>> -> memref<128x200xf32, #tpu.memory_space<hbm>>
        %dma_wait3A_104 = arith.constant 0 : i32
        %dma_wait3A_105 = arith.constant 0 : i32
        %dma_wait3A_106 = tpu.memref_slice %arg3[%dma_wait3A_104, %dma_wait3A_105] : memref<5000x200xf32, #tpu.memory_space<hbm>> -> memref<128x200xf32, #tpu.memory_space<hbm>>
        tpu.wait_dma2 semaphore(%arg12 : memref<!tpu.dma_semaphore, #tpu.memory_space<semaphore_mem>>) src(%dma_wait3A_106 : memref<128x200xf32, #tpu.memory_space<hbm>>) dst(%arg8 : memref<128x200xf32, #tpu.memory_space<vmem>>)
        %scan3A_107 = arith.constant 0 : i32
        %scan3A_108 = arith.constant 0 : i32
        %scan3A_109 = arith.constant 25 : i32
        %scan3A_110 = arith.addi %scan3A_108, %scan3A_109 : i32
        %scan3A_111 = arith.constant 1 : i32
        scf.for %scan3A_182 = %scan3A_108 to %scan3A_110 step %scan3A_111  : i32 {
          %mul3A_183 = arith.constant 8 : i32
          %mul3A_184 = arith.muli %scan3A_182, %mul3A_183 : i32
          %add3A_185 = arith.constant 0 : i32
          %add3A_186 = arith.addi %mul3A_184, %add3A_185 : i32
          %broadcast_in_dim3A = vector.broadcast %add3A_186 : i32 to vector<16xi32>
          %gather3A = tpu.vector_load_idx %arg8[%add3A_26, %broadcast_in_dim3A] : memref<128x200xf32, #tpu.memory_space<vmem>>[vector<16xi32>, vector<16xi32>], vector<16xf32>,
          %gather3A_187 = tpu.vector_load_idx %arg8[%add3A_30, %broadcast_in_dim3A] : memref<128x200xf32, #tpu.memory_space<vmem>>[vector<16xi32>, vector<16xi32>], vector<16xf32>,
          %gather3A_188 = tpu.vector_load_idx %arg8[%add3A_34, %broadcast_in_dim3A] : memref<128x200xf32, #tpu.memory_space<vmem>>[vector<16xi32>, vector<16xi32>], vector<16xf32>,
          %gather3A_189 = tpu.vector_load_idx %arg8[%add3A_38, %broadcast_in_dim3A] : memref<128x200xf32, #tpu.memory_space<vmem>>[vector<16xi32>, vector<16xi32>], vector<16xf32>,
          %gather3A_190 = tpu.vector_load_idx %arg8[%add3A_42, %broadcast_in_dim3A] : memref<128x200xf32, #tpu.memory_space<vmem>>[vector<16xi32>, vector<16xi32>], vector<16xf32>,
          %gather3A_191 = tpu.vector_load_idx %arg8[%add3A_46, %broadcast_in_dim3A] : memref<128x200xf32, #tpu.memory_space<vmem>>[vector<16xi32>, vector<16xi32>], vector<16xf32>,
          %gather3A_192 = tpu.vector_load_idx %arg8[%add3A_50, %broadcast_in_dim3A] : memref<128x200xf32, #tpu.memory_space<vmem>>[vector<16xi32>, vector<16xi32>], vector<16xf32>,
          %gather3A_193 = tpu.vector_load_idx %arg8[%add3A_54, %broadcast_in_dim3A] : memref<128x200xf32, #tpu.memory_space<vmem>>[vector<16xi32>, vector<16xi32>], vector<16xf32>,
          %mul3A_194 = arith.constant 8 : i32
          %mul3A_195 = arith.muli %scan3A_182, %mul3A_194 : i32
          %add3A_196 = arith.constant 1 : i32
          %add3A_197 = arith.addi %mul3A_195, %add3A_196 : i32
          %broadcast_in_dim3A_198 = vector.broadcast %add3A_197 : i32 to vector<16xi32>
          %gather3A_199 = tpu.vector_load_idx %arg8[%add3A_26, %broadcast_in_dim3A_198] : memref<128x200xf32, #tpu.memory_space<vmem>>[vector<16xi32>, vector<16xi32>], vector<16xf32>,
          %gather3A_200 = tpu.vector_load_idx %arg8[%add3A_30, %broadcast_in_dim3A_198] : memref<128x200xf32, #tpu.memory_space<vmem>>[vector<16xi32>, vector<16xi32>], vector<16xf32>,
          %gather3A_201 = tpu.vector_load_idx %arg8[%add3A_34, %broadcast_in_dim3A_198] : memref<128x200xf32, #tpu.memory_space<vmem>>[vector<16xi32>, vector<16xi32>], vector<16xf32>,
          %gather3A_202 = tpu.vector_load_idx %arg8[%add3A_38, %broadcast_in_dim3A_198] : memref<128x200xf32, #tpu.memory_space<vmem>>[vector<16xi32>, vector<16xi32>], vector<16xf32>,
          %gather3A_203 = tpu.vector_load_idx %arg8[%add3A_42, %broadcast_in_dim3A_198] : memref<128x200xf32, #tpu.memory_space<vmem>>[vector<16xi32>, vector<16xi32>], vector<16xf32>,
          %gather3A_204 = tpu.vector_load_idx %arg8[%add3A_46, %broadcast_in_dim3A_198] : memref<128x200xf32, #tpu.memory_space<vmem>>[vector<16xi32>, vector<16xi32>], vector<16xf32>,
          %gather3A_205 = tpu.vector_load_idx %arg8[%add3A_50, %broadcast_in_dim3A_198] : memref<128x200xf32, #tpu.memory_space<vmem>>[vector<16xi32>, vector<16xi32>], vector<16xf32>,
          %gather3A_206 = tpu.vector_load_idx %arg8[%add3A_54, %broadcast_in_dim3A_198] : memref<128x200xf32, #tpu.memory_space<vmem>>[vector<16xi32>, vector<16xi32>], vector<16xf32>,
          %swap3A = arith.constant 0 : i32
          %swap3A_207 = arith.index_cast %scan3A_182 : i32 to index
          %swap3A_208 = arith.index_cast %swap3A : i32 to index
          %swap3A_209 = arith.constant 0 : index
          %swap3A_210 = tpu.vector_load %arg10[%swap3A_207, %swap3A_208, %swap3A_209] {strides = array<i32>} : memref<25x8x128xf32, #tpu.memory_space<vmem>>, vector<16xf32>,
          tpu.vector_store %arg10[%swap3A_207, %swap3A_208, %swap3A_209], %gather3A {strides = array<i32>} : memref<25x8x128xf32, #tpu.memory_space<vmem>>, vector<16xf32>,
          %swap3A_211 = arith.constant 0 : i32
          %swap3A_212 = arith.index_cast %scan3A_182 : i32 to index
          %swap3A_213 = arith.index_cast %swap3A_211 : i32 to index
          %swap3A_214 = arith.constant 16 : index
          %swap3A_215 = tpu.vector_load %arg10[%swap3A_212, %swap3A_213, %swap3A_214] {strides = array<i32>} : memref<25x8x128xf32, #tpu.memory_space<vmem>>, vector<16xf32>,
          tpu.vector_store %arg10[%swap3A_212, %swap3A_213, %swap3A_214], %gather3A_187 {strides = array<i32>} : memref<25x8x128xf32, #tpu.memory_space<vmem>>, vector<16xf32>,
          %swap3A_216 = arith.constant 0 : i32
          %swap3A_217 = arith.index_cast %scan3A_182 : i32 to index
          %swap3A_218 = arith.index_cast %swap3A_216 : i32 to index
          %swap3A_219 = arith.constant 32 : index
          %swap3A_220 = tpu.vector_load %arg10[%swap3A_217, %swap3A_218, %swap3A_219] {strides = array<i32>} : memref<25x8x128xf32, #tpu.memory_space<vmem>>, vector<16xf32>,
          tpu.vector_store %arg10[%swap3A_217, %swap3A_218, %swap3A_219], %gather3A_188 {strides = array<i32>} : memref<25x8x128xf32, #tpu.memory_space<vmem>>, vector<16xf32>,
          %swap3A_221 = arith.constant 0 : i32
          %swap3A_222 = arith.index_cast %scan3A_182 : i32 to index
          %swap3A_223 = arith.index_cast %swap3A_221 : i32 to index
          %swap3A_224 = arith.constant 48 : index
          %swap3A_225 = tpu.vector_load %arg10[%swap3A_222, %swap3A_223, %swap3A_224] {strides = array<i32>} : memref<25x8x128xf32, #tpu.memory_space<vmem>>, vector<16xf32>,
          tpu.vector_store %arg10[%swap3A_222, %swap3A_223, %swap3A_224], %gather3A_189 {strides = array<i32>} : memref<25x8x128xf32, #tpu.memory_space<vmem>>, vector<16xf32>,
          %swap3A_226 = arith.constant 0 : i32
          %swap3A_227 = arith.index_cast %scan3A_182 : i32 to index
          %swap3A_228 = arith.index_cast %swap3A_226 : i32 to index
          %swap3A_229 = arith.constant 64 : index
          %swap3A_230 = tpu.vector_load %arg10[%swap3A_227, %swap3A_228, %swap3A_229] {strides = array<i32>} : memref<25x8x128xf32, #tpu.memory_space<vmem>>, vector<16xf32>,
          tpu.vector_store %arg10[%swap3A_227, %swap3A_228, %swap3A_229], %gather3A_190 {strides = array<i32>} : memref<25x8x128xf32, #tpu.memory_space<vmem>>, vector<16xf32>,
          %swap3A_231 = arith.constant 0 : i32
          %swap3A_232 = arith.index_cast %scan3A_182 : i32 to index
          %swap3A_233 = arith.index_cast %swap3A_231 : i32 to index
          %swap3A_234 = arith.constant 80 : index
          %swap3A_235 = tpu.vector_load %arg10[%swap3A_232, %swap3A_233, %swap3A_234] {strides = array<i32>} : memref<25x8x128xf32, #tpu.memory_space<vmem>>, vector<16xf32>,
          tpu.vector_store %arg10[%swap3A_232, %swap3A_233, %swap3A_234], %gather3A_191 {strides = array<i32>} : memref<25x8x128xf32, #tpu.memory_space<vmem>>, vector<16xf32>,
          %swap3A_236 = arith.constant 0 : i32
          %swap3A_237 = arith.index_cast %scan3A_182 : i32 to index
          %swap3A_238 = arith.index_cast %swap3A_236 : i32 to index
          %swap3A_239 = arith.constant 96 : index
          %swap3A_240 = tpu.vector_load %arg10[%swap3A_237, %swap3A_238, %swap3A_239] {strides = array<i32>} : memref<25x8x128xf32, #tpu.memory_space<vmem>>, vector<16xf32>,
          tpu.vector_store %arg10[%swap3A_237, %swap3A_238, %swap3A_239], %gather3A_192 {strides = array<i32>} : memref<25x8x128xf32, #tpu.memory_space<vmem>>, vector<16xf32>,
          %swap3A_241 = arith.constant 0 : i32
          %swap3A_242 = arith.index_cast %scan3A_182 : i32 to index
          %swap3A_243 = arith.index_cast %swap3A_241 : i32 to index
          %swap3A_244 = arith.constant 112 : index
          %swap3A_245 = tpu.vector_load %arg10[%swap3A_242, %swap3A_243, %swap3A_244] {strides = array<i32>} : memref<25x8x128xf32, #tpu.memory_space<vmem>>, vector<16xf32>,
          tpu.vector_store %arg10[%swap3A_242, %swap3A_243, %swap3A_244], %gather3A_193 {strides = array<i32>} : memref<25x8x128xf32, #tpu.memory_space<vmem>>, vector<16xf32>,
          %swap3A_246 = arith.constant 1 : i32
          %swap3A_247 = arith.index_cast %scan3A_182 : i32 to index
          %swap3A_248 = arith.index_cast %swap3A_246 : i32 to index
          %swap3A_249 = arith.constant 0 : index
          %swap3A_250 = tpu.vector_load %arg10[%swap3A_247, %swap3A_248, %swap3A_249] {strides = array<i32>} : memref<25x8x128xf32, #tpu.memory_space<vmem>>, vector<16xf32>,
          tpu.vector_store %arg10[%swap3A_247, %swap3A_248, %swap3A_249], %gather3A_199 {strides = array<i32>} : memref<25x8x128xf32, #tpu.memory_space<vmem>>, vector<16xf32>,
          %swap3A_251 = arith.constant 1 : i32
          %swap3A_252 = arith.index_cast %scan3A_182 : i32 to index
          %swap3A_253 = arith.index_cast %swap3A_251 : i32 to index
          %swap3A_254 = arith.constant 16 : index
          %swap3A_255 = tpu.vector_load %arg10[%swap3A_252, %swap3A_253, %swap3A_254] {strides = array<i32>} : memref<25x8x128xf32, #tpu.memory_space<vmem>>, vector<16xf32>,
          tpu.vector_store %arg10[%swap3A_252, %swap3A_253, %swap3A_254], %gather3A_200 {strides = array<i32>} : memref<25x8x128xf32, #tpu.memory_space<vmem>>, vector<16xf32>,
          %swap3A_256 = arith.constant 1 : i32
          %swap3A_257 = arith.index_cast %scan3A_182 : i32 to index
          %swap3A_258 = arith.index_cast %swap3A_256 : i32 to index
          %swap3A_259 = arith.constant 32 : index
          %swap3A_260 = tpu.vector_load %arg10[%swap3A_257, %swap3A_258, %swap3A_259] {strides = array<i32>} : memref<25x8x128xf32, #tpu.memory_space<vmem>>, vector<16xf32>,
          tpu.vector_store %arg10[%swap3A_257, %swap3A_258, %swap3A_259], %gather3A_201 {strides = array<i32>} : memref<25x8x128xf32, #tpu.memory_space<vmem>>, vector<16xf32>,
          %swap3A_261 = arith.constant 1 : i32
          %swap3A_262 = arith.index_cast %scan3A_182 : i32 to index
          %swap3A_263 = arith.index_cast %swap3A_261 : i32 to index
          %swap3A_264 = arith.constant 48 : index
          %swap3A_265 = tpu.vector_load %arg10[%swap3A_262, %swap3A_263, %swap3A_264] {strides = array<i32>} : memref<25x8x128xf32, #tpu.memory_space<vmem>>, vector<16xf32>,
          tpu.vector_store %arg10[%swap3A_262, %swap3A_263, %swap3A_264], %gather3A_202 {strides = array<i32>} : memref<25x8x128xf32, #tpu.memory_space<vmem>>, vector<16xf32>,
          %swap3A_266 = arith.constant 1 : i32
          %swap3A_267 = arith.index_cast %scan3A_182 : i32 to index
          %swap3A_268 = arith.index_cast %swap3A_266 : i32 to index
          %swap3A_269 = arith.constant 64 : index
          %swap3A_270 = tpu.vector_load %arg10[%swap3A_267, %swap3A_268, %swap3A_269] {strides = array<i32>} : memref<25x8x128xf32, #tpu.memory_space<vmem>>, vector<16xf32>,
          tpu.vector_store %arg10[%swap3A_267, %swap3A_268, %swap3A_269], %gather3A_203 {strides = array<i32>} : memref<25x8x128xf32, #tpu.memory_space<vmem>>, vector<16xf32>,
          %swap3A_271 = arith.constant 1 : i32
          %swap3A_272 = arith.index_cast %scan3A_182 : i32 to index
          %swap3A_273 = arith.index_cast %swap3A_271 : i32 to index
          %swap3A_274 = arith.constant 80 : index
          %swap3A_275 = tpu.vector_load %arg10[%swap3A_272, %swap3A_273, %swap3A_274] {strides = array<i32>} : memref<25x8x128xf32, #tpu.memory_space<vmem>>, vector<16xf32>,
          tpu.vector_store %arg10[%swap3A_272, %swap3A_273, %swap3A_274], %gather3A_204 {strides = array<i32>} : memref<25x8x128xf32, #tpu.memory_space<vmem>>, vector<16xf32>,
          %swap3A_276 = arith.constant 1 : i32
          %swap3A_277 = arith.index_cast %scan3A_182 : i32 to index
          %swap3A_278 = arith.index_cast %swap3A_276 : i32 to index
          %swap3A_279 = arith.constant 96 : index
          %swap3A_280 = tpu.vector_load %arg10[%swap3A_277, %swap3A_278, %swap3A_279] {strides = array<i32>} : memref<25x8x128xf32, #tpu.memory_space<vmem>>, vector<16xf32>,
          tpu.vector_store %arg10[%swap3A_277, %swap3A_278, %swap3A_279], %gather3A_205 {strides = array<i32>} : memref<25x8x128xf32, #tpu.memory_space<vmem>>, vector<16xf32>,
          %swap3A_281 = arith.constant 1 : i32
          %swap3A_282 = arith.index_cast %scan3A_182 : i32 to index
          %swap3A_283 = arith.index_cast %swap3A_281 : i32 to index
          %swap3A_284 = arith.constant 112 : index
          %swap3A_285 = tpu.vector_load %arg10[%swap3A_282, %swap3A_283, %swap3A_284] {strides = array<i32>} : memref<25x8x128xf32, #tpu.memory_space<vmem>>, vector<16xf32>,
          tpu.vector_store %arg10[%swap3A_282, %swap3A_283, %swap3A_284], %gather3A_206 {strides = array<i32>} : memref<25x8x128xf32, #tpu.memory_space<vmem>>, vector<16xf32>,
          %mul3A_286 = arith.constant 8 : i32
          %mul3A_287 = arith.muli %scan3A_182, %mul3A_286 : i32
          %add3A_288 = arith.constant 2 : i32
          %add3A_289 = arith.addi %mul3A_287, %add3A_288 : i32
          %broadcast_in_dim3A_290 = vector.broadcast %add3A_289 : i32 to vector<16xi32>
          %gather3A_291 = tpu.vector_load_idx %arg8[%add3A_26, %broadcast_in_dim3A_290] : memref<128x200xf32, #tpu.memory_space<vmem>>[vector<16xi32>, vector<16xi32>], vector<16xf32>,
          %gather3A_292 = tpu.vector_load_idx %arg8[%add3A_30, %broadcast_in_dim3A_290] : memref<128x200xf32, #tpu.memory_space<vmem>>[vector<16xi32>, vector<16xi32>], vector<16xf32>,
          %gather3A_293 = tpu.vector_load_idx %arg8[%add3A_34, %broadcast_in_dim3A_290] : memref<128x200xf32, #tpu.memory_space<vmem>>[vector<16xi32>, vector<16xi32>], vector<16xf32>,
          %gather3A_294 = tpu.vector_load_idx %arg8[%add3A_38, %broadcast_in_dim3A_290] : memref<128x200xf32, #tpu.memory_space<vmem>>[vector<16xi32>, vector<16xi32>], vector<16xf32>,
          %gather3A_295 = tpu.vector_load_idx %arg8[%add3A_42, %broadcast_in_dim3A_290] : memref<128x200xf32, #tpu.memory_space<vmem>>[vector<16xi32>, vector<16xi32>], vector<16xf32>,
          %gather3A_296 = tpu.vector_load_idx %arg8[%add3A_46, %broadcast_in_dim3A_290] : memref<128x200xf32, #tpu.memory_space<vmem>>[vector<16xi32>, vector<16xi32>], vector<16xf32>,
          %gather3A_297 = tpu.vector_load_idx %arg8[%add3A_50, %broadcast_in_dim3A_290] : memref<128x200xf32, #tpu.memory_space<vmem>>[vector<16xi32>, vector<16xi32>], vector<16xf32>,
          %gather3A_298 = tpu.vector_load_idx %arg8[%add3A_54, %broadcast_in_dim3A_290] : memref<128x200xf32, #tpu.memory_space<vmem>>[vector<16xi32>, vector<16xi32>], vector<16xf32>,
          %mul3A_299 = arith.constant 8 : i32
          %mul3A_300 = arith.muli %scan3A_182, %mul3A_299 : i32
          %add3A_301 = arith.constant 3 : i32
          %add3A_302 = arith.addi %mul3A_300, %add3A_301 : i32
          %broadcast_in_dim3A_303 = vector.broadcast %add3A_302 : i32 to vector<16xi32>
          %gather3A_304 = tpu.vector_load_idx %arg8[%add3A_26, %broadcast_in_dim3A_303] : memref<128x200xf32, #tpu.memory_space<vmem>>[vector<16xi32>, vector<16xi32>], vector<16xf32>,
          %gather3A_305 = tpu.vector_load_idx %arg8[%add3A_30, %broadcast_in_dim3A_303] : memref<128x200xf32, #tpu.memory_space<vmem>>[vector<16xi32>, vector<16xi32>], vector<16xf32>,
          %gather3A_306 = tpu.vector_load_idx %arg8[%add3A_34, %broadcast_in_dim3A_303] : memref<128x200xf32, #tpu.memory_space<vmem>>[vector<16xi32>, vector<16xi32>], vector<16xf32>,
          %gather3A_307 = tpu.vector_load_idx %arg8[%add3A_38, %broadcast_in_dim3A_303] : memref<128x200xf32, #tpu.memory_space<vmem>>[vector<16xi32>, vector<16xi32>], vector<16xf32>,
          %gather3A_308 = tpu.vector_load_idx %arg8[%add3A_42, %broadcast_in_dim3A_303] : memref<128x200xf32, #tpu.memory_space<vmem>>[vector<16xi32>, vector<16xi32>], vector<16xf32>,
          %gather3A_309 = tpu.vector_load_idx %arg8[%add3A_46, %broadcast_in_dim3A_303] : memref<128x200xf32, #tpu.memory_space<vmem>>[vector<16xi32>, vector<16xi32>], vector<16xf32>,
          %gather3A_310 = tpu.vector_load_idx %arg8[%add3A_50, %broadcast_in_dim3A_303] : memref<128x200xf32, #tpu.memory_space<vmem>>[vector<16xi32>, vector<16xi32>], vector<16xf32>,
          %gather3A_311 = tpu.vector_load_idx %arg8[%add3A_54, %broadcast_in_dim3A_303] : memref<128x200xf32, #tpu.memory_space<vmem>>[vector<16xi32>, vector<16xi32>], vector<16xf32>,
          %swap3A_312 = arith.constant 2 : i32
          %swap3A_313 = arith.index_cast %scan3A_182 : i32 to index
          %swap3A_314 = arith.index_cast %swap3A_312 : i32 to index
          %swap3A_315 = arith.constant 0 : index
          %swap3A_316 = tpu.vector_load %arg10[%swap3A_313, %swap3A_314, %swap3A_315] {strides = array<i32>} : memref<25x8x128xf32, #tpu.memory_space<vmem>>, vector<16xf32>,
          tpu.vector_store %arg10[%swap3A_313, %swap3A_314, %swap3A_315], %gather3A_291 {strides = array<i32>} : memref<25x8x128xf32, #tpu.memory_space<vmem>>, vector<16xf32>,
          %swap3A_317 = arith.constant 2 : i32
          %swap3A_318 = arith.index_cast %scan3A_182 : i32 to index
          %swap3A_319 = arith.index_cast %swap3A_317 : i32 to index
          %swap3A_320 = arith.constant 16 : index
          %swap3A_321 = tpu.vector_load %arg10[%swap3A_318, %swap3A_319, %swap3A_320] {strides = array<i32>} : memref<25x8x128xf32, #tpu.memory_space<vmem>>, vector<16xf32>,
          tpu.vector_store %arg10[%swap3A_318, %swap3A_319, %swap3A_320], %gather3A_292 {strides = array<i32>} : memref<25x8x128xf32, #tpu.memory_space<vmem>>, vector<16xf32>,
          %swap3A_322 = arith.constant 2 : i32
          %swap3A_323 = arith.index_cast %scan3A_182 : i32 to index
          %swap3A_324 = arith.index_cast %swap3A_322 : i32 to index
          %swap3A_325 = arith.constant 32 : index
          %swap3A_326 = tpu.vector_load %arg10[%swap3A_323, %swap3A_324, %swap3A_325] {strides = array<i32>} : memref<25x8x128xf32, #tpu.memory_space<vmem>>, vector<16xf32>,
          tpu.vector_store %arg10[%swap3A_323, %swap3A_324, %swap3A_325], %gather3A_293 {strides = array<i32>} : memref<25x8x128xf32, #tpu.memory_space<vmem>>, vector<16xf32>,
          %swap3A_327 = arith.constant 2 : i32
          %swap3A_328 = arith.index_cast %scan3A_182 : i32 to index
          %swap3A_329 = arith.index_cast %swap3A_327 : i32 to index
          %swap3A_330 = arith.constant 48 : index
          %swap3A_331 = tpu.vector_load %arg10[%swap3A_328, %swap3A_329, %swap3A_330] {strides = array<i32>} : memref<25x8x128xf32, #tpu.memory_space<vmem>>, vector<16xf32>,
          tpu.vector_store %arg10[%swap3A_328, %swap3A_329, %swap3A_330], %gather3A_294 {strides = array<i32>} : memref<25x8x128xf32, #tpu.memory_space<vmem>>, vector<16xf32>,
          %swap3A_332 = arith.constant 2 : i32
          %swap3A_333 = arith.index_cast %scan3A_182 : i32 to index
          %swap3A_334 = arith.index_cast %swap3A_332 : i32 to index
          %swap3A_335 = arith.constant 64 : index
          %swap3A_336 = tpu.vector_load %arg10[%swap3A_333, %swap3A_334, %swap3A_335] {strides = array<i32>} : memref<25x8x128xf32, #tpu.memory_space<vmem>>, vector<16xf32>,
          tpu.vector_store %arg10[%swap3A_333, %swap3A_334, %swap3A_335], %gather3A_295 {strides = array<i32>} : memref<25x8x128xf32, #tpu.memory_space<vmem>>, vector<16xf32>,
          %swap3A_337 = arith.constant 2 : i32
          %swap3A_338 = arith.index_cast %scan3A_182 : i32 to index
          %swap3A_339 = arith.index_cast %swap3A_337 : i32 to index
          %swap3A_340 = arith.constant 80 : index
          %swap3A_341 = tpu.vector_load %arg10[%swap3A_338, %swap3A_339, %swap3A_340] {strides = array<i32>} : memref<25x8x128xf32, #tpu.memory_space<vmem>>, vector<16xf32>,
          tpu.vector_store %arg10[%swap3A_338, %swap3A_339, %swap3A_340], %gather3A_296 {strides = array<i32>} : memref<25x8x128xf32, #tpu.memory_space<vmem>>, vector<16xf32>,
          %swap3A_342 = arith.constant 2 : i32
          %swap3A_343 = arith.index_cast %scan3A_182 : i32 to index
          %swap3A_344 = arith.index_cast %swap3A_342 : i32 to index
          %swap3A_345 = arith.constant 96 : index
          %swap3A_346 = tpu.vector_load %arg10[%swap3A_343, %swap3A_344, %swap3A_345] {strides = array<i32>} : memref<25x8x128xf32, #tpu.memory_space<vmem>>, vector<16xf32>,
          tpu.vector_store %arg10[%swap3A_343, %swap3A_344, %swap3A_345], %gather3A_297 {strides = array<i32>} : memref<25x8x128xf32, #tpu.memory_space<vmem>>, vector<16xf32>,
          %swap3A_347 = arith.constant 2 : i32
          %swap3A_348 = arith.index_cast %scan3A_182 : i32 to index
          %swap3A_349 = arith.index_cast %swap3A_347 : i32 to index
          %swap3A_350 = arith.constant 112 : index
          %swap3A_351 = tpu.vector_load %arg10[%swap3A_348, %swap3A_349, %swap3A_350] {strides = array<i32>} : memref<25x8x128xf32, #tpu.memory_space<vmem>>, vector<16xf32>,
          tpu.vector_store %arg10[%swap3A_348, %swap3A_349, %swap3A_350], %gather3A_298 {strides = array<i32>} : memref<25x8x128xf32, #tpu.memory_space<vmem>>, vector<16xf32>,
          %swap3A_352 = arith.constant 3 : i32
          %swap3A_353 = arith.index_cast %scan3A_182 : i32 to index
          %swap3A_354 = arith.index_cast %swap3A_352 : i32 to index
          %swap3A_355 = arith.constant 0 : index
          %swap3A_356 = tpu.vector_load %arg10[%swap3A_353, %swap3A_354, %swap3A_355] {strides = array<i32>} : memref<25x8x128xf32, #tpu.memory_space<vmem>>, vector<16xf32>,
          tpu.vector_store %arg10[%swap3A_353, %swap3A_354, %swap3A_355], %gather3A_304 {strides = array<i32>} : memref<25x8x128xf32, #tpu.memory_space<vmem>>, vector<16xf32>,
          %swap3A_357 = arith.constant 3 : i32
          %swap3A_358 = arith.index_cast %scan3A_182 : i32 to index
          %swap3A_359 = arith.index_cast %swap3A_357 : i32 to index
          %swap3A_360 = arith.constant 16 : index
          %swap3A_361 = tpu.vector_load %arg10[%swap3A_358, %swap3A_359, %swap3A_360] {strides = array<i32>} : memref<25x8x128xf32, #tpu.memory_space<vmem>>, vector<16xf32>,
          tpu.vector_store %arg10[%swap3A_358, %swap3A_359, %swap3A_360], %gather3A_305 {strides = array<i32>} : memref<25x8x128xf32, #tpu.memory_space<vmem>>, vector<16xf32>,
          %swap3A_362 = arith.constant 3 : i32
          %swap3A_363 = arith.index_cast %scan3A_182 : i32 to index
          %swap3A_364 = arith.index_cast %swap3A_362 : i32 to index
          %swap3A_365 = arith.constant 32 : index
          %swap3A_366 = tpu.vector_load %arg10[%swap3A_363, %swap3A_364, %swap3A_365] {strides = array<i32>} : memref<25x8x128xf32, #tpu.memory_space<vmem>>, vector<16xf32>,
          tpu.vector_store %arg10[%swap3A_363, %swap3A_364, %swap3A_365], %gather3A_306 {strides = array<i32>} : memref<25x8x128xf32, #tpu.memory_space<vmem>>, vector<16xf32>,
          %swap3A_367 = arith.constant 3 : i32
          %swap3A_368 = arith.index_cast %scan3A_182 : i32 to index
          %swap3A_369 = arith.index_cast %swap3A_367 : i32 to index
          %swap3A_370 = arith.constant 48 : index
          %swap3A_371 = tpu.vector_load %arg10[%swap3A_368, %swap3A_369, %swap3A_370] {strides = array<i32>} : memref<25x8x128xf32, #tpu.memory_space<vmem>>, vector<16xf32>,
          tpu.vector_store %arg10[%swap3A_368, %swap3A_369, %swap3A_370], %gather3A_307 {strides = array<i32>} : memref<25x8x128xf32, #tpu.memory_space<vmem>>, vector<16xf32>,
          %swap3A_372 = arith.constant 3 : i32
          %swap3A_373 = arith.index_cast %scan3A_182 : i32 to index
          %swap3A_374 = arith.index_cast %swap3A_372 : i32 to index
          %swap3A_375 = arith.constant 64 : index
          %swap3A_376 = tpu.vector_load %arg10[%swap3A_373, %swap3A_374, %swap3A_375] {strides = array<i32>} : memref<25x8x128xf32, #tpu.memory_space<vmem>>, vector<16xf32>,
          tpu.vector_store %arg10[%swap3A_373, %swap3A_374, %swap3A_375], %gather3A_308 {strides = array<i32>} : memref<25x8x128xf32, #tpu.memory_space<vmem>>, vector<16xf32>,
          %swap3A_377 = arith.constant 3 : i32
          %swap3A_378 = arith.index_cast %scan3A_182 : i32 to index
          %swap3A_379 = arith.index_cast %swap3A_377 : i32 to index
          %swap3A_380 = arith.constant 80 : index
          %swap3A_381 = tpu.vector_load %arg10[%swap3A_378, %swap3A_379, %swap3A_380] {strides = array<i32>} : memref<25x8x128xf32, #tpu.memory_space<vmem>>, vector<16xf32>,
          tpu.vector_store %arg10[%swap3A_378, %swap3A_379, %swap3A_380], %gather3A_309 {strides = array<i32>} : memref<25x8x128xf32, #tpu.memory_space<vmem>>, vector<16xf32>,
          %swap3A_382 = arith.constant 3 : i32
          %swap3A_383 = arith.index_cast %scan3A_182 : i32 to index
          %swap3A_384 = arith.index_cast %swap3A_382 : i32 to index
          %swap3A_385 = arith.constant 96 : index
          %swap3A_386 = tpu.vector_load %arg10[%swap3A_383, %swap3A_384, %swap3A_385] {strides = array<i32>} : memref<25x8x128xf32, #tpu.memory_space<vmem>>, vector<16xf32>,
          tpu.vector_store %arg10[%swap3A_383, %swap3A_384, %swap3A_385], %gather3A_310 {strides = array<i32>} : memref<25x8x128xf32, #tpu.memory_space<vmem>>, vector<16xf32>,
          %swap3A_387 = arith.constant 3 : i32
          %swap3A_388 = arith.index_cast %scan3A_182 : i32 to index
          %swap3A_389 = arith.index_cast %swap3A_387 : i32 to index
          %swap3A_390 = arith.constant 112 : index
          %swap3A_391 = tpu.vector_load %arg10[%swap3A_388, %swap3A_389, %swap3A_390] {strides = array<i32>} : memref<25x8x128xf32, #tpu.memory_space<vmem>>, vector<16xf32>,
          tpu.vector_store %arg10[%swap3A_388, %swap3A_389, %swap3A_390], %gather3A_311 {strides = array<i32>} : memref<25x8x128xf32, #tpu.memory_space<vmem>>, vector<16xf32>,
          %mul3A_392 = arith.constant 8 : i32
          %mul3A_393 = arith.muli %scan3A_182, %mul3A_392 : i32
          %add3A_394 = arith.constant 4 : i32
          %add3A_395 = arith.addi %mul3A_393, %add3A_394 : i32
          %broadcast_in_dim3A_396 = vector.broadcast %add3A_395 : i32 to vector<16xi32>
          %gather3A_397 = tpu.vector_load_idx %arg8[%add3A_26, %broadcast_in_dim3A_396] : memref<128x200xf32, #tpu.memory_space<vmem>>[vector<16xi32>, vector<16xi32>], vector<16xf32>,
          %gather3A_398 = tpu.vector_load_idx %arg8[%add3A_30, %broadcast_in_dim3A_396] : memref<128x200xf32, #tpu.memory_space<vmem>>[vector<16xi32>, vector<16xi32>], vector<16xf32>,
          %gather3A_399 = tpu.vector_load_idx %arg8[%add3A_34, %broadcast_in_dim3A_396] : memref<128x200xf32, #tpu.memory_space<vmem>>[vector<16xi32>, vector<16xi32>], vector<16xf32>,
          %gather3A_400 = tpu.vector_load_idx %arg8[%add3A_38, %broadcast_in_dim3A_396] : memref<128x200xf32, #tpu.memory_space<vmem>>[vector<16xi32>, vector<16xi32>], vector<16xf32>,
          %gather3A_401 = tpu.vector_load_idx %arg8[%add3A_42, %broadcast_in_dim3A_396] : memref<128x200xf32, #tpu.memory_space<vmem>>[vector<16xi32>, vector<16xi32>], vector<16xf32>,
          %gather3A_402 = tpu.vector_load_idx %arg8[%add3A_46, %broadcast_in_dim3A_396] : memref<128x200xf32, #tpu.memory_space<vmem>>[vector<16xi32>, vector<16xi32>], vector<16xf32>,
          %gather3A_403 = tpu.vector_load_idx %arg8[%add3A_50, %broadcast_in_dim3A_396] : memref<128x200xf32, #tpu.memory_space<vmem>>[vector<16xi32>, vector<16xi32>], vector<16xf32>,
          %gather3A_404 = tpu.vector_load_idx %arg8[%add3A_54, %broadcast_in_dim3A_396] : memref<128x200xf32, #tpu.memory_space<vmem>>[vector<16xi32>, vector<16xi32>], vector<16xf32>,
          %mul3A_405 = arith.constant 8 : i32
          %mul3A_406 = arith.muli %scan3A_182, %mul3A_405 : i32
          %add3A_407 = arith.constant 5 : i32
          %add3A_408 = arith.addi %mul3A_406, %add3A_407 : i32
          %broadcast_in_dim3A_409 = vector.broadcast %add3A_408 : i32 to vector<16xi32>
          %gather3A_410 = tpu.vector_load_idx %arg8[%add3A_26, %broadcast_in_dim3A_409] : memref<128x200xf32, #tpu.memory_space<vmem>>[vector<16xi32>, vector<16xi32>], vector<16xf32>,
          %gather3A_411 = tpu.vector_load_idx %arg8[%add3A_30, %broadcast_in_dim3A_409] : memref<128x200xf32, #tpu.memory_space<vmem>>[vector<16xi32>, vector<16xi32>], vector<16xf32>,
          %gather3A_412 = tpu.vector_load_idx %arg8[%add3A_34, %broadcast_in_dim3A_409] : memref<128x200xf32, #tpu.memory_space<vmem>>[vector<16xi32>, vector<16xi32>], vector<16xf32>,
          %gather3A_413 = tpu.vector_load_idx %arg8[%add3A_38, %broadcast_in_dim3A_409] : memref<128x200xf32, #tpu.memory_space<vmem>>[vector<16xi32>, vector<16xi32>], vector<16xf32>,
          %gather3A_414 = tpu.vector_load_idx %arg8[%add3A_42, %broadcast_in_dim3A_409] : memref<128x200xf32, #tpu.memory_space<vmem>>[vector<16xi32>, vector<16xi32>], vector<16xf32>,
          %gather3A_415 = tpu.vector_load_idx %arg8[%add3A_46, %broadcast_in_dim3A_409] : memref<128x200xf32, #tpu.memory_space<vmem>>[vector<16xi32>, vector<16xi32>], vector<16xf32>,
          %gather3A_416 = tpu.vector_load_idx %arg8[%add3A_50, %broadcast_in_dim3A_409] : memref<128x200xf32, #tpu.memory_space<vmem>>[vector<16xi32>, vector<16xi32>], vector<16xf32>,
          %gather3A_417 = tpu.vector_load_idx %arg8[%add3A_54, %broadcast_in_dim3A_409] : memref<128x200xf32, #tpu.memory_space<vmem>>[vector<16xi32>, vector<16xi32>], vector<16xf32>,
          %swap3A_418 = arith.constant 4 : i32
          %swap3A_419 = arith.index_cast %scan3A_182 : i32 to index
          %swap3A_420 = arith.index_cast %swap3A_418 : i32 to index
          %swap3A_421 = arith.constant 0 : index
          %swap3A_422 = tpu.vector_load %arg10[%swap3A_419, %swap3A_420, %swap3A_421] {strides = array<i32>} : memref<25x8x128xf32, #tpu.memory_space<vmem>>, vector<16xf32>,
          tpu.vector_store %arg10[%swap3A_419, %swap3A_420, %swap3A_421], %gather3A_397 {strides = array<i32>} : memref<25x8x128xf32, #tpu.memory_space<vmem>>, vector<16xf32>,
          %swap3A_423 = arith.constant 4 : i32
          %swap3A_424 = arith.index_cast %scan3A_182 : i32 to index
          %swap3A_425 = arith.index_cast %swap3A_423 : i32 to index
          %swap3A_426 = arith.constant 16 : index
          %swap3A_427 = tpu.vector_load %arg10[%swap3A_424, %swap3A_425, %swap3A_426] {strides = array<i32>} : memref<25x8x128xf32, #tpu.memory_space<vmem>>, vector<16xf32>,
          tpu.vector_store %arg10[%swap3A_424, %swap3A_425, %swap3A_426], %gather3A_398 {strides = array<i32>} : memref<25x8x128xf32, #tpu.memory_space<vmem>>, vector<16xf32>,
          %swap3A_428 = arith.constant 4 : i32
          %swap3A_429 = arith.index_cast %scan3A_182 : i32 to index
          %swap3A_430 = arith.index_cast %swap3A_428 : i32 to index
          %swap3A_431 = arith.constant 32 : index
          %swap3A_432 = tpu.vector_load %arg10[%swap3A_429, %swap3A_430, %swap3A_431] {strides = array<i32>} : memref<25x8x128xf32, #tpu.memory_space<vmem>>, vector<16xf32>,
          tpu.vector_store %arg10[%swap3A_429, %swap3A_430, %swap3A_431], %gather3A_399 {strides = array<i32>} : memref<25x8x128xf32, #tpu.memory_space<vmem>>, vector<16xf32>,
          %swap3A_433 = arith.constant 4 : i32
          %swap3A_434 = arith.index_cast %scan3A_182 : i32 to index
          %swap3A_435 = arith.index_cast %swap3A_433 : i32 to index
          %swap3A_436 = arith.constant 48 : index
          %swap3A_437 = tpu.vector_load %arg10[%swap3A_434, %swap3A_435, %swap3A_436] {strides = array<i32>} : memref<25x8x128xf32, #tpu.memory_space<vmem>>, vector<16xf32>,
          tpu.vector_store %arg10[%swap3A_434, %swap3A_435, %swap3A_436], %gather3A_400 {strides = array<i32>} : memref<25x8x128xf32, #tpu.memory_space<vmem>>, vector<16xf32>,
          %swap3A_438 = arith.constant 4 : i32
          %swap3A_439 = arith.index_cast %scan3A_182 : i32 to index
          %swap3A_440 = arith.index_cast %swap3A_438 : i32 to index
          %swap3A_441 = arith.constant 64 : index
          %swap3A_442 = tpu.vector_load %arg10[%swap3A_439, %swap3A_440, %swap3A_441] {strides = array<i32>} : memref<25x8x128xf32, #tpu.memory_space<vmem>>, vector<16xf32>,
          tpu.vector_store %arg10[%swap3A_439, %swap3A_440, %swap3A_441], %gather3A_401 {strides = array<i32>} : memref<25x8x128xf32, #tpu.memory_space<vmem>>, vector<16xf32>,
          %swap3A_443 = arith.constant 4 : i32
          %swap3A_444 = arith.index_cast %scan3A_182 : i32 to index
          %swap3A_445 = arith.index_cast %swap3A_443 : i32 to index
          %swap3A_446 = arith.constant 80 : index
          %swap3A_447 = tpu.vector_load %arg10[%swap3A_444, %swap3A_445, %swap3A_446] {strides = array<i32>} : memref<25x8x128xf32, #tpu.memory_space<vmem>>, vector<16xf32>,
          tpu.vector_store %arg10[%swap3A_444, %swap3A_445, %swap3A_446], %gather3A_402 {strides = array<i32>} : memref<25x8x128xf32, #tpu.memory_space<vmem>>, vector<16xf32>,
          %swap3A_448 = arith.constant 4 : i32
          %swap3A_449 = arith.index_cast %scan3A_182 : i32 to index
          %swap3A_450 = arith.index_cast %swap3A_448 : i32 to index
          %swap3A_451 = arith.constant 96 : index
          %swap3A_452 = tpu.vector_load %arg10[%swap3A_449, %swap3A_450, %swap3A_451] {strides = array<i32>} : memref<25x8x128xf32, #tpu.memory_space<vmem>>, vector<16xf32>,
          tpu.vector_store %arg10[%swap3A_449, %swap3A_450, %swap3A_451], %gather3A_403 {strides = array<i32>} : memref<25x8x128xf32, #tpu.memory_space<vmem>>, vector<16xf32>,
          %swap3A_453 = arith.constant 4 : i32
          %swap3A_454 = arith.index_cast %scan3A_182 : i32 to index
          %swap3A_455 = arith.index_cast %swap3A_453 : i32 to index
          %swap3A_456 = arith.constant 112 : index
          %swap3A_457 = tpu.vector_load %arg10[%swap3A_454, %swap3A_455, %swap3A_456] {strides = array<i32>} : memref<25x8x128xf32, #tpu.memory_space<vmem>>, vector<16xf32>,
          tpu.vector_store %arg10[%swap3A_454, %swap3A_455, %swap3A_456], %gather3A_404 {strides = array<i32>} : memref<25x8x128xf32, #tpu.memory_space<vmem>>, vector<16xf32>,
          %swap3A_458 = arith.constant 5 : i32
          %swap3A_459 = arith.index_cast %scan3A_182 : i32 to index
          %swap3A_460 = arith.index_cast %swap3A_458 : i32 to index
          %swap3A_461 = arith.constant 0 : index
          %swap3A_462 = tpu.vector_load %arg10[%swap3A_459, %swap3A_460, %swap3A_461] {strides = array<i32>} : memref<25x8x128xf32, #tpu.memory_space<vmem>>, vector<16xf32>,
          tpu.vector_store %arg10[%swap3A_459, %swap3A_460, %swap3A_461], %gather3A_410 {strides = array<i32>} : memref<25x8x128xf32, #tpu.memory_space<vmem>>, vector<16xf32>,
          %swap3A_463 = arith.constant 5 : i32
          %swap3A_464 = arith.index_cast %scan3A_182 : i32 to index
          %swap3A_465 = arith.index_cast %swap3A_463 : i32 to index
          %swap3A_466 = arith.constant 16 : index
          %swap3A_467 = tpu.vector_load %arg10[%swap3A_464, %swap3A_465, %swap3A_466] {strides = array<i32>} : memref<25x8x128xf32, #tpu.memory_space<vmem>>, vector<16xf32>,
          tpu.vector_store %arg10[%swap3A_464, %swap3A_465, %swap3A_466], %gather3A_411 {strides = array<i32>} : memref<25x8x128xf32, #tpu.memory_space<vmem>>, vector<16xf32>,
          %swap3A_468 = arith.constant 5 : i32
          %swap3A_469 = arith.index_cast %scan3A_182 : i32 to index
          %swap3A_470 = arith.index_cast %swap3A_468 : i32 to index
          %swap3A_471 = arith.constant 32 : index
          %swap3A_472 = tpu.vector_load %arg10[%swap3A_469, %swap3A_470, %swap3A_471] {strides = array<i32>} : memref<25x8x128xf32, #tpu.memory_space<vmem>>, vector<16xf32>,
          tpu.vector_store %arg10[%swap3A_469, %swap3A_470, %swap3A_471], %gather3A_412 {strides = array<i32>} : memref<25x8x128xf32, #tpu.memory_space<vmem>>, vector<16xf32>,
          %swap3A_473 = arith.constant 5 : i32
          %swap3A_474 = arith.index_cast %scan3A_182 : i32 to index
          %swap3A_475 = arith.index_cast %swap3A_473 : i32 to index
          %swap3A_476 = arith.constant 48 : index
          %swap3A_477 = tpu.vector_load %arg10[%swap3A_474, %swap3A_475, %swap3A_476] {strides = array<i32>} : memref<25x8x128xf32, #tpu.memory_space<vmem>>, vector<16xf32>,
          tpu.vector_store %arg10[%swap3A_474, %swap3A_475, %swap3A_476], %gather3A_413 {strides = array<i32>} : memref<25x8x128xf32, #tpu.memory_space<vmem>>, vector<16xf32>,
          %swap3A_478 = arith.constant 5 : i32
          %swap3A_479 = arith.index_cast %scan3A_182 : i32 to index
          %swap3A_480 = arith.index_cast %swap3A_478 : i32 to index
          %swap3A_481 = arith.constant 64 : index
          %swap3A_482 = tpu.vector_load %arg10[%swap3A_479, %swap3A_480, %swap3A_481] {strides = array<i32>} : memref<25x8x128xf32, #tpu.memory_space<vmem>>, vector<16xf32>,
          tpu.vector_store %arg10[%swap3A_479, %swap3A_480, %swap3A_481], %gather3A_414 {strides = array<i32>} : memref<25x8x128xf32, #tpu.memory_space<vmem>>, vector<16xf32>,
          %swap3A_483 = arith.constant 5 : i32
          %swap3A_484 = arith.index_cast %scan3A_182 : i32 to index
          %swap3A_485 = arith.index_cast %swap3A_483 : i32 to index
          %swap3A_486 = arith.constant 80 : index
          %swap3A_487 = tpu.vector_load %arg10[%swap3A_484, %swap3A_485, %swap3A_486] {strides = array<i32>} : memref<25x8x128xf32, #tpu.memory_space<vmem>>, vector<16xf32>,
          tpu.vector_store %arg10[%swap3A_484, %swap3A_485, %swap3A_486], %gather3A_415 {strides = array<i32>} : memref<25x8x128xf32, #tpu.memory_space<vmem>>, vector<16xf32>,
          %swap3A_488 = arith.constant 5 : i32
          %swap3A_489 = arith.index_cast %scan3A_182 : i32 to index
          %swap3A_490 = arith.index_cast %swap3A_488 : i32 to index
          %swap3A_491 = arith.constant 96 : index
          %swap3A_492 = tpu.vector_load %arg10[%swap3A_489, %swap3A_490, %swap3A_491] {strides = array<i32>} : memref<25x8x128xf32, #tpu.memory_space<vmem>>, vector<16xf32>,
          tpu.vector_store %arg10[%swap3A_489, %swap3A_490, %swap3A_491], %gather3A_416 {strides = array<i32>} : memref<25x8x128xf32, #tpu.memory_space<vmem>>, vector<16xf32>,
          %swap3A_493 = arith.constant 5 : i32
          %swap3A_494 = arith.index_cast %scan3A_182 : i32 to index
          %swap3A_495 = arith.index_cast %swap3A_493 : i32 to index
          %swap3A_496 = arith.constant 112 : index
          %swap3A_497 = tpu.vector_load %arg10[%swap3A_494, %swap3A_495, %swap3A_496] {strides = array<i32>} : memref<25x8x128xf32, #tpu.memory_space<vmem>>, vector<16xf32>,
          tpu.vector_store %arg10[%swap3A_494, %swap3A_495, %swap3A_496], %gather3A_417 {strides = array<i32>} : memref<25x8x128xf32, #tpu.memory_space<vmem>>, vector<16xf32>,
          %mul3A_498 = arith.constant 8 : i32
          %mul3A_499 = arith.muli %scan3A_182, %mul3A_498 : i32
          %add3A_500 = arith.constant 6 : i32
          %add3A_501 = arith.addi %mul3A_499, %add3A_500 : i32
          %broadcast_in_dim3A_502 = vector.broadcast %add3A_501 : i32 to vector<16xi32>
          %gather3A_503 = tpu.vector_load_idx %arg8[%add3A_26, %broadcast_in_dim3A_502] : memref<128x200xf32, #tpu.memory_space<vmem>>[vector<16xi32>, vector<16xi32>], vector<16xf32>,
          %gather3A_504 = tpu.vector_load_idx %arg8[%add3A_30, %broadcast_in_dim3A_502] : memref<128x200xf32, #tpu.memory_space<vmem>>[vector<16xi32>, vector<16xi32>], vector<16xf32>,
          %gather3A_505 = tpu.vector_load_idx %arg8[%add3A_34, %broadcast_in_dim3A_502] : memref<128x200xf32, #tpu.memory_space<vmem>>[vector<16xi32>, vector<16xi32>], vector<16xf32>,
          %gather3A_506 = tpu.vector_load_idx %arg8[%add3A_38, %broadcast_in_dim3A_502] : memref<128x200xf32, #tpu.memory_space<vmem>>[vector<16xi32>, vector<16xi32>], vector<16xf32>,
          %gather3A_507 = tpu.vector_load_idx %arg8[%add3A_42, %broadcast_in_dim3A_502] : memref<128x200xf32, #tpu.memory_space<vmem>>[vector<16xi32>, vector<16xi32>], vector<16xf32>,
          %gather3A_508 = tpu.vector_load_idx %arg8[%add3A_46, %broadcast_in_dim3A_502] : memref<128x200xf32, #tpu.memory_space<vmem>>[vector<16xi32>, vector<16xi32>], vector<16xf32>,
          %gather3A_509 = tpu.vector_load_idx %arg8[%add3A_50, %broadcast_in_dim3A_502] : memref<128x200xf32, #tpu.memory_space<vmem>>[vector<16xi32>, vector<16xi32>], vector<16xf32>,
          %gather3A_510 = tpu.vector_load_idx %arg8[%add3A_54, %broadcast_in_dim3A_502] : memref<128x200xf32, #tpu.memory_space<vmem>>[vector<16xi32>, vector<16xi32>], vector<16xf32>,
          %mul3A_511 = arith.constant 8 : i32
          %mul3A_512 = arith.muli %scan3A_182, %mul3A_511 : i32
          %add3A_513 = arith.constant 7 : i32
          %add3A_514 = arith.addi %mul3A_512, %add3A_513 : i32
          %broadcast_in_dim3A_515 = vector.broadcast %add3A_514 : i32 to vector<16xi32>
          %gather3A_516 = tpu.vector_load_idx %arg8[%add3A_26, %broadcast_in_dim3A_515] : memref<128x200xf32, #tpu.memory_space<vmem>>[vector<16xi32>, vector<16xi32>], vector<16xf32>,
          %gather3A_517 = tpu.vector_load_idx %arg8[%add3A_30, %broadcast_in_dim3A_515] : memref<128x200xf32, #tpu.memory_space<vmem>>[vector<16xi32>, vector<16xi32>], vector<16xf32>,
          %gather3A_518 = tpu.vector_load_idx %arg8[%add3A_34, %broadcast_in_dim3A_515] : memref<128x200xf32, #tpu.memory_space<vmem>>[vector<16xi32>, vector<16xi32>], vector<16xf32>,
          %gather3A_519 = tpu.vector_load_idx %arg8[%add3A_38, %broadcast_in_dim3A_515] : memref<128x200xf32, #tpu.memory_space<vmem>>[vector<16xi32>, vector<16xi32>], vector<16xf32>,
          %gather3A_520 = tpu.vector_load_idx %arg8[%add3A_42, %broadcast_in_dim3A_515] : memref<128x200xf32, #tpu.memory_space<vmem>>[vector<16xi32>, vector<16xi32>], vector<16xf32>,
          %gather3A_521 = tpu.vector_load_idx %arg8[%add3A_46, %broadcast_in_dim3A_515] : memref<128x200xf32, #tpu.memory_space<vmem>>[vector<16xi32>, vector<16xi32>], vector<16xf32>,
          %gather3A_522 = tpu.vector_load_idx %arg8[%add3A_50, %broadcast_in_dim3A_515] : memref<128x200xf32, #tpu.memory_space<vmem>>[vector<16xi32>, vector<16xi32>], vector<16xf32>,
          %gather3A_523 = tpu.vector_load_idx %arg8[%add3A_54, %broadcast_in_dim3A_515] : memref<128x200xf32, #tpu.memory_space<vmem>>[vector<16xi32>, vector<16xi32>], vector<16xf32>,
          %swap3A_524 = arith.constant 6 : i32
          %swap3A_525 = arith.index_cast %scan3A_182 : i32 to index
          %swap3A_526 = arith.index_cast %swap3A_524 : i32 to index
          %swap3A_527 = arith.constant 0 : index
          %swap3A_528 = tpu.vector_load %arg10[%swap3A_525, %swap3A_526, %swap3A_527] {strides = array<i32>} : memref<25x8x128xf32, #tpu.memory_space<vmem>>, vector<16xf32>,
          tpu.vector_store %arg10[%swap3A_525, %swap3A_526, %swap3A_527], %gather3A_503 {strides = array<i32>} : memref<25x8x128xf32, #tpu.memory_space<vmem>>, vector<16xf32>,
          %swap3A_529 = arith.constant 6 : i32
          %swap3A_530 = arith.index_cast %scan3A_182 : i32 to index
          %swap3A_531 = arith.index_cast %swap3A_529 : i32 to index
          %swap3A_532 = arith.constant 16 : index
          %swap3A_533 = tpu.vector_load %arg10[%swap3A_530, %swap3A_531, %swap3A_532] {strides = array<i32>} : memref<25x8x128xf32, #tpu.memory_space<vmem>>, vector<16xf32>,
          tpu.vector_store %arg10[%swap3A_530, %swap3A_531, %swap3A_532], %gather3A_504 {strides = array<i32>} : memref<25x8x128xf32, #tpu.memory_space<vmem>>, vector<16xf32>,
          %swap3A_534 = arith.constant 6 : i32
          %swap3A_535 = arith.index_cast %scan3A_182 : i32 to index
          %swap3A_536 = arith.index_cast %swap3A_534 : i32 to index
          %swap3A_537 = arith.constant 32 : index
          %swap3A_538 = tpu.vector_load %arg10[%swap3A_535, %swap3A_536, %swap3A_537] {strides = array<i32>} : memref<25x8x128xf32, #tpu.memory_space<vmem>>, vector<16xf32>,
          tpu.vector_store %arg10[%swap3A_535, %swap3A_536, %swap3A_537], %gather3A_505 {strides = array<i32>} : memref<25x8x128xf32, #tpu.memory_space<vmem>>, vector<16xf32>,
          %swap3A_539 = arith.constant 6 : i32
          %swap3A_540 = arith.index_cast %scan3A_182 : i32 to index
          %swap3A_541 = arith.index_cast %swap3A_539 : i32 to index
          %swap3A_542 = arith.constant 48 : index
          %swap3A_543 = tpu.vector_load %arg10[%swap3A_540, %swap3A_541, %swap3A_542] {strides = array<i32>} : memref<25x8x128xf32, #tpu.memory_space<vmem>>, vector<16xf32>,
          tpu.vector_store %arg10[%swap3A_540, %swap3A_541, %swap3A_542], %gather3A_506 {strides = array<i32>} : memref<25x8x128xf32, #tpu.memory_space<vmem>>, vector<16xf32>,
          %swap3A_544 = arith.constant 6 : i32
          %swap3A_545 = arith.index_cast %scan3A_182 : i32 to index
          %swap3A_546 = arith.index_cast %swap3A_544 : i32 to index
          %swap3A_547 = arith.constant 64 : index
          %swap3A_548 = tpu.vector_load %arg10[%swap3A_545, %swap3A_546, %swap3A_547] {strides = array<i32>} : memref<25x8x128xf32, #tpu.memory_space<vmem>>, vector<16xf32>,
          tpu.vector_store %arg10[%swap3A_545, %swap3A_546, %swap3A_547], %gather3A_507 {strides = array<i32>} : memref<25x8x128xf32, #tpu.memory_space<vmem>>, vector<16xf32>,
          %swap3A_549 = arith.constant 6 : i32
          %swap3A_550 = arith.index_cast %scan3A_182 : i32 to index
          %swap3A_551 = arith.index_cast %swap3A_549 : i32 to index
          %swap3A_552 = arith.constant 80 : index
          %swap3A_553 = tpu.vector_load %arg10[%swap3A_550, %swap3A_551, %swap3A_552] {strides = array<i32>} : memref<25x8x128xf32, #tpu.memory_space<vmem>>, vector<16xf32>,
          tpu.vector_store %arg10[%swap3A_550, %swap3A_551, %swap3A_552], %gather3A_508 {strides = array<i32>} : memref<25x8x128xf32, #tpu.memory_space<vmem>>, vector<16xf32>,
          %swap3A_554 = arith.constant 6 : i32
          %swap3A_555 = arith.index_cast %scan3A_182 : i32 to index
          %swap3A_556 = arith.index_cast %swap3A_554 : i32 to index
          %swap3A_557 = arith.constant 96 : index
          %swap3A_558 = tpu.vector_load %arg10[%swap3A_555, %swap3A_556, %swap3A_557] {strides = array<i32>} : memref<25x8x128xf32, #tpu.memory_space<vmem>>, vector<16xf32>,
          tpu.vector_store %arg10[%swap3A_555, %swap3A_556, %swap3A_557], %gather3A_509 {strides = array<i32>} : memref<25x8x128xf32, #tpu.memory_space<vmem>>, vector<16xf32>,
          %swap3A_559 = arith.constant 6 : i32
          %swap3A_560 = arith.index_cast %scan3A_182 : i32 to index
          %swap3A_561 = arith.index_cast %swap3A_559 : i32 to index
          %swap3A_562 = arith.constant 112 : index
          %swap3A_563 = tpu.vector_load %arg10[%swap3A_560, %swap3A_561, %swap3A_562] {strides = array<i32>} : memref<25x8x128xf32, #tpu.memory_space<vmem>>, vector<16xf32>,
          tpu.vector_store %arg10[%swap3A_560, %swap3A_561, %swap3A_562], %gather3A_510 {strides = array<i32>} : memref<25x8x128xf32, #tpu.memory_space<vmem>>, vector<16xf32>,
          %swap3A_564 = arith.constant 7 : i32
          %swap3A_565 = arith.index_cast %scan3A_182 : i32 to index
          %swap3A_566 = arith.index_cast %swap3A_564 : i32 to index
          %swap3A_567 = arith.constant 0 : index
          %swap3A_568 = tpu.vector_load %arg10[%swap3A_565, %swap3A_566, %swap3A_567] {strides = array<i32>} : memref<25x8x128xf32, #tpu.memory_space<vmem>>, vector<16xf32>,
          tpu.vector_store %arg10[%swap3A_565, %swap3A_566, %swap3A_567], %gather3A_516 {strides = array<i32>} : memref<25x8x128xf32, #tpu.memory_space<vmem>>, vector<16xf32>,
          %swap3A_569 = arith.constant 7 : i32
          %swap3A_570 = arith.index_cast %scan3A_182 : i32 to index
          %swap3A_571 = arith.index_cast %swap3A_569 : i32 to index
          %swap3A_572 = arith.constant 16 : index
          %swap3A_573 = tpu.vector_load %arg10[%swap3A_570, %swap3A_571, %swap3A_572] {strides = array<i32>} : memref<25x8x128xf32, #tpu.memory_space<vmem>>, vector<16xf32>,
          tpu.vector_store %arg10[%swap3A_570, %swap3A_571, %swap3A_572], %gather3A_517 {strides = array<i32>} : memref<25x8x128xf32, #tpu.memory_space<vmem>>, vector<16xf32>,
          %swap3A_574 = arith.constant 7 : i32
          %swap3A_575 = arith.index_cast %scan3A_182 : i32 to index
          %swap3A_576 = arith.index_cast %swap3A_574 : i32 to index
          %swap3A_577 = arith.constant 32 : index
          %swap3A_578 = tpu.vector_load %arg10[%swap3A_575, %swap3A_576, %swap3A_577] {strides = array<i32>} : memref<25x8x128xf32, #tpu.memory_space<vmem>>, vector<16xf32>,
          tpu.vector_store %arg10[%swap3A_575, %swap3A_576, %swap3A_577], %gather3A_518 {strides = array<i32>} : memref<25x8x128xf32, #tpu.memory_space<vmem>>, vector<16xf32>,
          %swap3A_579 = arith.constant 7 : i32
          %swap3A_580 = arith.index_cast %scan3A_182 : i32 to index
          %swap3A_581 = arith.index_cast %swap3A_579 : i32 to index
          %swap3A_582 = arith.constant 48 : index
          %swap3A_583 = tpu.vector_load %arg10[%swap3A_580, %swap3A_581, %swap3A_582] {strides = array<i32>} : memref<25x8x128xf32, #tpu.memory_space<vmem>>, vector<16xf32>,
          tpu.vector_store %arg10[%swap3A_580, %swap3A_581, %swap3A_582], %gather3A_519 {strides = array<i32>} : memref<25x8x128xf32, #tpu.memory_space<vmem>>, vector<16xf32>,
          %swap3A_584 = arith.constant 7 : i32
          %swap3A_585 = arith.index_cast %scan3A_182 : i32 to index
          %swap3A_586 = arith.index_cast %swap3A_584 : i32 to index
          %swap3A_587 = arith.constant 64 : index
          %swap3A_588 = tpu.vector_load %arg10[%swap3A_585, %swap3A_586, %swap3A_587] {strides = array<i32>} : memref<25x8x128xf32, #tpu.memory_space<vmem>>, vector<16xf32>,
          tpu.vector_store %arg10[%swap3A_585, %swap3A_586, %swap3A_587], %gather3A_520 {strides = array<i32>} : memref<25x8x128xf32, #tpu.memory_space<vmem>>, vector<16xf32>,
          %swap3A_589 = arith.constant 7 : i32
          %swap3A_590 = arith.index_cast %scan3A_182 : i32 to index
          %swap3A_591 = arith.index_cast %swap3A_589 : i32 to index
          %swap3A_592 = arith.constant 80 : index
          %swap3A_593 = tpu.vector_load %arg10[%swap3A_590, %swap3A_591, %swap3A_592] {strides = array<i32>} : memref<25x8x128xf32, #tpu.memory_space<vmem>>, vector<16xf32>,
          tpu.vector_store %arg10[%swap3A_590, %swap3A_591, %swap3A_592], %gather3A_521 {strides = array<i32>} : memref<25x8x128xf32, #tpu.memory_space<vmem>>, vector<16xf32>,
          %swap3A_594 = arith.constant 7 : i32
          %swap3A_595 = arith.index_cast %scan3A_182 : i32 to index
          %swap3A_596 = arith.index_cast %swap3A_594 : i32 to index
          %swap3A_597 = arith.constant 96 : index
          %swap3A_598 = tpu.vector_load %arg10[%swap3A_595, %swap3A_596, %swap3A_597] {strides = array<i32>} : memref<25x8x128xf32, #tpu.memory_space<vmem>>, vector<16xf32>,
          tpu.vector_store %arg10[%swap3A_595, %swap3A_596, %swap3A_597], %gather3A_522 {strides = array<i32>} : memref<25x8x128xf32, #tpu.memory_space<vmem>>, vector<16xf32>,
          %swap3A_599 = arith.constant 7 : i32
          %swap3A_600 = arith.index_cast %scan3A_182 : i32 to index
          %swap3A_601 = arith.index_cast %swap3A_599 : i32 to index
          %swap3A_602 = arith.constant 112 : index
          %swap3A_603 = tpu.vector_load %arg10[%swap3A_600, %swap3A_601, %swap3A_602] {strides = array<i32>} : memref<25x8x128xf32, #tpu.memory_space<vmem>>, vector<16xf32>,
          tpu.vector_store %arg10[%swap3A_600, %swap3A_601, %swap3A_602], %gather3A_523 {strides = array<i32>} : memref<25x8x128xf32, #tpu.memory_space<vmem>>, vector<16xf32>,
        }
        %scan3A_112 = arith.constant 25 : i32
        %jit3A_113 = arith.constant 5 : i32
        %div3A_114 = arith.divsi %add3A_84, %jit3A_113 : i32
        %sign3A_115 = arith.constant 0 : i32
        %sign3A_116 = arith.cmpi sgt, %add3A_84, %sign3A_115 : i32
        %sign3A_117 = arith.extui %sign3A_116 : i1 to i32
        %sign3A_118 = arith.constant 0 : i32
        %sign3A_119 = arith.cmpi slt, %add3A_84, %sign3A_118 : i32
        %sign3A_120 = arith.extui %sign3A_119 : i1 to i32
        %sign3A_121 = arith.subi %sign3A_117, %sign3A_120 : i32
        %sign3A_122 = arith.constant 0 : i32
        %sign3A_123 = arith.cmpi sgt, %jit3A_113, %sign3A_122 : i32
        %sign3A_124 = arith.extui %sign3A_123 : i1 to i32
        %sign3A_125 = arith.constant 0 : i32
        %sign3A_126 = arith.cmpi slt, %jit3A_113, %sign3A_125 : i32
        %sign3A_127 = arith.extui %sign3A_126 : i1 to i32
        %sign3A_128 = arith.subi %sign3A_124, %sign3A_127 : i32
        %ne3A_129 = arith.cmpi ne, %sign3A_121, %sign3A_128 : i32
        %rem3A_130 = arith.remsi %add3A_84, %jit3A_113 : i32
        %ne3A_131 = arith.constant 0 : i32
        %ne3A_132 = arith.cmpi ne, %rem3A_130, %ne3A_131 : i32
        %and3A_133 = arith.andi %ne3A_129, %ne3A_132 : i1
        %sub3A_134 = arith.constant 1 : i32
        %sub3A_135 = arith.subi %div3A_114, %sub3A_134 : i32
        %select_n3A_136 = arith.select %and3A_133, %sub3A_135, %div3A_114 : i32
        %mul3A_137 = arith.constant 5 : i32
        %mul3A_138 = arith.muli %select_n3A_136, %mul3A_137 : i32
        %sub3A_139 = arith.subi %add3A_84, %mul3A_138 : i32
        %jit3A_140 = arith.constant 8 : i32
        %div3A_141 = arith.divsi %select_n3A_136, %jit3A_140 : i32
        %sign3A_142 = arith.constant 0 : i32
        %sign3A_143 = arith.cmpi sgt, %select_n3A_136, %sign3A_142 : i32
        %sign3A_144 = arith.extui %sign3A_143 : i1 to i32
        %sign3A_145 = arith.constant 0 : i32
        %sign3A_146 = arith.cmpi slt, %select_n3A_136, %sign3A_145 : i32
        %sign3A_147 = arith.extui %sign3A_146 : i1 to i32
        %sign3A_148 = arith.subi %sign3A_144, %sign3A_147 : i32
        %sign3A_149 = arith.constant 0 : i32
        %sign3A_150 = arith.cmpi sgt, %jit3A_140, %sign3A_149 : i32
        %sign3A_151 = arith.extui %sign3A_150 : i1 to i32
        %sign3A_152 = arith.constant 0 : i32
        %sign3A_153 = arith.cmpi slt, %jit3A_140, %sign3A_152 : i32
        %sign3A_154 = arith.extui %sign3A_153 : i1 to i32
        %sign3A_155 = arith.subi %sign3A_151, %sign3A_154 : i32
        %ne3A_156 = arith.cmpi ne, %sign3A_148, %sign3A_155 : i32
        %rem3A_157 = arith.remsi %select_n3A_136, %jit3A_140 : i32
        %ne3A_158 = arith.constant 0 : i32
        %ne3A_159 = arith.cmpi ne, %rem3A_157, %ne3A_158 : i32
        %and3A_160 = arith.andi %ne3A_156, %ne3A_159 : i1
        %sub3A_161 = arith.constant 1 : i32
        %sub3A_162 = arith.subi %div3A_141, %sub3A_161 : i32
        %select_n3A_163 = arith.select %and3A_160, %sub3A_162, %div3A_141 : i32
        %mul3A_164 = arith.constant 8 : i32
        %mul3A_165 = arith.muli %select_n3A_163, %mul3A_164 : i32
        %sub3A_166 = arith.subi %select_n3A_136, %mul3A_165 : i32
        %mul3A_167 = arith.constant 25 : i32
        %mul3A_168 = arith.muli %sub3A_139, %mul3A_167 : i32
        %dma_start3A = arith.constant 0 : i32
        %dma_start3A_169 = arith.constant 0 : i32
        %dma_start3A_170 = tpu.memref_slice %arg4[%select_n3A_163, %mul3A_168, %sub3A_166, %dma_start3A, %dma_start3A_169] : memref<50x125x8x8x128xf32, #tpu.memory_space<hbm>> -> memref<1x25x1x8x128xf32, #tpu.memory_space<hbm>>
        %dma_start3A_171 = tpu.memref_squeeze %dma_start3A_170 : memref<1x25x1x8x128xf32, #tpu.memory_space<hbm>> -> memref<25x8x128xf32, #tpu.memory_space<hbm>>
        %dma_start3A_172 = arith.constant 0 : i32
        %dma_start3A_173 = arith.constant 0 : i32
        %dma_start3A_174 = tpu.memref_slice %arg4[%select_n3A_163, %mul3A_168, %sub3A_166, %dma_start3A_172, %dma_start3A_173] : memref<50x125x8x8x128xf32, #tpu.memory_space<hbm>> -> memref<1x25x1x8x128xf32, #tpu.memory_space<hbm>>
        %dma_start3A_175 = tpu.memref_squeeze %dma_start3A_174 : memref<1x25x1x8x128xf32, #tpu.memory_space<hbm>> -> memref<25x8x128xf32, #tpu.memory_space<hbm>>
        tpu.enqueue_dma source(%arg10 : memref<25x8x128xf32, #tpu.memory_space<vmem>>) target(%dma_start3A_175 : memref<25x8x128xf32, #tpu.memory_space<hbm>>) target_semaphore(%arg14 : memref<!tpu.dma_semaphore, #tpu.memory_space<semaphore_mem>>)
        %add3A_176 = arith.constant 2 : i32
        %add3A_177 = arith.addi %add3A_84, %add3A_176 : i32
        %lt3A_178 = arith.cmpi slt, %add3A_177, %min3A_5 : i32
        %convert_element_type3A_179 = arith.extui %lt3A_178 : i1 to i32
        %cond3A_180 = arith.constant 0 : i32
        %cond3A_181 = arith.cmpi ne, %convert_element_type3A_179, %cond3A_180 : i32
        scf.if %cond3A_181 {
          %add3A_182 = arith.constant 2 : i32
          %add3A_183 = arith.addi %add3A_84, %add3A_182 : i32
          %jit3A_184 = arith.constant 5 : i32
          %div3A_185 = arith.divsi %add3A_183, %jit3A_184 : i32
          %sign3A_186 = arith.constant 0 : i32
          %sign3A_187 = arith.cmpi sgt, %add3A_183, %sign3A_186 : i32
          %sign3A_188 = arith.extui %sign3A_187 : i1 to i32
          %sign3A_189 = arith.constant 0 : i32
          %sign3A_190 = arith.cmpi slt, %add3A_183, %sign3A_189 : i32
          %sign3A_191 = arith.extui %sign3A_190 : i1 to i32
          %sign3A_192 = arith.subi %sign3A_188, %sign3A_191 : i32
          %sign3A_193 = arith.constant 0 : i32
          %sign3A_194 = arith.cmpi sgt, %jit3A_184, %sign3A_193 : i32
          %sign3A_195 = arith.extui %sign3A_194 : i1 to i32
          %sign3A_196 = arith.constant 0 : i32
          %sign3A_197 = arith.cmpi slt, %jit3A_184, %sign3A_196 : i32
          %sign3A_198 = arith.extui %sign3A_197 : i1 to i32
          %sign3A_199 = arith.subi %sign3A_195, %sign3A_198 : i32
          %ne3A_200 = arith.cmpi ne, %sign3A_192, %sign3A_199 : i32
          %rem3A_201 = arith.remsi %add3A_183, %jit3A_184 : i32
          %ne3A_202 = arith.constant 0 : i32
          %ne3A_203 = arith.cmpi ne, %rem3A_201, %ne3A_202 : i32
          %and3A_204 = arith.andi %ne3A_200, %ne3A_203 : i1
          %sub3A_205 = arith.constant 1 : i32
          %sub3A_206 = arith.subi %div3A_185, %sub3A_205 : i32
          %select_n3A_207 = arith.select %and3A_204, %sub3A_206, %div3A_185 : i32
          %mul3A_208 = arith.constant 5 : i32
          %mul3A_209 = arith.muli %select_n3A_207, %mul3A_208 : i32
          %sub3A_210 = arith.subi %add3A_183, %mul3A_209 : i32
          %sub3A_211 = arith.subi %select_n3A_207, %min3A_23 : i32
          %get3A = arith.index_cast %sub3A_211 : i32 to index
          %get3A_212 = arith.constant 0 : index
          %get3A_213 = tpu.vector_load %arg5[%get3A, %get3A_212] {strides = array<i32>} : memref<14x128xi32, #tpu.memory_space<vmem>>, vector<16xi32>,
          %add3A_214 = vector.broadcast %sub3A_210 : i32 to vector<16xi32>
          %add3A_215 = arith.addi %get3A_213, %add3A_214 : vector<16xi32>
          %swap3A = arith.constant 0 : index
          %swap3A_216 = tpu.vector_load %arg6[%swap3A] {strides = array<i32>} : memref<128xi32, #tpu.memory_space<vmem>>, vector<16xi32>,
          tpu.vector_store %arg6[%swap3A], %add3A_215 {strides = array<i32>} : memref<128xi32, #tpu.memory_space<vmem>>, vector<16xi32>,
          %get3A_217 = arith.index_cast %sub3A_211 : i32 to index
          %get3A_218 = arith.constant 16 : index
          %get3A_219 = tpu.vector_load %arg5[%get3A_217, %get3A_218] {strides = array<i32>} : memref<14x128xi32, #tpu.memory_space<vmem>>, vector<16xi32>,
          %add3A_220 = vector.broadcast %sub3A_210 : i32 to vector<16xi32>
          %add3A_221 = arith.addi %get3A_219, %add3A_220 : vector<16xi32>
          %swap3A_222 = arith.constant 16 : index
          %swap3A_223 = tpu.vector_load %arg6[%swap3A_222] {strides = array<i32>} : memref<128xi32, #tpu.memory_space<vmem>>, vector<16xi32>,
          tpu.vector_store %arg6[%swap3A_222], %add3A_221 {strides = array<i32>} : memref<128xi32, #tpu.memory_space<vmem>>, vector<16xi32>,
          %get3A_224 = arith.index_cast %sub3A_211 : i32 to index
          %get3A_225 = arith.constant 32 : index
          %get3A_226 = tpu.vector_load %arg5[%get3A_224, %get3A_225] {strides = array<i32>} : memref<14x128xi32, #tpu.memory_space<vmem>>, vector<16xi32>,
          %add3A_227 = vector.broadcast %sub3A_210 : i32 to vector<16xi32>
          %add3A_228 = arith.addi %get3A_226, %add3A_227 : vector<16xi32>
          %swap3A_229 = arith.constant 32 : index
          %swap3A_230 = tpu.vector_load %arg6[%swap3A_229] {strides = array<i32>} : memref<128xi32, #tpu.memory_space<vmem>>, vector<16xi32>,
          tpu.vector_store %arg6[%swap3A_229], %add3A_228 {strides = array<i32>} : memref<128xi32, #tpu.memory_space<vmem>>, vector<16xi32>,
          %get3A_231 = arith.index_cast %sub3A_211 : i32 to index
          %get3A_232 = arith.constant 48 : index
          %get3A_233 = tpu.vector_load %arg5[%get3A_231, %get3A_232] {strides = array<i32>} : memref<14x128xi32, #tpu.memory_space<vmem>>, vector<16xi32>,
          %add3A_234 = vector.broadcast %sub3A_210 : i32 to vector<16xi32>
          %add3A_235 = arith.addi %get3A_233, %add3A_234 : vector<16xi32>
          %swap3A_236 = arith.constant 48 : index
          %swap3A_237 = tpu.vector_load %arg6[%swap3A_236] {strides = array<i32>} : memref<128xi32, #tpu.memory_space<vmem>>, vector<16xi32>,
          tpu.vector_store %arg6[%swap3A_236], %add3A_235 {strides = array<i32>} : memref<128xi32, #tpu.memory_space<vmem>>, vector<16xi32>,
          %get3A_238 = arith.index_cast %sub3A_211 : i32 to index
          %get3A_239 = arith.constant 64 : index
          %get3A_240 = tpu.vector_load %arg5[%get3A_238, %get3A_239] {strides = array<i32>} : memref<14x128xi32, #tpu.memory_space<vmem>>, vector<16xi32>,
          %add3A_241 = vector.broadcast %sub3A_210 : i32 to vector<16xi32>
          %add3A_242 = arith.addi %get3A_240, %add3A_241 : vector<16xi32>
          %swap3A_243 = arith.constant 64 : index
          %swap3A_244 = tpu.vector_load %arg6[%swap3A_243] {strides = array<i32>} : memref<128xi32, #tpu.memory_space<vmem>>, vector<16xi32>,
          tpu.vector_store %arg6[%swap3A_243], %add3A_242 {strides = array<i32>} : memref<128xi32, #tpu.memory_space<vmem>>, vector<16xi32>,
          %get3A_245 = arith.index_cast %sub3A_211 : i32 to index
          %get3A_246 = arith.constant 80 : index
          %get3A_247 = tpu.vector_load %arg5[%get3A_245, %get3A_246] {strides = array<i32>} : memref<14x128xi32, #tpu.memory_space<vmem>>, vector<16xi32>,
          %add3A_248 = vector.broadcast %sub3A_210 : i32 to vector<16xi32>
          %add3A_249 = arith.addi %get3A_247, %add3A_248 : vector<16xi32>
          %swap3A_250 = arith.constant 80 : index
          %swap3A_251 = tpu.vector_load %arg6[%swap3A_250] {strides = array<i32>} : memref<128xi32, #tpu.memory_space<vmem>>, vector<16xi32>,
          tpu.vector_store %arg6[%swap3A_250], %add3A_249 {strides = array<i32>} : memref<128xi32, #tpu.memory_space<vmem>>, vector<16xi32>,
          %get3A_252 = arith.index_cast %sub3A_211 : i32 to index
          %get3A_253 = arith.constant 96 : index
          %get3A_254 = tpu.vector_load %arg5[%get3A_252, %get3A_253] {strides = array<i32>} : memref<14x128xi32, #tpu.memory_space<vmem>>, vector<16xi32>,
          %add3A_255 = vector.broadcast %sub3A_210 : i32 to vector<16xi32>
          %add3A_256 = arith.addi %get3A_254, %add3A_255 : vector<16xi32>
          %swap3A_257 = arith.constant 96 : index
          %swap3A_258 = tpu.vector_load %arg6[%swap3A_257] {strides = array<i32>} : memref<128xi32, #tpu.memory_space<vmem>>, vector<16xi32>,
          tpu.vector_store %arg6[%swap3A_257], %add3A_256 {strides = array<i32>} : memref<128xi32, #tpu.memory_space<vmem>>, vector<16xi32>,
          %get3A_259 = arith.index_cast %sub3A_211 : i32 to index
          %get3A_260 = arith.constant 112 : index
          %get3A_261 = tpu.vector_load %arg5[%get3A_259, %get3A_260] {strides = array<i32>} : memref<14x128xi32, #tpu.memory_space<vmem>>, vector<16xi32>,
          %add3A_262 = vector.broadcast %sub3A_210 : i32 to vector<16xi32>
          %add3A_263 = arith.addi %get3A_261, %add3A_262 : vector<16xi32>
          %swap3A_264 = arith.constant 112 : index
          %swap3A_265 = tpu.vector_load %arg6[%swap3A_264] {strides = array<i32>} : memref<128xi32, #tpu.memory_space<vmem>>, vector<16xi32>,
          tpu.vector_store %arg6[%swap3A_264], %add3A_263 {strides = array<i32>} : memref<128xi32, #tpu.memory_space<vmem>>, vector<16xi32>,
          %dma_start3A_266 = arith.constant 0 : i32
          %dma_start3A_267 = arith.constant 0 : i32
          %dma_start3A_268 = tpu.memref_slice %arg3[%dma_start3A_266, %dma_start3A_267] : memref<5000x200xf32, #tpu.memory_space<hbm>> -> memref<5000x200xf32, #tpu.memory_space<hbm>>
          tpu.enqueue_indirect_dma source(%dma_start3A_268 : memref<5000x200xf32, #tpu.memory_space<hbm>>) target(%arg8 : memref<128x200xf32, #tpu.memory_space<vmem>>) offsets(%arg6 : memref<128xi32, #tpu.memory_space<vmem>>) semaphore(%arg12 : memref<!tpu.dma_semaphore, #tpu.memory_space<semaphore_mem>>)
        } else {
        }
      } else {
      }
      %mul3A_89 = arith.constant 2 : i32
      %mul3A_90 = arith.muli %mul3A_89, %scan3A_79 : i32
      %add3A_91 = arith.addi %mul3A_2, %mul3A_90 : i32
      %add3A_92 = arith.constant 1 : i32
      %add3A_93 = arith.addi %add3A_91, %add3A_92 : i32
      %lt3A_94 = arith.cmpi slt, %add3A_93, %min3A_5 : i32
      %convert_element_type3A_95 = arith.extui %lt3A_94 : i1 to i32
      %cond3A_96 = arith.constant 0 : i32
      %cond3A_97 = arith.cmpi ne, %convert_element_type3A_95, %cond3A_96 : i32
      scf.if %cond3A_97 {
        %gt3A = arith.constant 0 : i32
        %gt3A_98 = arith.cmpi sgt, %scan3A_79, %gt3A : i32
        %convert_element_type3A_99 = arith.extui %gt3A_98 : i1 to i32
        %cond3A_100 = arith.constant 0 : i32
        %cond3A_101 = arith.cmpi ne, %convert_element_type3A_99, %cond3A_100 : i32
        scf.if %cond3A_101 {
          %dma_wait3A_182 = arith.constant 0 : i32
          %dma_wait3A_183 = arith.constant 0 : i32
          %dma_wait3A_184 = arith.constant 0 : i32
          %dma_wait3A_185 = arith.constant 0 : i32
          %dma_wait3A_186 = arith.constant 0 : i32
          %dma_wait3A_187 = tpu.memref_slice %arg4[%dma_wait3A_182, %dma_wait3A_184, %dma_wait3A_183, %dma_wait3A_185, %dma_wait3A_186] : memref<50x125x8x8x128xf32, #tpu.memory_space<hbm>> -> memref<1x25x1x8x128xf32, #tpu.memory_space<hbm>>
          %dma_wait3A_188 = tpu.memref_squeeze %dma_wait3A_187 : memref<1x25x1x8x128xf32, #tpu.memory_space<hbm>> -> memref<25x8x128xf32, #tpu.memory_space<hbm>>
          %dma_wait3A_189 = arith.constant 0 : i32
          %dma_wait3A_190 = arith.constant 0 : i32
          %dma_wait3A_191 = arith.constant 0 : i32
          %dma_wait3A_192 = tpu.memref_slice %arg4[%dma_wait3A_182, %dma_wait3A_189, %dma_wait3A_183, %dma_wait3A_190, %dma_wait3A_191] : memref<50x125x8x8x128xf32, #tpu.memory_space<hbm>> -> memref<1x25x1x8x128xf32, #tpu.memory_space<hbm>>
          %dma_wait3A_193 = tpu.memref_squeeze %dma_wait3A_192 : memref<1x25x1x8x128xf32, #tpu.memory_space<hbm>> -> memref<25x8x128xf32, #tpu.memory_space<hbm>>
          tpu.wait_dma2 semaphore(%arg15 : memref<!tpu.dma_semaphore, #tpu.memory_space<semaphore_mem>>) src(%arg11 : memref<25x8x128xf32, #tpu.memory_space<vmem>>) dst(%dma_wait3A_193 : memref<25x8x128xf32, #tpu.memory_space<hbm>>)
        } else {
        }
        %dma_wait3A = arith.constant 0 : i32
        %dma_wait3A_102 = arith.constant 0 : i32
        %dma_wait3A_103 = tpu.memref_slice %arg3[%dma_wait3A, %dma_wait3A_102] : memref<5000x200xf32, #tpu.memory_space<hbm>> -> memref<128x200xf32, #tpu.memory_space<hbm>>
        %dma_wait3A_104 = arith.constant 0 : i32
        %dma_wait3A_105 = arith.constant 0 : i32
        %dma_wait3A_106 = tpu.memref_slice %arg3[%dma_wait3A_104, %dma_wait3A_105] : memref<5000x200xf32, #tpu.memory_space<hbm>> -> memref<128x200xf32, #tpu.memory_space<hbm>>
        tpu.wait_dma2 semaphore(%arg13 : memref<!tpu.dma_semaphore, #tpu.memory_space<semaphore_mem>>) src(%dma_wait3A_106 : memref<128x200xf32, #tpu.memory_space<hbm>>) dst(%arg9 : memref<128x200xf32, #tpu.memory_space<vmem>>)
        %scan3A_107 = arith.constant 0 : i32
        %scan3A_108 = arith.constant 0 : i32
        %scan3A_109 = arith.constant 25 : i32
        %scan3A_110 = arith.addi %scan3A_108, %scan3A_109 : i32
        %scan3A_111 = arith.constant 1 : i32
        scf.for %scan3A_182 = %scan3A_108 to %scan3A_110 step %scan3A_111  : i32 {
          %mul3A_183 = arith.constant 8 : i32
          %mul3A_184 = arith.muli %scan3A_182, %mul3A_183 : i32
          %add3A_185 = arith.constant 0 : i32
          %add3A_186 = arith.addi %mul3A_184, %add3A_185 : i32
          %broadcast_in_dim3A = vector.broadcast %add3A_186 : i32 to vector<16xi32>
          %gather3A = tpu.vector_load_idx %arg9[%add3A_26, %broadcast_in_dim3A] : memref<128x200xf32, #tpu.memory_space<vmem>>[vector<16xi32>, vector<16xi32>], vector<16xf32>,
          %gather3A_187 = tpu.vector_load_idx %arg9[%add3A_30, %broadcast_in_dim3A] : memref<128x200xf32, #tpu.memory_space<vmem>>[vector<16xi32>, vector<16xi32>], vector<16xf32>,
          %gather3A_188 = tpu.vector_load_idx %arg9[%add3A_34, %broadcast_in_dim3A] : memref<128x200xf32, #tpu.memory_space<vmem>>[vector<16xi32>, vector<16xi32>], vector<16xf32>,
          %gather3A_189 = tpu.vector_load_idx %arg9[%add3A_38, %broadcast_in_dim3A] : memref<128x200xf32, #tpu.memory_space<vmem>>[vector<16xi32>, vector<16xi32>], vector<16xf32>,
          %gather3A_190 = tpu.vector_load_idx %arg9[%add3A_42, %broadcast_in_dim3A] : memref<128x200xf32, #tpu.memory_space<vmem>>[vector<16xi32>, vector<16xi32>], vector<16xf32>,
          %gather3A_191 = tpu.vector_load_idx %arg9[%add3A_46, %broadcast_in_dim3A] : memref<128x200xf32, #tpu.memory_space<vmem>>[vector<16xi32>, vector<16xi32>], vector<16xf32>,
          %gather3A_192 = tpu.vector_load_idx %arg9[%add3A_50, %broadcast_in_dim3A] : memref<128x200xf32, #tpu.memory_space<vmem>>[vector<16xi32>, vector<16xi32>], vector<16xf32>,
          %gather3A_193 = tpu.vector_load_idx %arg9[%add3A_54, %broadcast_in_dim3A] : memref<128x200xf32, #tpu.memory_space<vmem>>[vector<16xi32>, vector<16xi32>], vector<16xf32>,
          %mul3A_194 = arith.constant 8 : i32
          %mul3A_195 = arith.muli %scan3A_182, %mul3A_194 : i32
          %add3A_196 = arith.constant 1 : i32
          %add3A_197 = arith.addi %mul3A_195, %add3A_196 : i32
          %broadcast_in_dim3A_198 = vector.broadcast %add3A_197 : i32 to vector<16xi32>
          %gather3A_199 = tpu.vector_load_idx %arg9[%add3A_26, %broadcast_in_dim3A_198] : memref<128x200xf32, #tpu.memory_space<vmem>>[vector<16xi32>, vector<16xi32>], vector<16xf32>,
          %gather3A_200 = tpu.vector_load_idx %arg9[%add3A_30, %broadcast_in_dim3A_198] : memref<128x200xf32, #tpu.memory_space<vmem>>[vector<16xi32>, vector<16xi32>], vector<16xf32>,
          %gather3A_201 = tpu.vector_load_idx %arg9[%add3A_34, %broadcast_in_dim3A_198] : memref<128x200xf32, #tpu.memory_space<vmem>>[vector<16xi32>, vector<16xi32>], vector<16xf32>,
          %gather3A_202 = tpu.vector_load_idx %arg9[%add3A_38, %broadcast_in_dim3A_198] : memref<128x200xf32, #tpu.memory_space<vmem>>[vector<16xi32>, vector<16xi32>], vector<16xf32>,
          %gather3A_203 = tpu.vector_load_idx %arg9[%add3A_42, %broadcast_in_dim3A_198] : memref<128x200xf32, #tpu.memory_space<vmem>>[vector<16xi32>, vector<16xi32>], vector<16xf32>,
          %gather3A_204 = tpu.vector_load_idx %arg9[%add3A_46, %broadcast_in_dim3A_198] : memref<128x200xf32, #tpu.memory_space<vmem>>[vector<16xi32>, vector<16xi32>], vector<16xf32>,
          %gather3A_205 = tpu.vector_load_idx %arg9[%add3A_50, %broadcast_in_dim3A_198] : memref<128x200xf32, #tpu.memory_space<vmem>>[vector<16xi32>, vector<16xi32>], vector<16xf32>,
          %gather3A_206 = tpu.vector_load_idx %arg9[%add3A_54, %broadcast_in_dim3A_198] : memref<128x200xf32, #tpu.memory_space<vmem>>[vector<16xi32>, vector<16xi32>], vector<16xf32>,
          %swap3A = arith.constant 0 : i32
          %swap3A_207 = arith.index_cast %scan3A_182 : i32 to index
          %swap3A_208 = arith.index_cast %swap3A : i32 to index
          %swap3A_209 = arith.constant 0 : index
          %swap3A_210 = tpu.vector_load %arg11[%swap3A_207, %swap3A_208, %swap3A_209] {strides = array<i32>} : memref<25x8x128xf32, #tpu.memory_space<vmem>>, vector<16xf32>,
          tpu.vector_store %arg11[%swap3A_207, %swap3A_208, %swap3A_209], %gather3A {strides = array<i32>} : memref<25x8x128xf32, #tpu.memory_space<vmem>>, vector<16xf32>,
          %swap3A_211 = arith.constant 0 : i32
          %swap3A_212 = arith.index_cast %scan3A_182 : i32 to index
          %swap3A_213 = arith.index_cast %swap3A_211 : i32 to index
          %swap3A_214 = arith.constant 16 : index
          %swap3A_215 = tpu.vector_load %arg11[%swap3A_212, %swap3A_213, %swap3A_214] {strides = array<i32>} : memref<25x8x128xf32, #tpu.memory_space<vmem>>, vector<16xf32>,
          tpu.vector_store %arg11[%swap3A_212, %swap3A_213, %swap3A_214], %gather3A_187 {strides = array<i32>} : memref<25x8x128xf32, #tpu.memory_space<vmem>>, vector<16xf32>,
          %swap3A_216 = arith.constant 0 : i32
          %swap3A_217 = arith.index_cast %scan3A_182 : i32 to index
          %swap3A_218 = arith.index_cast %swap3A_216 : i32 to index
          %swap3A_219 = arith.constant 32 : index
          %swap3A_220 = tpu.vector_load %arg11[%swap3A_217, %swap3A_218, %swap3A_219] {strides = array<i32>} : memref<25x8x128xf32, #tpu.memory_space<vmem>>, vector<16xf32>,
          tpu.vector_store %arg11[%swap3A_217, %swap3A_218, %swap3A_219], %gather3A_188 {strides = array<i32>} : memref<25x8x128xf32, #tpu.memory_space<vmem>>, vector<16xf32>,
          %swap3A_221 = arith.constant 0 : i32
          %swap3A_222 = arith.index_cast %scan3A_182 : i32 to index
          %swap3A_223 = arith.index_cast %swap3A_221 : i32 to index
          %swap3A_224 = arith.constant 48 : index
          %swap3A_225 = tpu.vector_load %arg11[%swap3A_222, %swap3A_223, %swap3A_224] {strides = array<i32>} : memref<25x8x128xf32, #tpu.memory_space<vmem>>, vector<16xf32>,
          tpu.vector_store %arg11[%swap3A_222, %swap3A_223, %swap3A_224], %gather3A_189 {strides = array<i32>} : memref<25x8x128xf32, #tpu.memory_space<vmem>>, vector<16xf32>,
          %swap3A_226 = arith.constant 0 : i32
          %swap3A_227 = arith.index_cast %scan3A_182 : i32 to index
          %swap3A_228 = arith.index_cast %swap3A_226 : i32 to index
          %swap3A_229 = arith.constant 64 : index
          %swap3A_230 = tpu.vector_load %arg11[%swap3A_227, %swap3A_228, %swap3A_229] {strides = array<i32>} : memref<25x8x128xf32, #tpu.memory_space<vmem>>, vector<16xf32>,
          tpu.vector_store %arg11[%swap3A_227, %swap3A_228, %swap3A_229], %gather3A_190 {strides = array<i32>} : memref<25x8x128xf32, #tpu.memory_space<vmem>>, vector<16xf32>,
          %swap3A_231 = arith.constant 0 : i32
          %swap3A_232 = arith.index_cast %scan3A_182 : i32 to index
          %swap3A_233 = arith.index_cast %swap3A_231 : i32 to index
          %swap3A_234 = arith.constant 80 : index
          %swap3A_235 = tpu.vector_load %arg11[%swap3A_232, %swap3A_233, %swap3A_234] {strides = array<i32>} : memref<25x8x128xf32, #tpu.memory_space<vmem>>, vector<16xf32>,
          tpu.vector_store %arg11[%swap3A_232, %swap3A_233, %swap3A_234], %gather3A_191 {strides = array<i32>} : memref<25x8x128xf32, #tpu.memory_space<vmem>>, vector<16xf32>,
          %swap3A_236 = arith.constant 0 : i32
          %swap3A_237 = arith.index_cast %scan3A_182 : i32 to index
          %swap3A_238 = arith.index_cast %swap3A_236 : i32 to index
          %swap3A_239 = arith.constant 96 : index
          %swap3A_240 = tpu.vector_load %arg11[%swap3A_237, %swap3A_238, %swap3A_239] {strides = array<i32>} : memref<25x8x128xf32, #tpu.memory_space<vmem>>, vector<16xf32>,
          tpu.vector_store %arg11[%swap3A_237, %swap3A_238, %swap3A_239], %gather3A_192 {strides = array<i32>} : memref<25x8x128xf32, #tpu.memory_space<vmem>>, vector<16xf32>,
          %swap3A_241 = arith.constant 0 : i32
          %swap3A_242 = arith.index_cast %scan3A_182 : i32 to index
          %swap3A_243 = arith.index_cast %swap3A_241 : i32 to index
          %swap3A_244 = arith.constant 112 : index
          %swap3A_245 = tpu.vector_load %arg11[%swap3A_242, %swap3A_243, %swap3A_244] {strides = array<i32>} : memref<25x8x128xf32, #tpu.memory_space<vmem>>, vector<16xf32>,
          tpu.vector_store %arg11[%swap3A_242, %swap3A_243, %swap3A_244], %gather3A_193 {strides = array<i32>} : memref<25x8x128xf32, #tpu.memory_space<vmem>>, vector<16xf32>,
          %swap3A_246 = arith.constant 1 : i32
          %swap3A_247 = arith.index_cast %scan3A_182 : i32 to index
          %swap3A_248 = arith.index_cast %swap3A_246 : i32 to index
          %swap3A_249 = arith.constant 0 : index
          %swap3A_250 = tpu.vector_load %arg11[%swap3A_247, %swap3A_248, %swap3A_249] {strides = array<i32>} : memref<25x8x128xf32, #tpu.memory_space<vmem>>, vector<16xf32>,
          tpu.vector_store %arg11[%swap3A_247, %swap3A_248, %swap3A_249], %gather3A_199 {strides = array<i32>} : memref<25x8x128xf32, #tpu.memory_space<vmem>>, vector<16xf32>,
          %swap3A_251 = arith.constant 1 : i32
          %swap3A_252 = arith.index_cast %scan3A_182 : i32 to index
          %swap3A_253 = arith.index_cast %swap3A_251 : i32 to index
          %swap3A_254 = arith.constant 16 : index
          %swap3A_255 = tpu.vector_load %arg11[%swap3A_252, %swap3A_253, %swap3A_254] {strides = array<i32>} : memref<25x8x128xf32, #tpu.memory_space<vmem>>, vector<16xf32>,
          tpu.vector_store %arg11[%swap3A_252, %swap3A_253, %swap3A_254], %gather3A_200 {strides = array<i32>} : memref<25x8x128xf32, #tpu.memory_space<vmem>>, vector<16xf32>,
          %swap3A_256 = arith.constant 1 : i32
          %swap3A_257 = arith.index_cast %scan3A_182 : i32 to index
          %swap3A_258 = arith.index_cast %swap3A_256 : i32 to index
          %swap3A_259 = arith.constant 32 : index
          %swap3A_260 = tpu.vector_load %arg11[%swap3A_257, %swap3A_258, %swap3A_259] {strides = array<i32>} : memref<25x8x128xf32, #tpu.memory_space<vmem>>, vector<16xf32>,
          tpu.vector_store %arg11[%swap3A_257, %swap3A_258, %swap3A_259], %gather3A_201 {strides = array<i32>} : memref<25x8x128xf32, #tpu.memory_space<vmem>>, vector<16xf32>,
          %swap3A_261 = arith.constant 1 : i32
          %swap3A_262 = arith.index_cast %scan3A_182 : i32 to index
          %swap3A_263 = arith.index_cast %swap3A_261 : i32 to index
          %swap3A_264 = arith.constant 48 : index
          %swap3A_265 = tpu.vector_load %arg11[%swap3A_262, %swap3A_263, %swap3A_264] {strides = array<i32>} : memref<25x8x128xf32, #tpu.memory_space<vmem>>, vector<16xf32>,
          tpu.vector_store %arg11[%swap3A_262, %swap3A_263, %swap3A_264], %gather3A_202 {strides = array<i32>} : memref<25x8x128xf32, #tpu.memory_space<vmem>>, vector<16xf32>,
          %swap3A_266 = arith.constant 1 : i32
          %swap3A_267 = arith.index_cast %scan3A_182 : i32 to index
          %swap3A_268 = arith.index_cast %swap3A_266 : i32 to index
          %swap3A_269 = arith.constant 64 : index
          %swap3A_270 = tpu.vector_load %arg11[%swap3A_267, %swap3A_268, %swap3A_269] {strides = array<i32>} : memref<25x8x128xf32, #tpu.memory_space<vmem>>, vector<16xf32>,
          tpu.vector_store %arg11[%swap3A_267, %swap3A_268, %swap3A_269], %gather3A_203 {strides = array<i32>} : memref<25x8x128xf32, #tpu.memory_space<vmem>>, vector<16xf32>,
          %swap3A_271 = arith.constant 1 : i32
          %swap3A_272 = arith.index_cast %scan3A_182 : i32 to index
          %swap3A_273 = arith.index_cast %swap3A_271 : i32 to index
          %swap3A_274 = arith.constant 80 : index
          %swap3A_275 = tpu.vector_load %arg11[%swap3A_272, %swap3A_273, %swap3A_274] {strides = array<i32>} : memref<25x8x128xf32, #tpu.memory_space<vmem>>, vector<16xf32>,
          tpu.vector_store %arg11[%swap3A_272, %swap3A_273, %swap3A_274], %gather3A_204 {strides = array<i32>} : memref<25x8x128xf32, #tpu.memory_space<vmem>>, vector<16xf32>,
          %swap3A_276 = arith.constant 1 : i32
          %swap3A_277 = arith.index_cast %scan3A_182 : i32 to index
          %swap3A_278 = arith.index_cast %swap3A_276 : i32 to index
          %swap3A_279 = arith.constant 96 : index
          %swap3A_280 = tpu.vector_load %arg11[%swap3A_277, %swap3A_278, %swap3A_279] {strides = array<i32>} : memref<25x8x128xf32, #tpu.memory_space<vmem>>, vector<16xf32>,
          tpu.vector_store %arg11[%swap3A_277, %swap3A_278, %swap3A_279], %gather3A_205 {strides = array<i32>} : memref<25x8x128xf32, #tpu.memory_space<vmem>>, vector<16xf32>,
          %swap3A_281 = arith.constant 1 : i32
          %swap3A_282 = arith.index_cast %scan3A_182 : i32 to index
          %swap3A_283 = arith.index_cast %swap3A_281 : i32 to index
          %swap3A_284 = arith.constant 112 : index
          %swap3A_285 = tpu.vector_load %arg11[%swap3A_282, %swap3A_283, %swap3A_284] {strides = array<i32>} : memref<25x8x128xf32, #tpu.memory_space<vmem>>, vector<16xf32>,
          tpu.vector_store %arg11[%swap3A_282, %swap3A_283, %swap3A_284], %gather3A_206 {strides = array<i32>} : memref<25x8x128xf32, #tpu.memory_space<vmem>>, vector<16xf32>,
          %mul3A_286 = arith.constant 8 : i32
          %mul3A_287 = arith.muli %scan3A_182, %mul3A_286 : i32
          %add3A_288 = arith.constant 2 : i32
          %add3A_289 = arith.addi %mul3A_287, %add3A_288 : i32
          %broadcast_in_dim3A_290 = vector.broadcast %add3A_289 : i32 to vector<16xi32>
          %gather3A_291 = tpu.vector_load_idx %arg9[%add3A_26, %broadcast_in_dim3A_290] : memref<128x200xf32, #tpu.memory_space<vmem>>[vector<16xi32>, vector<16xi32>], vector<16xf32>,
          %gather3A_292 = tpu.vector_load_idx %arg9[%add3A_30, %broadcast_in_dim3A_290] : memref<128x200xf32, #tpu.memory_space<vmem>>[vector<16xi32>, vector<16xi32>], vector<16xf32>,
          %gather3A_293 = tpu.vector_load_idx %arg9[%add3A_34, %broadcast_in_dim3A_290] : memref<128x200xf32, #tpu.memory_space<vmem>>[vector<16xi32>, vector<16xi32>], vector<16xf32>,
          %gather3A_294 = tpu.vector_load_idx %arg9[%add3A_38, %broadcast_in_dim3A_290] : memref<128x200xf32, #tpu.memory_space<vmem>>[vector<16xi32>, vector<16xi32>], vector<16xf32>,
          %gather3A_295 = tpu.vector_load_idx %arg9[%add3A_42, %broadcast_in_dim3A_290] : memref<128x200xf32, #tpu.memory_space<vmem>>[vector<16xi32>, vector<16xi32>], vector<16xf32>,
          %gather3A_296 = tpu.vector_load_idx %arg9[%add3A_46, %broadcast_in_dim3A_290] : memref<128x200xf32, #tpu.memory_space<vmem>>[vector<16xi32>, vector<16xi32>], vector<16xf32>,
          %gather3A_297 = tpu.vector_load_idx %arg9[%add3A_50, %broadcast_in_dim3A_290] : memref<128x200xf32, #tpu.memory_space<vmem>>[vector<16xi32>, vector<16xi32>], vector<16xf32>,
          %gather3A_298 = tpu.vector_load_idx %arg9[%add3A_54, %broadcast_in_dim3A_290] : memref<128x200xf32, #tpu.memory_space<vmem>>[vector<16xi32>, vector<16xi32>], vector<16xf32>,
          %mul3A_299 = arith.constant 8 : i32
          %mul3A_300 = arith.muli %scan3A_182, %mul3A_299 : i32
          %add3A_301 = arith.constant 3 : i32
          %add3A_302 = arith.addi %mul3A_300, %add3A_301 : i32
          %broadcast_in_dim3A_303 = vector.broadcast %add3A_302 : i32 to vector<16xi32>
          %gather3A_304 = tpu.vector_load_idx %arg9[%add3A_26, %broadcast_in_dim3A_303] : memref<128x200xf32, #tpu.memory_space<vmem>>[vector<16xi32>, vector<16xi32>], vector<16xf32>,
          %gather3A_305 = tpu.vector_load_idx %arg9[%add3A_30, %broadcast_in_dim3A_303] : memref<128x200xf32, #tpu.memory_space<vmem>>[vector<16xi32>, vector<16xi32>], vector<16xf32>,
          %gather3A_306 = tpu.vector_load_idx %arg9[%add3A_34, %broadcast_in_dim3A_303] : memref<128x200xf32, #tpu.memory_space<vmem>>[vector<16xi32>, vector<16xi32>], vector<16xf32>,
          %gather3A_307 = tpu.vector_load_idx %arg9[%add3A_38, %broadcast_in_dim3A_303] : memref<128x200xf32, #tpu.memory_space<vmem>>[vector<16xi32>, vector<16xi32>], vector<16xf32>,
          %gather3A_308 = tpu.vector_load_idx %arg9[%add3A_42, %broadcast_in_dim3A_303] : memref<128x200xf32, #tpu.memory_space<vmem>>[vector<16xi32>, vector<16xi32>], vector<16xf32>,
          %gather3A_309 = tpu.vector_load_idx %arg9[%add3A_46, %broadcast_in_dim3A_303] : memref<128x200xf32, #tpu.memory_space<vmem>>[vector<16xi32>, vector<16xi32>], vector<16xf32>,
          %gather3A_310 = tpu.vector_load_idx %arg9[%add3A_50, %broadcast_in_dim3A_303] : memref<128x200xf32, #tpu.memory_space<vmem>>[vector<16xi32>, vector<16xi32>], vector<16xf32>,
          %gather3A_311 = tpu.vector_load_idx %arg9[%add3A_54, %broadcast_in_dim3A_303] : memref<128x200xf32, #tpu.memory_space<vmem>>[vector<16xi32>, vector<16xi32>], vector<16xf32>,
          %swap3A_312 = arith.constant 2 : i32
          %swap3A_313 = arith.index_cast %scan3A_182 : i32 to index
          %swap3A_314 = arith.index_cast %swap3A_312 : i32 to index
          %swap3A_315 = arith.constant 0 : index
          %swap3A_316 = tpu.vector_load %arg11[%swap3A_313, %swap3A_314, %swap3A_315] {strides = array<i32>} : memref<25x8x128xf32, #tpu.memory_space<vmem>>, vector<16xf32>,
          tpu.vector_store %arg11[%swap3A_313, %swap3A_314, %swap3A_315], %gather3A_291 {strides = array<i32>} : memref<25x8x128xf32, #tpu.memory_space<vmem>>, vector<16xf32>,
          %swap3A_317 = arith.constant 2 : i32
          %swap3A_318 = arith.index_cast %scan3A_182 : i32 to index
          %swap3A_319 = arith.index_cast %swap3A_317 : i32 to index
          %swap3A_320 = arith.constant 16 : index
          %swap3A_321 = tpu.vector_load %arg11[%swap3A_318, %swap3A_319, %swap3A_320] {strides = array<i32>} : memref<25x8x128xf32, #tpu.memory_space<vmem>>, vector<16xf32>,
          tpu.vector_store %arg11[%swap3A_318, %swap3A_319, %swap3A_320], %gather3A_292 {strides = array<i32>} : memref<25x8x128xf32, #tpu.memory_space<vmem>>, vector<16xf32>,
          %swap3A_322 = arith.constant 2 : i32
          %swap3A_323 = arith.index_cast %scan3A_182 : i32 to index
          %swap3A_324 = arith.index_cast %swap3A_322 : i32 to index
          %swap3A_325 = arith.constant 32 : index
          %swap3A_326 = tpu.vector_load %arg11[%swap3A_323, %swap3A_324, %swap3A_325] {strides = array<i32>} : memref<25x8x128xf32, #tpu.memory_space<vmem>>, vector<16xf32>,
          tpu.vector_store %arg11[%swap3A_323, %swap3A_324, %swap3A_325], %gather3A_293 {strides = array<i32>} : memref<25x8x128xf32, #tpu.memory_space<vmem>>, vector<16xf32>,
          %swap3A_327 = arith.constant 2 : i32
          %swap3A_328 = arith.index_cast %scan3A_182 : i32 to index
          %swap3A_329 = arith.index_cast %swap3A_327 : i32 to index
          %swap3A_330 = arith.constant 48 : index
          %swap3A_331 = tpu.vector_load %arg11[%swap3A_328, %swap3A_329, %swap3A_330] {strides = array<i32>} : memref<25x8x128xf32, #tpu.memory_space<vmem>>, vector<16xf32>,
          tpu.vector_store %arg11[%swap3A_328, %swap3A_329, %swap3A_330], %gather3A_294 {strides = array<i32>} : memref<25x8x128xf32, #tpu.memory_space<vmem>>, vector<16xf32>,
          %swap3A_332 = arith.constant 2 : i32
          %swap3A_333 = arith.index_cast %scan3A_182 : i32 to index
          %swap3A_334 = arith.index_cast %swap3A_332 : i32 to index
          %swap3A_335 = arith.constant 64 : index
          %swap3A_336 = tpu.vector_load %arg11[%swap3A_333, %swap3A_334, %swap3A_335] {strides = array<i32>} : memref<25x8x128xf32, #tpu.memory_space<vmem>>, vector<16xf32>,
          tpu.vector_store %arg11[%swap3A_333, %swap3A_334, %swap3A_335], %gather3A_295 {strides = array<i32>} : memref<25x8x128xf32, #tpu.memory_space<vmem>>, vector<16xf32>,
          %swap3A_337 = arith.constant 2 : i32
          %swap3A_338 = arith.index_cast %scan3A_182 : i32 to index
          %swap3A_339 = arith.index_cast %swap3A_337 : i32 to index
          %swap3A_340 = arith.constant 80 : index
          %swap3A_341 = tpu.vector_load %arg11[%swap3A_338, %swap3A_339, %swap3A_340] {strides = array<i32>} : memref<25x8x128xf32, #tpu.memory_space<vmem>>, vector<16xf32>,
          tpu.vector_store %arg11[%swap3A_338, %swap3A_339, %swap3A_340], %gather3A_296 {strides = array<i32>} : memref<25x8x128xf32, #tpu.memory_space<vmem>>, vector<16xf32>,
          %swap3A_342 = arith.constant 2 : i32
          %swap3A_343 = arith.index_cast %scan3A_182 : i32 to index
          %swap3A_344 = arith.index_cast %swap3A_342 : i32 to index
          %swap3A_345 = arith.constant 96 : index
          %swap3A_346 = tpu.vector_load %arg11[%swap3A_343, %swap3A_344, %swap3A_345] {strides = array<i32>} : memref<25x8x128xf32, #tpu.memory_space<vmem>>, vector<16xf32>,
          tpu.vector_store %arg11[%swap3A_343, %swap3A_344, %swap3A_345], %gather3A_297 {strides = array<i32>} : memref<25x8x128xf32, #tpu.memory_space<vmem>>, vector<16xf32>,
          %swap3A_347 = arith.constant 2 : i32
          %swap3A_348 = arith.index_cast %scan3A_182 : i32 to index
          %swap3A_349 = arith.index_cast %swap3A_347 : i32 to index
          %swap3A_350 = arith.constant 112 : index
          %swap3A_351 = tpu.vector_load %arg11[%swap3A_348, %swap3A_349, %swap3A_350] {strides = array<i32>} : memref<25x8x128xf32, #tpu.memory_space<vmem>>, vector<16xf32>,
          tpu.vector_store %arg11[%swap3A_348, %swap3A_349, %swap3A_350], %gather3A_298 {strides = array<i32>} : memref<25x8x128xf32, #tpu.memory_space<vmem>>, vector<16xf32>,
          %swap3A_352 = arith.constant 3 : i32
          %swap3A_353 = arith.index_cast %scan3A_182 : i32 to index
          %swap3A_354 = arith.index_cast %swap3A_352 : i32 to index
          %swap3A_355 = arith.constant 0 : index
          %swap3A_356 = tpu.vector_load %arg11[%swap3A_353, %swap3A_354, %swap3A_355] {strides = array<i32>} : memref<25x8x128xf32, #tpu.memory_space<vmem>>, vector<16xf32>,
          tpu.vector_store %arg11[%swap3A_353, %swap3A_354, %swap3A_355], %gather3A_304 {strides = array<i32>} : memref<25x8x128xf32, #tpu.memory_space<vmem>>, vector<16xf32>,
          %swap3A_357 = arith.constant 3 : i32
          %swap3A_358 = arith.index_cast %scan3A_182 : i32 to index
          %swap3A_359 = arith.index_cast %swap3A_357 : i32 to index
          %swap3A_360 = arith.constant 16 : index
          %swap3A_361 = tpu.vector_load %arg11[%swap3A_358, %swap3A_359, %swap3A_360] {strides = array<i32>} : memref<25x8x128xf32, #tpu.memory_space<vmem>>, vector<16xf32>,
          tpu.vector_store %arg11[%swap3A_358, %swap3A_359, %swap3A_360], %gather3A_305 {strides = array<i32>} : memref<25x8x128xf32, #tpu.memory_space<vmem>>, vector<16xf32>,
          %swap3A_362 = arith.constant 3 : i32
          %swap3A_363 = arith.index_cast %scan3A_182 : i32 to index
          %swap3A_364 = arith.index_cast %swap3A_362 : i32 to index
          %swap3A_365 = arith.constant 32 : index
          %swap3A_366 = tpu.vector_load %arg11[%swap3A_363, %swap3A_364, %swap3A_365] {strides = array<i32>} : memref<25x8x128xf32, #tpu.memory_space<vmem>>, vector<16xf32>,
          tpu.vector_store %arg11[%swap3A_363, %swap3A_364, %swap3A_365], %gather3A_306 {strides = array<i32>} : memref<25x8x128xf32, #tpu.memory_space<vmem>>, vector<16xf32>,
          %swap3A_367 = arith.constant 3 : i32
          %swap3A_368 = arith.index_cast %scan3A_182 : i32 to index
          %swap3A_369 = arith.index_cast %swap3A_367 : i32 to index
          %swap3A_370 = arith.constant 48 : index
          %swap3A_371 = tpu.vector_load %arg11[%swap3A_368, %swap3A_369, %swap3A_370] {strides = array<i32>} : memref<25x8x128xf32, #tpu.memory_space<vmem>>, vector<16xf32>,
          tpu.vector_store %arg11[%swap3A_368, %swap3A_369, %swap3A_370], %gather3A_307 {strides = array<i32>} : memref<25x8x128xf32, #tpu.memory_space<vmem>>, vector<16xf32>,
          %swap3A_372 = arith.constant 3 : i32
          %swap3A_373 = arith.index_cast %scan3A_182 : i32 to index
          %swap3A_374 = arith.index_cast %swap3A_372 : i32 to index
          %swap3A_375 = arith.constant 64 : index
          %swap3A_376 = tpu.vector_load %arg11[%swap3A_373, %swap3A_374, %swap3A_375] {strides = array<i32>} : memref<25x8x128xf32, #tpu.memory_space<vmem>>, vector<16xf32>,
          tpu.vector_store %arg11[%swap3A_373, %swap3A_374, %swap3A_375], %gather3A_308 {strides = array<i32>} : memref<25x8x128xf32, #tpu.memory_space<vmem>>, vector<16xf32>,
          %swap3A_377 = arith.constant 3 : i32
          %swap3A_378 = arith.index_cast %scan3A_182 : i32 to index
          %swap3A_379 = arith.index_cast %swap3A_377 : i32 to index
          %swap3A_380 = arith.constant 80 : index
          %swap3A_381 = tpu.vector_load %arg11[%swap3A_378, %swap3A_379, %swap3A_380] {strides = array<i32>} : memref<25x8x128xf32, #tpu.memory_space<vmem>>, vector<16xf32>,
          tpu.vector_store %arg11[%swap3A_378, %swap3A_379, %swap3A_380], %gather3A_309 {strides = array<i32>} : memref<25x8x128xf32, #tpu.memory_space<vmem>>, vector<16xf32>,
          %swap3A_382 = arith.constant 3 : i32
          %swap3A_383 = arith.index_cast %scan3A_182 : i32 to index
          %swap3A_384 = arith.index_cast %swap3A_382 : i32 to index
          %swap3A_385 = arith.constant 96 : index
          %swap3A_386 = tpu.vector_load %arg11[%swap3A_383, %swap3A_384, %swap3A_385] {strides = array<i32>} : memref<25x8x128xf32, #tpu.memory_space<vmem>>, vector<16xf32>,
          tpu.vector_store %arg11[%swap3A_383, %swap3A_384, %swap3A_385], %gather3A_310 {strides = array<i32>} : memref<25x8x128xf32, #tpu.memory_space<vmem>>, vector<16xf32>,
          %swap3A_387 = arith.constant 3 : i32
          %swap3A_388 = arith.index_cast %scan3A_182 : i32 to index
          %swap3A_389 = arith.index_cast %swap3A_387 : i32 to index
          %swap3A_390 = arith.constant 112 : index
          %swap3A_391 = tpu.vector_load %arg11[%swap3A_388, %swap3A_389, %swap3A_390] {strides = array<i32>} : memref<25x8x128xf32, #tpu.memory_space<vmem>>, vector<16xf32>,
          tpu.vector_store %arg11[%swap3A_388, %swap3A_389, %swap3A_390], %gather3A_311 {strides = array<i32>} : memref<25x8x128xf32, #tpu.memory_space<vmem>>, vector<16xf32>,
          %mul3A_392 = arith.constant 8 : i32
          %mul3A_393 = arith.muli %scan3A_182, %mul3A_392 : i32
          %add3A_394 = arith.constant 4 : i32
          %add3A_395 = arith.addi %mul3A_393, %add3A_394 : i32
          %broadcast_in_dim3A_396 = vector.broadcast %add3A_395 : i32 to vector<16xi32>
          %gather3A_397 = tpu.vector_load_idx %arg9[%add3A_26, %broadcast_in_dim3A_396] : memref<128x200xf32, #tpu.memory_space<vmem>>[vector<16xi32>, vector<16xi32>], vector<16xf32>,
          %gather3A_398 = tpu.vector_load_idx %arg9[%add3A_30, %broadcast_in_dim3A_396] : memref<128x200xf32, #tpu.memory_space<vmem>>[vector<16xi32>, vector<16xi32>], vector<16xf32>,
          %gather3A_399 = tpu.vector_load_idx %arg9[%add3A_34, %broadcast_in_dim3A_396] : memref<128x200xf32, #tpu.memory_space<vmem>>[vector<16xi32>, vector<16xi32>], vector<16xf32>,
          %gather3A_400 = tpu.vector_load_idx %arg9[%add3A_38, %broadcast_in_dim3A_396] : memref<128x200xf32, #tpu.memory_space<vmem>>[vector<16xi32>, vector<16xi32>], vector<16xf32>,
          %gather3A_401 = tpu.vector_load_idx %arg9[%add3A_42, %broadcast_in_dim3A_396] : memref<128x200xf32, #tpu.memory_space<vmem>>[vector<16xi32>, vector<16xi32>], vector<16xf32>,
          %gather3A_402 = tpu.vector_load_idx %arg9[%add3A_46, %broadcast_in_dim3A_396] : memref<128x200xf32, #tpu.memory_space<vmem>>[vector<16xi32>, vector<16xi32>], vector<16xf32>,
          %gather3A_403 = tpu.vector_load_idx %arg9[%add3A_50, %broadcast_in_dim3A_396] : memref<128x200xf32, #tpu.memory_space<vmem>>[vector<16xi32>, vector<16xi32>], vector<16xf32>,
          %gather3A_404 = tpu.vector_load_idx %arg9[%add3A_54, %broadcast_in_dim3A_396] : memref<128x200xf32, #tpu.memory_space<vmem>>[vector<16xi32>, vector<16xi32>], vector<16xf32>,
          %mul3A_405 = arith.constant 8 : i32
          %mul3A_406 = arith.muli %scan3A_182, %mul3A_405 : i32
          %add3A_407 = arith.constant 5 : i32
          %add3A_408 = arith.addi %mul3A_406, %add3A_407 : i32
          %broadcast_in_dim3A_409 = vector.broadcast %add3A_408 : i32 to vector<16xi32>
          %gather3A_410 = tpu.vector_load_idx %arg9[%add3A_26, %broadcast_in_dim3A_409] : memref<128x200xf32, #tpu.memory_space<vmem>>[vector<16xi32>, vector<16xi32>], vector<16xf32>,
          %gather3A_411 = tpu.vector_load_idx %arg9[%add3A_30, %broadcast_in_dim3A_409] : memref<128x200xf32, #tpu.memory_space<vmem>>[vector<16xi32>, vector<16xi32>], vector<16xf32>,
          %gather3A_412 = tpu.vector_load_idx %arg9[%add3A_34, %broadcast_in_dim3A_409] : memref<128x200xf32, #tpu.memory_space<vmem>>[vector<16xi32>, vector<16xi32>], vector<16xf32>,
          %gather3A_413 = tpu.vector_load_idx %arg9[%add3A_38, %broadcast_in_dim3A_409] : memref<128x200xf32, #tpu.memory_space<vmem>>[vector<16xi32>, vector<16xi32>], vector<16xf32>,
          %gather3A_414 = tpu.vector_load_idx %arg9[%add3A_42, %broadcast_in_dim3A_409] : memref<128x200xf32, #tpu.memory_space<vmem>>[vector<16xi32>, vector<16xi32>], vector<16xf32>,
          %gather3A_415 = tpu.vector_load_idx %arg9[%add3A_46, %broadcast_in_dim3A_409] : memref<128x200xf32, #tpu.memory_space<vmem>>[vector<16xi32>, vector<16xi32>], vector<16xf32>,
          %gather3A_416 = tpu.vector_load_idx %arg9[%add3A_50, %broadcast_in_dim3A_409] : memref<128x200xf32, #tpu.memory_space<vmem>>[vector<16xi32>, vector<16xi32>], vector<16xf32>,
          %gather3A_417 = tpu.vector_load_idx %arg9[%add3A_54, %broadcast_in_dim3A_409] : memref<128x200xf32, #tpu.memory_space<vmem>>[vector<16xi32>, vector<16xi32>], vector<16xf32>,
          %swap3A_418 = arith.constant 4 : i32
          %swap3A_419 = arith.index_cast %scan3A_182 : i32 to index
          %swap3A_420 = arith.index_cast %swap3A_418 : i32 to index
          %swap3A_421 = arith.constant 0 : index
          %swap3A_422 = tpu.vector_load %arg11[%swap3A_419, %swap3A_420, %swap3A_421] {strides = array<i32>} : memref<25x8x128xf32, #tpu.memory_space<vmem>>, vector<16xf32>,
          tpu.vector_store %arg11[%swap3A_419, %swap3A_420, %swap3A_421], %gather3A_397 {strides = array<i32>} : memref<25x8x128xf32, #tpu.memory_space<vmem>>, vector<16xf32>,
          %swap3A_423 = arith.constant 4 : i32
          %swap3A_424 = arith.index_cast %scan3A_182 : i32 to index
          %swap3A_425 = arith.index_cast %swap3A_423 : i32 to index
          %swap3A_426 = arith.constant 16 : index
          %swap3A_427 = tpu.vector_load %arg11[%swap3A_424, %swap3A_425, %swap3A_426] {strides = array<i32>} : memref<25x8x128xf32, #tpu.memory_space<vmem>>, vector<16xf32>,
          tpu.vector_store %arg11[%swap3A_424, %swap3A_425, %swap3A_426], %gather3A_398 {strides = array<i32>} : memref<25x8x128xf32, #tpu.memory_space<vmem>>, vector<16xf32>,
          %swap3A_428 = arith.constant 4 : i32
          %swap3A_429 = arith.index_cast %scan3A_182 : i32 to index
          %swap3A_430 = arith.index_cast %swap3A_428 : i32 to index
          %swap3A_431 = arith.constant 32 : index
          %swap3A_432 = tpu.vector_load %arg11[%swap3A_429, %swap3A_430, %swap3A_431] {strides = array<i32>} : memref<25x8x128xf32, #tpu.memory_space<vmem>>, vector<16xf32>,
          tpu.vector_store %arg11[%swap3A_429, %swap3A_430, %swap3A_431], %gather3A_399 {strides = array<i32>} : memref<25x8x128xf32, #tpu.memory_space<vmem>>, vector<16xf32>,
          %swap3A_433 = arith.constant 4 : i32
          %swap3A_434 = arith.index_cast %scan3A_182 : i32 to index
          %swap3A_435 = arith.index_cast %swap3A_433 : i32 to index
          %swap3A_436 = arith.constant 48 : index
          %swap3A_437 = tpu.vector_load %arg11[%swap3A_434, %swap3A_435, %swap3A_436] {strides = array<i32>} : memref<25x8x128xf32, #tpu.memory_space<vmem>>, vector<16xf32>,
          tpu.vector_store %arg11[%swap3A_434, %swap3A_435, %swap3A_436], %gather3A_400 {strides = array<i32>} : memref<25x8x128xf32, #tpu.memory_space<vmem>>, vector<16xf32>,
          %swap3A_438 = arith.constant 4 : i32
          %swap3A_439 = arith.index_cast %scan3A_182 : i32 to index
          %swap3A_440 = arith.index_cast %swap3A_438 : i32 to index
          %swap3A_441 = arith.constant 64 : index
          %swap3A_442 = tpu.vector_load %arg11[%swap3A_439, %swap3A_440, %swap3A_441] {strides = array<i32>} : memref<25x8x128xf32, #tpu.memory_space<vmem>>, vector<16xf32>,
          tpu.vector_store %arg11[%swap3A_439, %swap3A_440, %swap3A_441], %gather3A_401 {strides = array<i32>} : memref<25x8x128xf32, #tpu.memory_space<vmem>>, vector<16xf32>,
          %swap3A_443 = arith.constant 4 : i32
          %swap3A_444 = arith.index_cast %scan3A_182 : i32 to index
          %swap3A_445 = arith.index_cast %swap3A_443 : i32 to index
          %swap3A_446 = arith.constant 80 : index
          %swap3A_447 = tpu.vector_load %arg11[%swap3A_444, %swap3A_445, %swap3A_446] {strides = array<i32>} : memref<25x8x128xf32, #tpu.memory_space<vmem>>, vector<16xf32>,
          tpu.vector_store %arg11[%swap3A_444, %swap3A_445, %swap3A_446], %gather3A_402 {strides = array<i32>} : memref<25x8x128xf32, #tpu.memory_space<vmem>>, vector<16xf32>,
          %swap3A_448 = arith.constant 4 : i32
          %swap3A_449 = arith.index_cast %scan3A_182 : i32 to index
          %swap3A_450 = arith.index_cast %swap3A_448 : i32 to index
          %swap3A_451 = arith.constant 96 : index
          %swap3A_452 = tpu.vector_load %arg11[%swap3A_449, %swap3A_450, %swap3A_451] {strides = array<i32>} : memref<25x8x128xf32, #tpu.memory_space<vmem>>, vector<16xf32>,
          tpu.vector_store %arg11[%swap3A_449, %swap3A_450, %swap3A_451], %gather3A_403 {strides = array<i32>} : memref<25x8x128xf32, #tpu.memory_space<vmem>>, vector<16xf32>,
          %swap3A_453 = arith.constant 4 : i32
          %swap3A_454 = arith.index_cast %scan3A_182 : i32 to index
          %swap3A_455 = arith.index_cast %swap3A_453 : i32 to index
          %swap3A_456 = arith.constant 112 : index
          %swap3A_457 = tpu.vector_load %arg11[%swap3A_454, %swap3A_455, %swap3A_456] {strides = array<i32>} : memref<25x8x128xf32, #tpu.memory_space<vmem>>, vector<16xf32>,
          tpu.vector_store %arg11[%swap3A_454, %swap3A_455, %swap3A_456], %gather3A_404 {strides = array<i32>} : memref<25x8x128xf32, #tpu.memory_space<vmem>>, vector<16xf32>,
          %swap3A_458 = arith.constant 5 : i32
          %swap3A_459 = arith.index_cast %scan3A_182 : i32 to index
          %swap3A_460 = arith.index_cast %swap3A_458 : i32 to index
          %swap3A_461 = arith.constant 0 : index
          %swap3A_462 = tpu.vector_load %arg11[%swap3A_459, %swap3A_460, %swap3A_461] {strides = array<i32>} : memref<25x8x128xf32, #tpu.memory_space<vmem>>, vector<16xf32>,
          tpu.vector_store %arg11[%swap3A_459, %swap3A_460, %swap3A_461], %gather3A_410 {strides = array<i32>} : memref<25x8x128xf32, #tpu.memory_space<vmem>>, vector<16xf32>,
          %swap3A_463 = arith.constant 5 : i32
          %swap3A_464 = arith.index_cast %scan3A_182 : i32 to index
          %swap3A_465 = arith.index_cast %swap3A_463 : i32 to index
          %swap3A_466 = arith.constant 16 : index
          %swap3A_467 = tpu.vector_load %arg11[%swap3A_464, %swap3A_465, %swap3A_466] {strides = array<i32>} : memref<25x8x128xf32, #tpu.memory_space<vmem>>, vector<16xf32>,
          tpu.vector_store %arg11[%swap3A_464, %swap3A_465, %swap3A_466], %gather3A_411 {strides = array<i32>} : memref<25x8x128xf32, #tpu.memory_space<vmem>>, vector<16xf32>,
          %swap3A_468 = arith.constant 5 : i32
          %swap3A_469 = arith.index_cast %scan3A_182 : i32 to index
          %swap3A_470 = arith.index_cast %swap3A_468 : i32 to index
          %swap3A_471 = arith.constant 32 : index
          %swap3A_472 = tpu.vector_load %arg11[%swap3A_469, %swap3A_470, %swap3A_471] {strides = array<i32>} : memref<25x8x128xf32, #tpu.memory_space<vmem>>, vector<16xf32>,
          tpu.vector_store %arg11[%swap3A_469, %swap3A_470, %swap3A_471], %gather3A_412 {strides = array<i32>} : memref<25x8x128xf32, #tpu.memory_space<vmem>>, vector<16xf32>,
          %swap3A_473 = arith.constant 5 : i32
          %swap3A_474 = arith.index_cast %scan3A_182 : i32 to index
          %swap3A_475 = arith.index_cast %swap3A_473 : i32 to index
          %swap3A_476 = arith.constant 48 : index
          %swap3A_477 = tpu.vector_load %arg11[%swap3A_474, %swap3A_475, %swap3A_476] {strides = array<i32>} : memref<25x8x128xf32, #tpu.memory_space<vmem>>, vector<16xf32>,
          tpu.vector_store %arg11[%swap3A_474, %swap3A_475, %swap3A_476], %gather3A_413 {strides = array<i32>} : memref<25x8x128xf32, #tpu.memory_space<vmem>>, vector<16xf32>,
          %swap3A_478 = arith.constant 5 : i32
          %swap3A_479 = arith.index_cast %scan3A_182 : i32 to index
          %swap3A_480 = arith.index_cast %swap3A_478 : i32 to index
          %swap3A_481 = arith.constant 64 : index
          %swap3A_482 = tpu.vector_load %arg11[%swap3A_479, %swap3A_480, %swap3A_481] {strides = array<i32>} : memref<25x8x128xf32, #tpu.memory_space<vmem>>, vector<16xf32>,
          tpu.vector_store %arg11[%swap3A_479, %swap3A_480, %swap3A_481], %gather3A_414 {strides = array<i32>} : memref<25x8x128xf32, #tpu.memory_space<vmem>>, vector<16xf32>,
          %swap3A_483 = arith.constant 5 : i32
          %swap3A_484 = arith.index_cast %scan3A_182 : i32 to index
          %swap3A_485 = arith.index_cast %swap3A_483 : i32 to index
          %swap3A_486 = arith.constant 80 : index
          %swap3A_487 = tpu.vector_load %arg11[%swap3A_484, %swap3A_485, %swap3A_486] {strides = array<i32>} : memref<25x8x128xf32, #tpu.memory_space<vmem>>, vector<16xf32>,
          tpu.vector_store %arg11[%swap3A_484, %swap3A_485, %swap3A_486], %gather3A_415 {strides = array<i32>} : memref<25x8x128xf32, #tpu.memory_space<vmem>>, vector<16xf32>,
          %swap3A_488 = arith.constant 5 : i32
          %swap3A_489 = arith.index_cast %scan3A_182 : i32 to index
          %swap3A_490 = arith.index_cast %swap3A_488 : i32 to index
          %swap3A_491 = arith.constant 96 : index
          %swap3A_492 = tpu.vector_load %arg11[%swap3A_489, %swap3A_490, %swap3A_491] {strides = array<i32>} : memref<25x8x128xf32, #tpu.memory_space<vmem>>, vector<16xf32>,
          tpu.vector_store %arg11[%swap3A_489, %swap3A_490, %swap3A_491], %gather3A_416 {strides = array<i32>} : memref<25x8x128xf32, #tpu.memory_space<vmem>>, vector<16xf32>,
          %swap3A_493 = arith.constant 5 : i32
          %swap3A_494 = arith.index_cast %scan3A_182 : i32 to index
          %swap3A_495 = arith.index_cast %swap3A_493 : i32 to index
          %swap3A_496 = arith.constant 112 : index
          %swap3A_497 = tpu.vector_load %arg11[%swap3A_494, %swap3A_495, %swap3A_496] {strides = array<i32>} : memref<25x8x128xf32, #tpu.memory_space<vmem>>, vector<16xf32>,
          tpu.vector_store %arg11[%swap3A_494, %swap3A_495, %swap3A_496], %gather3A_417 {strides = array<i32>} : memref<25x8x128xf32, #tpu.memory_space<vmem>>, vector<16xf32>,
          %mul3A_498 = arith.constant 8 : i32
          %mul3A_499 = arith.muli %scan3A_182, %mul3A_498 : i32
          %add3A_500 = arith.constant 6 : i32
          %add3A_501 = arith.addi %mul3A_499, %add3A_500 : i32
          %broadcast_in_dim3A_502 = vector.broadcast %add3A_501 : i32 to vector<16xi32>
          %gather3A_503 = tpu.vector_load_idx %arg9[%add3A_26, %broadcast_in_dim3A_502] : memref<128x200xf32, #tpu.memory_space<vmem>>[vector<16xi32>, vector<16xi32>], vector<16xf32>,
          %gather3A_504 = tpu.vector_load_idx %arg9[%add3A_30, %broadcast_in_dim3A_502] : memref<128x200xf32, #tpu.memory_space<vmem>>[vector<16xi32>, vector<16xi32>], vector<16xf32>,
          %gather3A_505 = tpu.vector_load_idx %arg9[%add3A_34, %broadcast_in_dim3A_502] : memref<128x200xf32, #tpu.memory_space<vmem>>[vector<16xi32>, vector<16xi32>], vector<16xf32>,
          %gather3A_506 = tpu.vector_load_idx %arg9[%add3A_38, %broadcast_in_dim3A_502] : memref<128x200xf32, #tpu.memory_space<vmem>>[vector<16xi32>, vector<16xi32>], vector<16xf32>,
          %gather3A_507 = tpu.vector_load_idx %arg9[%add3A_42, %broadcast_in_dim3A_502] : memref<128x200xf32, #tpu.memory_space<vmem>>[vector<16xi32>, vector<16xi32>], vector<16xf32>,
          %gather3A_508 = tpu.vector_load_idx %arg9[%add3A_46, %broadcast_in_dim3A_502] : memref<128x200xf32, #tpu.memory_space<vmem>>[vector<16xi32>, vector<16xi32>], vector<16xf32>,
          %gather3A_509 = tpu.vector_load_idx %arg9[%add3A_50, %broadcast_in_dim3A_502] : memref<128x200xf32, #tpu.memory_space<vmem>>[vector<16xi32>, vector<16xi32>], vector<16xf32>,
          %gather3A_510 = tpu.vector_load_idx %arg9[%add3A_54, %broadcast_in_dim3A_502] : memref<128x200xf32, #tpu.memory_space<vmem>>[vector<16xi32>, vector<16xi32>], vector<16xf32>,
          %mul3A_511 = arith.constant 8 : i32
          %mul3A_512 = arith.muli %scan3A_182, %mul3A_511 : i32
          %add3A_513 = arith.constant 7 : i32
          %add3A_514 = arith.addi %mul3A_512, %add3A_513 : i32
          %broadcast_in_dim3A_515 = vector.broadcast %add3A_514 : i32 to vector<16xi32>
          %gather3A_516 = tpu.vector_load_idx %arg9[%add3A_26, %broadcast_in_dim3A_515] : memref<128x200xf32, #tpu.memory_space<vmem>>[vector<16xi32>, vector<16xi32>], vector<16xf32>,
          %gather3A_517 = tpu.vector_load_idx %arg9[%add3A_30, %broadcast_in_dim3A_515] : memref<128x200xf32, #tpu.memory_space<vmem>>[vector<16xi32>, vector<16xi32>], vector<16xf32>,
          %gather3A_518 = tpu.vector_load_idx %arg9[%add3A_34, %broadcast_in_dim3A_515] : memref<128x200xf32, #tpu.memory_space<vmem>>[vector<16xi32>, vector<16xi32>], vector<16xf32>,
          %gather3A_519 = tpu.vector_load_idx %arg9[%add3A_38, %broadcast_in_dim3A_515] : memref<128x200xf32, #tpu.memory_space<vmem>>[vector<16xi32>, vector<16xi32>], vector<16xf32>,
          %gather3A_520 = tpu.vector_load_idx %arg9[%add3A_42, %broadcast_in_dim3A_515] : memref<128x200xf32, #tpu.memory_space<vmem>>[vector<16xi32>, vector<16xi32>], vector<16xf32>,
          %gather3A_521 = tpu.vector_load_idx %arg9[%add3A_46, %broadcast_in_dim3A_515] : memref<128x200xf32, #tpu.memory_space<vmem>>[vector<16xi32>, vector<16xi32>], vector<16xf32>,
          %gather3A_522 = tpu.vector_load_idx %arg9[%add3A_50, %broadcast_in_dim3A_515] : memref<128x200xf32, #tpu.memory_space<vmem>>[vector<16xi32>, vector<16xi32>], vector<16xf32>,
          %gather3A_523 = tpu.vector_load_idx %arg9[%add3A_54, %broadcast_in_dim3A_515] : memref<128x200xf32, #tpu.memory_space<vmem>>[vector<16xi32>, vector<16xi32>], vector<16xf32>,
          %swap3A_524 = arith.constant 6 : i32
          %swap3A_525 = arith.index_cast %scan3A_182 : i32 to index
          %swap3A_526 = arith.index_cast %swap3A_524 : i32 to index
          %swap3A_527 = arith.constant 0 : index
          %swap3A_528 = tpu.vector_load %arg11[%swap3A_525, %swap3A_526, %swap3A_527] {strides = array<i32>} : memref<25x8x128xf32, #tpu.memory_space<vmem>>, vector<16xf32>,
          tpu.vector_store %arg11[%swap3A_525, %swap3A_526, %swap3A_527], %gather3A_503 {strides = array<i32>} : memref<25x8x128xf32, #tpu.memory_space<vmem>>, vector<16xf32>,
          %swap3A_529 = arith.constant 6 : i32
          %swap3A_530 = arith.index_cast %scan3A_182 : i32 to index
          %swap3A_531 = arith.index_cast %swap3A_529 : i32 to index
          %swap3A_532 = arith.constant 16 : index
          %swap3A_533 = tpu.vector_load %arg11[%swap3A_530, %swap3A_531, %swap3A_532] {strides = array<i32>} : memref<25x8x128xf32, #tpu.memory_space<vmem>>, vector<16xf32>,
          tpu.vector_store %arg11[%swap3A_530, %swap3A_531, %swap3A_532], %gather3A_504 {strides = array<i32>} : memref<25x8x128xf32, #tpu.memory_space<vmem>>, vector<16xf32>,
          %swap3A_534 = arith.constant 6 : i32
          %swap3A_535 = arith.index_cast %scan3A_182 : i32 to index
          %swap3A_536 = arith.index_cast %swap3A_534 : i32 to index
          %swap3A_537 = arith.constant 32 : index
          %swap3A_538 = tpu.vector_load %arg11[%swap3A_535, %swap3A_536, %swap3A_537] {strides = array<i32>} : memref<25x8x128xf32, #tpu.memory_space<vmem>>, vector<16xf32>,
          tpu.vector_store %arg11[%swap3A_535, %swap3A_536, %swap3A_537], %gather3A_505 {strides = array<i32>} : memref<25x8x128xf32, #tpu.memory_space<vmem>>, vector<16xf32>,
          %swap3A_539 = arith.constant 6 : i32
          %swap3A_540 = arith.index_cast %scan3A_182 : i32 to index
          %swap3A_541 = arith.index_cast %swap3A_539 : i32 to index
          %swap3A_542 = arith.constant 48 : index
          %swap3A_543 = tpu.vector_load %arg11[%swap3A_540, %swap3A_541, %swap3A_542] {strides = array<i32>} : memref<25x8x128xf32, #tpu.memory_space<vmem>>, vector<16xf32>,
          tpu.vector_store %arg11[%swap3A_540, %swap3A_541, %swap3A_542], %gather3A_506 {strides = array<i32>} : memref<25x8x128xf32, #tpu.memory_space<vmem>>, vector<16xf32>,
          %swap3A_544 = arith.constant 6 : i32
          %swap3A_545 = arith.index_cast %scan3A_182 : i32 to index
          %swap3A_546 = arith.index_cast %swap3A_544 : i32 to index
          %swap3A_547 = arith.constant 64 : index
          %swap3A_548 = tpu.vector_load %arg11[%swap3A_545, %swap3A_546, %swap3A_547] {strides = array<i32>} : memref<25x8x128xf32, #tpu.memory_space<vmem>>, vector<16xf32>,
          tpu.vector_store %arg11[%swap3A_545, %swap3A_546, %swap3A_547], %gather3A_507 {strides = array<i32>} : memref<25x8x128xf32, #tpu.memory_space<vmem>>, vector<16xf32>,
          %swap3A_549 = arith.constant 6 : i32
          %swap3A_550 = arith.index_cast %scan3A_182 : i32 to index
          %swap3A_551 = arith.index_cast %swap3A_549 : i32 to index
          %swap3A_552 = arith.constant 80 : index
          %swap3A_553 = tpu.vector_load %arg11[%swap3A_550, %swap3A_551, %swap3A_552] {strides = array<i32>} : memref<25x8x128xf32, #tpu.memory_space<vmem>>, vector<16xf32>,
          tpu.vector_store %arg11[%swap3A_550, %swap3A_551, %swap3A_552], %gather3A_508 {strides = array<i32>} : memref<25x8x128xf32, #tpu.memory_space<vmem>>, vector<16xf32>,
          %swap3A_554 = arith.constant 6 : i32
          %swap3A_555 = arith.index_cast %scan3A_182 : i32 to index
          %swap3A_556 = arith.index_cast %swap3A_554 : i32 to index
          %swap3A_557 = arith.constant 96 : index
          %swap3A_558 = tpu.vector_load %arg11[%swap3A_555, %swap3A_556, %swap3A_557] {strides = array<i32>} : memref<25x8x128xf32, #tpu.memory_space<vmem>>, vector<16xf32>,
          tpu.vector_store %arg11[%swap3A_555, %swap3A_556, %swap3A_557], %gather3A_509 {strides = array<i32>} : memref<25x8x128xf32, #tpu.memory_space<vmem>>, vector<16xf32>,
          %swap3A_559 = arith.constant 6 : i32
          %swap3A_560 = arith.index_cast %scan3A_182 : i32 to index
          %swap3A_561 = arith.index_cast %swap3A_559 : i32 to index
          %swap3A_562 = arith.constant 112 : index
          %swap3A_563 = tpu.vector_load %arg11[%swap3A_560, %swap3A_561, %swap3A_562] {strides = array<i32>} : memref<25x8x128xf32, #tpu.memory_space<vmem>>, vector<16xf32>,
          tpu.vector_store %arg11[%swap3A_560, %swap3A_561, %swap3A_562], %gather3A_510 {strides = array<i32>} : memref<25x8x128xf32, #tpu.memory_space<vmem>>, vector<16xf32>,
          %swap3A_564 = arith.constant 7 : i32
          %swap3A_565 = arith.index_cast %scan3A_182 : i32 to index
          %swap3A_566 = arith.index_cast %swap3A_564 : i32 to index
          %swap3A_567 = arith.constant 0 : index
          %swap3A_568 = tpu.vector_load %arg11[%swap3A_565, %swap3A_566, %swap3A_567] {strides = array<i32>} : memref<25x8x128xf32, #tpu.memory_space<vmem>>, vector<16xf32>,
          tpu.vector_store %arg11[%swap3A_565, %swap3A_566, %swap3A_567], %gather3A_516 {strides = array<i32>} : memref<25x8x128xf32, #tpu.memory_space<vmem>>, vector<16xf32>,
          %swap3A_569 = arith.constant 7 : i32
          %swap3A_570 = arith.index_cast %scan3A_182 : i32 to index
          %swap3A_571 = arith.index_cast %swap3A_569 : i32 to index
          %swap3A_572 = arith.constant 16 : index
          %swap3A_573 = tpu.vector_load %arg11[%swap3A_570, %swap3A_571, %swap3A_572] {strides = array<i32>} : memref<25x8x128xf32, #tpu.memory_space<vmem>>, vector<16xf32>,
          tpu.vector_store %arg11[%swap3A_570, %swap3A_571, %swap3A_572], %gather3A_517 {strides = array<i32>} : memref<25x8x128xf32, #tpu.memory_space<vmem>>, vector<16xf32>,
          %swap3A_574 = arith.constant 7 : i32
          %swap3A_575 = arith.index_cast %scan3A_182 : i32 to index
          %swap3A_576 = arith.index_cast %swap3A_574 : i32 to index
          %swap3A_577 = arith.constant 32 : index
          %swap3A_578 = tpu.vector_load %arg11[%swap3A_575, %swap3A_576, %swap3A_577] {strides = array<i32>} : memref<25x8x128xf32, #tpu.memory_space<vmem>>, vector<16xf32>,
          tpu.vector_store %arg11[%swap3A_575, %swap3A_576, %swap3A_577], %gather3A_518 {strides = array<i32>} : memref<25x8x128xf32, #tpu.memory_space<vmem>>, vector<16xf32>,
          %swap3A_579 = arith.constant 7 : i32
          %swap3A_580 = arith.index_cast %scan3A_182 : i32 to index
          %swap3A_581 = arith.index_cast %swap3A_579 : i32 to index
          %swap3A_582 = arith.constant 48 : index
          %swap3A_583 = tpu.vector_load %arg11[%swap3A_580, %swap3A_581, %swap3A_582] {strides = array<i32>} : memref<25x8x128xf32, #tpu.memory_space<vmem>>, vector<16xf32>,
          tpu.vector_store %arg11[%swap3A_580, %swap3A_581, %swap3A_582], %gather3A_519 {strides = array<i32>} : memref<25x8x128xf32, #tpu.memory_space<vmem>>, vector<16xf32>,
          %swap3A_584 = arith.constant 7 : i32
          %swap3A_585 = arith.index_cast %scan3A_182 : i32 to index
          %swap3A_586 = arith.index_cast %swap3A_584 : i32 to index
          %swap3A_587 = arith.constant 64 : index
          %swap3A_588 = tpu.vector_load %arg11[%swap3A_585, %swap3A_586, %swap3A_587] {strides = array<i32>} : memref<25x8x128xf32, #tpu.memory_space<vmem>>, vector<16xf32>,
          tpu.vector_store %arg11[%swap3A_585, %swap3A_586, %swap3A_587], %gather3A_520 {strides = array<i32>} : memref<25x8x128xf32, #tpu.memory_space<vmem>>, vector<16xf32>,
          %swap3A_589 = arith.constant 7 : i32
          %swap3A_590 = arith.index_cast %scan3A_182 : i32 to index
          %swap3A_591 = arith.index_cast %swap3A_589 : i32 to index
          %swap3A_592 = arith.constant 80 : index
          %swap3A_593 = tpu.vector_load %arg11[%swap3A_590, %swap3A_591, %swap3A_592] {strides = array<i32>} : memref<25x8x128xf32, #tpu.memory_space<vmem>>, vector<16xf32>,
          tpu.vector_store %arg11[%swap3A_590, %swap3A_591, %swap3A_592], %gather3A_521 {strides = array<i32>} : memref<25x8x128xf32, #tpu.memory_space<vmem>>, vector<16xf32>,
          %swap3A_594 = arith.constant 7 : i32
          %swap3A_595 = arith.index_cast %scan3A_182 : i32 to index
          %swap3A_596 = arith.index_cast %swap3A_594 : i32 to index
          %swap3A_597 = arith.constant 96 : index
          %swap3A_598 = tpu.vector_load %arg11[%swap3A_595, %swap3A_596, %swap3A_597] {strides = array<i32>} : memref<25x8x128xf32, #tpu.memory_space<vmem>>, vector<16xf32>,
          tpu.vector_store %arg11[%swap3A_595, %swap3A_596, %swap3A_597], %gather3A_522 {strides = array<i32>} : memref<25x8x128xf32, #tpu.memory_space<vmem>>, vector<16xf32>,
          %swap3A_599 = arith.constant 7 : i32
          %swap3A_600 = arith.index_cast %scan3A_182 : i32 to index
          %swap3A_601 = arith.index_cast %swap3A_599 : i32 to index
          %swap3A_602 = arith.constant 112 : index
          %swap3A_603 = tpu.vector_load %arg11[%swap3A_600, %swap3A_601, %swap3A_602] {strides = array<i32>} : memref<25x8x128xf32, #tpu.memory_space<vmem>>, vector<16xf32>,
          tpu.vector_store %arg11[%swap3A_600, %swap3A_601, %swap3A_602], %gather3A_523 {strides = array<i32>} : memref<25x8x128xf32, #tpu.memory_space<vmem>>, vector<16xf32>,
        }
        %scan3A_112 = arith.constant 25 : i32
        %jit3A_113 = arith.constant 5 : i32
        %div3A_114 = arith.divsi %add3A_93, %jit3A_113 : i32
        %sign3A_115 = arith.constant 0 : i32
        %sign3A_116 = arith.cmpi sgt, %add3A_93, %sign3A_115 : i32
        %sign3A_117 = arith.extui %sign3A_116 : i1 to i32
        %sign3A_118 = arith.constant 0 : i32
        %sign3A_119 = arith.cmpi slt, %add3A_93, %sign3A_118 : i32
        %sign3A_120 = arith.extui %sign3A_119 : i1 to i32
        %sign3A_121 = arith.subi %sign3A_117, %sign3A_120 : i32
        %sign3A_122 = arith.constant 0 : i32
        %sign3A_123 = arith.cmpi sgt, %jit3A_113, %sign3A_122 : i32
        %sign3A_124 = arith.extui %sign3A_123 : i1 to i32
        %sign3A_125 = arith.constant 0 : i32
        %sign3A_126 = arith.cmpi slt, %jit3A_113, %sign3A_125 : i32
        %sign3A_127 = arith.extui %sign3A_126 : i1 to i32
        %sign3A_128 = arith.subi %sign3A_124, %sign3A_127 : i32
        %ne3A_129 = arith.cmpi ne, %sign3A_121, %sign3A_128 : i32
        %rem3A_130 = arith.remsi %add3A_93, %jit3A_113 : i32
        %ne3A_131 = arith.constant 0 : i32
        %ne3A_132 = arith.cmpi ne, %rem3A_130, %ne3A_131 : i32
        %and3A_133 = arith.andi %ne3A_129, %ne3A_132 : i1
        %sub3A_134 = arith.constant 1 : i32
        %sub3A_135 = arith.subi %div3A_114, %sub3A_134 : i32
        %select_n3A_136 = arith.select %and3A_133, %sub3A_135, %div3A_114 : i32
        %mul3A_137 = arith.constant 5 : i32
        %mul3A_138 = arith.muli %select_n3A_136, %mul3A_137 : i32
        %sub3A_139 = arith.subi %add3A_93, %mul3A_138 : i32
        %jit3A_140 = arith.constant 8 : i32
        %div3A_141 = arith.divsi %select_n3A_136, %jit3A_140 : i32
        %sign3A_142 = arith.constant 0 : i32
        %sign3A_143 = arith.cmpi sgt, %select_n3A_136, %sign3A_142 : i32
        %sign3A_144 = arith.extui %sign3A_143 : i1 to i32
        %sign3A_145 = arith.constant 0 : i32
        %sign3A_146 = arith.cmpi slt, %select_n3A_136, %sign3A_145 : i32
        %sign3A_147 = arith.extui %sign3A_146 : i1 to i32
        %sign3A_148 = arith.subi %sign3A_144, %sign3A_147 : i32
        %sign3A_149 = arith.constant 0 : i32
        %sign3A_150 = arith.cmpi sgt, %jit3A_140, %sign3A_149 : i32
        %sign3A_151 = arith.extui %sign3A_150 : i1 to i32
        %sign3A_152 = arith.constant 0 : i32
        %sign3A_153 = arith.cmpi slt, %jit3A_140, %sign3A_152 : i32
        %sign3A_154 = arith.extui %sign3A_153 : i1 to i32
        %sign3A_155 = arith.subi %sign3A_151, %sign3A_154 : i32
        %ne3A_156 = arith.cmpi ne, %sign3A_148, %sign3A_155 : i32
        %rem3A_157 = arith.remsi %select_n3A_136, %jit3A_140 : i32
        %ne3A_158 = arith.constant 0 : i32
        %ne3A_159 = arith.cmpi ne, %rem3A_157, %ne3A_158 : i32
        %and3A_160 = arith.andi %ne3A_156, %ne3A_159 : i1
        %sub3A_161 = arith.constant 1 : i32
        %sub3A_162 = arith.subi %div3A_141, %sub3A_161 : i32
        %select_n3A_163 = arith.select %and3A_160, %sub3A_162, %div3A_141 : i32
        %mul3A_164 = arith.constant 8 : i32
        %mul3A_165 = arith.muli %select_n3A_163, %mul3A_164 : i32
        %sub3A_166 = arith.subi %select_n3A_136, %mul3A_165 : i32
        %mul3A_167 = arith.constant 25 : i32
        %mul3A_168 = arith.muli %sub3A_139, %mul3A_167 : i32
        %dma_start3A = arith.constant 0 : i32
        %dma_start3A_169 = arith.constant 0 : i32
        %dma_start3A_170 = tpu.memref_slice %arg4[%select_n3A_163, %mul3A_168, %sub3A_166, %dma_start3A, %dma_start3A_169] : memref<50x125x8x8x128xf32, #tpu.memory_space<hbm>> -> memref<1x25x1x8x128xf32, #tpu.memory_space<hbm>>
        %dma_start3A_171 = tpu.memref_squeeze %dma_start3A_170 : memref<1x25x1x8x128xf32, #tpu.memory_space<hbm>> -> memref<25x8x128xf32, #tpu.memory_space<hbm>>
        %dma_start3A_172 = arith.constant 0 : i32
        %dma_start3A_173 = arith.constant 0 : i32
        %dma_start3A_174 = tpu.memref_slice %arg4[%select_n3A_163, %mul3A_168, %sub3A_166, %dma_start3A_172, %dma_start3A_173] : memref<50x125x8x8x128xf32, #tpu.memory_space<hbm>> -> memref<1x25x1x8x128xf32, #tpu.memory_space<hbm>>
        %dma_start3A_175 = tpu.memref_squeeze %dma_start3A_174 : memref<1x25x1x8x128xf32, #tpu.memory_space<hbm>> -> memref<25x8x128xf32, #tpu.memory_space<hbm>>
        tpu.enqueue_dma source(%arg11 : memref<25x8x128xf32, #tpu.memory_space<vmem>>) target(%dma_start3A_175 : memref<25x8x128xf32, #tpu.memory_space<hbm>>) target_semaphore(%arg15 : memref<!tpu.dma_semaphore, #tpu.memory_space<semaphore_mem>>)
        %add3A_176 = arith.constant 2 : i32
        %add3A_177 = arith.addi %add3A_93, %add3A_176 : i32
        %lt3A_178 = arith.cmpi slt, %add3A_177, %min3A_5 : i32
        %convert_element_type3A_179 = arith.extui %lt3A_178 : i1 to i32
        %cond3A_180 = arith.constant 0 : i32
        %cond3A_181 = arith.cmpi ne, %convert_element_type3A_179, %cond3A_180 : i32
        scf.if %cond3A_181 {
          %add3A_182 = arith.constant 2 : i32
          %add3A_183 = arith.addi %add3A_93, %add3A_182 : i32
          %jit3A_184 = arith.constant 5 : i32
          %div3A_185 = arith.divsi %add3A_183, %jit3A_184 : i32
          %sign3A_186 = arith.constant 0 : i32
          %sign3A_187 = arith.cmpi sgt, %add3A_183, %sign3A_186 : i32
          %sign3A_188 = arith.extui %sign3A_187 : i1 to i32
          %sign3A_189 = arith.constant 0 : i32
          %sign3A_190 = arith.cmpi slt, %add3A_183, %sign3A_189 : i32
          %sign3A_191 = arith.extui %sign3A_190 : i1 to i32
          %sign3A_192 = arith.subi %sign3A_188, %sign3A_191 : i32
          %sign3A_193 = arith.constant 0 : i32
          %sign3A_194 = arith.cmpi sgt, %jit3A_184, %sign3A_193 : i32
          %sign3A_195 = arith.extui %sign3A_194 : i1 to i32
          %sign3A_196 = arith.constant 0 : i32
          %sign3A_197 = arith.cmpi slt, %jit3A_184, %sign3A_196 : i32
          %sign3A_198 = arith.extui %sign3A_197 : i1 to i32
          %sign3A_199 = arith.subi %sign3A_195, %sign3A_198 : i32
          %ne3A_200 = arith.cmpi ne, %sign3A_192, %sign3A_199 : i32
          %rem3A_201 = arith.remsi %add3A_183, %jit3A_184 : i32
          %ne3A_202 = arith.constant 0 : i32
          %ne3A_203 = arith.cmpi ne, %rem3A_201, %ne3A_202 : i32
          %and3A_204 = arith.andi %ne3A_200, %ne3A_203 : i1
          %sub3A_205 = arith.constant 1 : i32
          %sub3A_206 = arith.subi %div3A_185, %sub3A_205 : i32
          %select_n3A_207 = arith.select %and3A_204, %sub3A_206, %div3A_185 : i32
          %mul3A_208 = arith.constant 5 : i32
          %mul3A_209 = arith.muli %select_n3A_207, %mul3A_208 : i32
          %sub3A_210 = arith.subi %add3A_183, %mul3A_209 : i32
          %sub3A_211 = arith.subi %select_n3A_207, %min3A_23 : i32
          %get3A = arith.index_cast %sub3A_211 : i32 to index
          %get3A_212 = arith.constant 0 : index
          %get3A_213 = tpu.vector_load %arg5[%get3A, %get3A_212] {strides = array<i32>} : memref<14x128xi32, #tpu.memory_space<vmem>>, vector<16xi32>,
          %add3A_214 = vector.broadcast %sub3A_210 : i32 to vector<16xi32>
          %add3A_215 = arith.addi %get3A_213, %add3A_214 : vector<16xi32>
          %swap3A = arith.constant 0 : index
          %swap3A_216 = tpu.vector_load %arg7[%swap3A] {strides = array<i32>} : memref<128xi32, #tpu.memory_space<vmem>>, vector<16xi32>,
          tpu.vector_store %arg7[%swap3A], %add3A_215 {strides = array<i32>} : memref<128xi32, #tpu.memory_space<vmem>>, vector<16xi32>,
          %get3A_217 = arith.index_cast %sub3A_211 : i32 to index
          %get3A_218 = arith.constant 16 : index
          %get3A_219 = tpu.vector_load %arg5[%get3A_217, %get3A_218] {strides = array<i32>} : memref<14x128xi32, #tpu.memory_space<vmem>>, vector<16xi32>,
          %add3A_220 = vector.broadcast %sub3A_210 : i32 to vector<16xi32>
          %add3A_221 = arith.addi %get3A_219, %add3A_220 : vector<16xi32>
          %swap3A_222 = arith.constant 16 : index
          %swap3A_223 = tpu.vector_load %arg7[%swap3A_222] {strides = array<i32>} : memref<128xi32, #tpu.memory_space<vmem>>, vector<16xi32>,
          tpu.vector_store %arg7[%swap3A_222], %add3A_221 {strides = array<i32>} : memref<128xi32, #tpu.memory_space<vmem>>, vector<16xi32>,
          %get3A_224 = arith.index_cast %sub3A_211 : i32 to index
          %get3A_225 = arith.constant 32 : index
          %get3A_226 = tpu.vector_load %arg5[%get3A_224, %get3A_225] {strides = array<i32>} : memref<14x128xi32, #tpu.memory_space<vmem>>, vector<16xi32>,
          %add3A_227 = vector.broadcast %sub3A_210 : i32 to vector<16xi32>
          %add3A_228 = arith.addi %get3A_226, %add3A_227 : vector<16xi32>
          %swap3A_229 = arith.constant 32 : index
          %swap3A_230 = tpu.vector_load %arg7[%swap3A_229] {strides = array<i32>} : memref<128xi32, #tpu.memory_space<vmem>>, vector<16xi32>,
          tpu.vector_store %arg7[%swap3A_229], %add3A_228 {strides = array<i32>} : memref<128xi32, #tpu.memory_space<vmem>>, vector<16xi32>,
          %get3A_231 = arith.index_cast %sub3A_211 : i32 to index
          %get3A_232 = arith.constant 48 : index
          %get3A_233 = tpu.vector_load %arg5[%get3A_231, %get3A_232] {strides = array<i32>} : memref<14x128xi32, #tpu.memory_space<vmem>>, vector<16xi32>,
          %add3A_234 = vector.broadcast %sub3A_210 : i32 to vector<16xi32>
          %add3A_235 = arith.addi %get3A_233, %add3A_234 : vector<16xi32>
          %swap3A_236 = arith.constant 48 : index
          %swap3A_237 = tpu.vector_load %arg7[%swap3A_236] {strides = array<i32>} : memref<128xi32, #tpu.memory_space<vmem>>, vector<16xi32>,
          tpu.vector_store %arg7[%swap3A_236], %add3A_235 {strides = array<i32>} : memref<128xi32, #tpu.memory_space<vmem>>, vector<16xi32>,
          %get3A_238 = arith.index_cast %sub3A_211 : i32 to index
          %get3A_239 = arith.constant 64 : index
          %get3A_240 = tpu.vector_load %arg5[%get3A_238, %get3A_239] {strides = array<i32>} : memref<14x128xi32, #tpu.memory_space<vmem>>, vector<16xi32>,
          %add3A_241 = vector.broadcast %sub3A_210 : i32 to vector<16xi32>
          %add3A_242 = arith.addi %get3A_240, %add3A_241 : vector<16xi32>
          %swap3A_243 = arith.constant 64 : index
          %swap3A_244 = tpu.vector_load %arg7[%swap3A_243] {strides = array<i32>} : memref<128xi32, #tpu.memory_space<vmem>>, vector<16xi32>,
          tpu.vector_store %arg7[%swap3A_243], %add3A_242 {strides = array<i32>} : memref<128xi32, #tpu.memory_space<vmem>>, vector<16xi32>,
          %get3A_245 = arith.index_cast %sub3A_211 : i32 to index
          %get3A_246 = arith.constant 80 : index
          %get3A_247 = tpu.vector_load %arg5[%get3A_245, %get3A_246] {strides = array<i32>} : memref<14x128xi32, #tpu.memory_space<vmem>>, vector<16xi32>,
          %add3A_248 = vector.broadcast %sub3A_210 : i32 to vector<16xi32>
          %add3A_249 = arith.addi %get3A_247, %add3A_248 : vector<16xi32>
          %swap3A_250 = arith.constant 80 : index
          %swap3A_251 = tpu.vector_load %arg7[%swap3A_250] {strides = array<i32>} : memref<128xi32, #tpu.memory_space<vmem>>, vector<16xi32>,
          tpu.vector_store %arg7[%swap3A_250], %add3A_249 {strides = array<i32>} : memref<128xi32, #tpu.memory_space<vmem>>, vector<16xi32>,
          %get3A_252 = arith.index_cast %sub3A_211 : i32 to index
          %get3A_253 = arith.constant 96 : index
          %get3A_254 = tpu.vector_load %arg5[%get3A_252, %get3A_253] {strides = array<i32>} : memref<14x128xi32, #tpu.memory_space<vmem>>, vector<16xi32>,
          %add3A_255 = vector.broadcast %sub3A_210 : i32 to vector<16xi32>
          %add3A_256 = arith.addi %get3A_254, %add3A_255 : vector<16xi32>
          %swap3A_257 = arith.constant 96 : index
          %swap3A_258 = tpu.vector_load %arg7[%swap3A_257] {strides = array<i32>} : memref<128xi32, #tpu.memory_space<vmem>>, vector<16xi32>,
          tpu.vector_store %arg7[%swap3A_257], %add3A_256 {strides = array<i32>} : memref<128xi32, #tpu.memory_space<vmem>>, vector<16xi32>,
          %get3A_259 = arith.index_cast %sub3A_211 : i32 to index
          %get3A_260 = arith.constant 112 : index
          %get3A_261 = tpu.vector_load %arg5[%get3A_259, %get3A_260] {strides = array<i32>} : memref<14x128xi32, #tpu.memory_space<vmem>>, vector<16xi32>,
          %add3A_262 = vector.broadcast %sub3A_210 : i32 to vector<16xi32>
          %add3A_263 = arith.addi %get3A_261, %add3A_262 : vector<16xi32>
          %swap3A_264 = arith.constant 112 : index
          %swap3A_265 = tpu.vector_load %arg7[%swap3A_264] {strides = array<i32>} : memref<128xi32, #tpu.memory_space<vmem>>, vector<16xi32>,
          tpu.vector_store %arg7[%swap3A_264], %add3A_263 {strides = array<i32>} : memref<128xi32, #tpu.memory_space<vmem>>, vector<16xi32>,
          %dma_start3A_266 = arith.constant 0 : i32
          %dma_start3A_267 = arith.constant 0 : i32
          %dma_start3A_268 = tpu.memref_slice %arg3[%dma_start3A_266, %dma_start3A_267] : memref<5000x200xf32, #tpu.memory_space<hbm>> -> memref<5000x200xf32, #tpu.memory_space<hbm>>
          tpu.enqueue_indirect_dma source(%dma_start3A_268 : memref<5000x200xf32, #tpu.memory_space<hbm>>) target(%arg9 : memref<128x200xf32, #tpu.memory_space<vmem>>) offsets(%arg7 : memref<128xi32, #tpu.memory_space<vmem>>) semaphore(%arg13 : memref<!tpu.dma_semaphore, #tpu.memory_space<semaphore_mem>>)
        } else {
        }
      } else {
      }
    }
    %scan3A_66 = arith.constant 32 : i32
    %add3A_67 = arith.constant 0 : i32
    %add3A_68 = arith.addi %mul3A_2, %add3A_67 : i32
    %lt3A_69 = arith.cmpi slt, %add3A_68, %min3A_5 : i32
    %convert_element_type3A_70 = arith.extui %lt3A_69 : i1 to i32
    %cond3A_71 = arith.constant 0 : i32
    %cond3A_72 = arith.cmpi ne, %convert_element_type3A_70, %cond3A_71 : i32
    scf.if %cond3A_72 {
      %dma_wait3A = arith.constant 0 : i32
      %dma_wait3A_79 = arith.constant 0 : i32
      %dma_wait3A_80 = arith.constant 0 : i32
      %dma_wait3A_81 = arith.constant 0 : i32
      %dma_wait3A_82 = arith.constant 0 : i32
      %dma_wait3A_83 = tpu.memref_slice %arg4[%dma_wait3A, %dma_wait3A_80, %dma_wait3A_79, %dma_wait3A_81, %dma_wait3A_82] : memref<50x125x8x8x128xf32, #tpu.memory_space<hbm>> -> memref<1x25x1x8x128xf32, #tpu.memory_space<hbm>>
      %dma_wait3A_84 = tpu.memref_squeeze %dma_wait3A_83 : memref<1x25x1x8x128xf32, #tpu.memory_space<hbm>> -> memref<25x8x128xf32, #tpu.memory_space<hbm>>
      %dma_wait3A_85 = arith.constant 0 : i32
      %dma_wait3A_86 = arith.constant 0 : i32
      %dma_wait3A_87 = arith.constant 0 : i32
      %dma_wait3A_88 = tpu.memref_slice %arg4[%dma_wait3A, %dma_wait3A_85, %dma_wait3A_79, %dma_wait3A_86, %dma_wait3A_87] : memref<50x125x8x8x128xf32, #tpu.memory_space<hbm>> -> memref<1x25x1x8x128xf32, #tpu.memory_space<hbm>>
      %dma_wait3A_89 = tpu.memref_squeeze %dma_wait3A_88 : memref<1x25x1x8x128xf32, #tpu.memory_space<hbm>> -> memref<25x8x128xf32, #tpu.memory_space<hbm>>
      tpu.wait_dma2 semaphore(%arg14 : memref<!tpu.dma_semaphore, #tpu.memory_space<semaphore_mem>>) src(%arg10 : memref<25x8x128xf32, #tpu.memory_space<vmem>>) dst(%dma_wait3A_89 : memref<25x8x128xf32, #tpu.memory_space<hbm>>)
    } else {
    }
    %add3A_73 = arith.constant 1 : i32
    %add3A_74 = arith.addi %mul3A_2, %add3A_73 : i32
    %lt3A_75 = arith.cmpi slt, %add3A_74, %min3A_5 : i32
    %convert_element_type3A_76 = arith.extui %lt3A_75 : i1 to i32
    %cond3A_77 = arith.constant 0 : i32
    %cond3A_78 = arith.cmpi ne, %convert_element_type3A_76, %cond3A_77 : i32
    scf.if %cond3A_78 {
      %dma_wait3A = arith.constant 0 : i32
      %dma_wait3A_79 = arith.constant 0 : i32
      %dma_wait3A_80 = arith.constant 0 : i32
      %dma_wait3A_81 = arith.constant 0 : i32
      %dma_wait3A_82 = arith.constant 0 : i32
      %dma_wait3A_83 = tpu.memref_slice %arg4[%dma_wait3A, %dma_wait3A_80, %dma_wait3A_79, %dma_wait3A_81, %dma_wait3A_82] : memref<50x125x8x8x128xf32, #tpu.memory_space<hbm>> -> memref<1x25x1x8x128xf32, #tpu.memory_space<hbm>>
      %dma_wait3A_84 = tpu.memref_squeeze %dma_wait3A_83 : memref<1x25x1x8x128xf32, #tpu.memory_space<hbm>> -> memref<25x8x128xf32, #tpu.memory_space<hbm>>
      %dma_wait3A_85 = arith.constant 0 : i32
      %dma_wait3A_86 = arith.constant 0 : i32
      %dma_wait3A_87 = arith.constant 0 : i32
      %dma_wait3A_88 = tpu.memref_slice %arg4[%dma_wait3A, %dma_wait3A_85, %dma_wait3A_79, %dma_wait3A_86, %dma_wait3A_87] : memref<50x125x8x8x128xf32, #tpu.memory_space<hbm>> -> memref<1x25x1x8x128xf32, #tpu.memory_space<hbm>>
      %dma_wait3A_89 = tpu.memref_squeeze %dma_wait3A_88 : memref<1x25x1x8x128xf32, #tpu.memory_space<hbm>> -> memref<25x8x128xf32, #tpu.memory_space<hbm>>
      tpu.wait_dma2 semaphore(%arg15 : memref<!tpu.dma_semaphore, #tpu.memory_space<semaphore_mem>>) src(%arg11 : memref<25x8x128xf32, #tpu.memory_space<vmem>>) dst(%dma_wait3A_89 : memref<25x8x128xf32, #tpu.memory_space<hbm>>)
    } else {
    }
    return
  }
}

</mosaic_0001>

<sc_bundles>
// kernel: kernel.3.cloned.1.call-start
scs
__scs_entry_jumppad:
0x0: {  	(pc) =	sbr.rel $0x88, $3  }
0x1: {  	(tag) =	ssettag $0x0;
	lr =	simm.s32 $0x1  }
0x2: {  	[smem:$0x3F9F] =	sst lr;
	_ =	strace $0xD0000000  }
0x3: {  	_ = 	snop  }
0x4: {  	_ = 	snop  }
0x5: {  	_ = 	snop  }
0x6: {  	_ = 	snop  }
0x7: {  	_ = 	snop  }
__scs_overlays_trampoline_lowered:
0x8: {  	[smem:$0x3FAE] =	sst s0  }
0x9: {  	[smem:$0x3FAF] =	sst s1  }
0xa: {  	[smem:$0x3FB0] =	sst s2  }
0xb: {  	[smem:$0x3FB1] =	sst s3  }
0xc: {  	[smem:$0x3FB2] =	sst s4  }
0xd: {  	[smem:$0x3FB3] =	sst s5  }
0xe: {  	[smem:$0x3FB4] =	sst s6  }
0xf: {  	[smem:$0x3FB5] =	sst s7  }
0x10: {  	[smem:$0x3FB6] =	sst s8  }
0x11: {  	[smem:$0x3FB7] =	sst s9;
	s0 =	simm.s32 @!p0 $0x0  }
0x12: {  	s1 =	sld [smem:$0x3F9D];
	s0 =	simm.s32 @p0 $0x1  }
0x13: {  	[smem:$0x3FB8] =	sst s0;
	s0 =	simm.s32 @!p1 $0x0  }
0x14: {  	s2 =	sld [smem:$0x3F9C];
	s0 =	simm.s32 @p1 $0x1  }
0x15: {  	[smem:$0x3FB9] =	sst s0;
	s0 =	simm.s32 @!p2 $0x0  }
0x16: {  	s3 =	sld [smem:$0x3FDB];
	s0 =	simm.s32 @p2 $0x1  }
0x17: {  	s4 =	simm.s32 $0x1BF5;
	[smem:$0x3FBB] =	sst s0  }
0x18: {  	s0 =	sld [smem:$0x3F9E];
	_ =	swait.ge [sflag:s4], $0x0  }
0x19: {  	s7 =	sld [smem:$0x3F9F]  }
0x1a: {  	s8 =	sadd.s32 $0xFFFFE003, lr  }
0x1b: {  	s9 =	sadd.s32 $0xFFFFFEF7, lr;
	s5 =	simm.s32 $0xFFFFFFFF;
	p2 =	slt.u32 s8, $0xFFFFF086  }
0x1c: {  	p1 =	slt.u32 s9, $0xF7A;
	s5 =	simm.s32 @!p2 $0x0  }
0x1d: {  	s5 =	simm.s32 @p1 $0x1;
	p0 =	seq.s32 s7, s2  }
0x1e: {  	s7 =	smul.u32 @!p0 $0xF7A, s2;
	p2 =	seq.s32 @!p0 s5, $0x0  }
0x1f: {  	s9 =	smul.u32 $0xF7A, s1;
	s8 =	simm.s32 @!p0 $0x1BF5;
	p2 =	por !p2, p0  }
0x20: {  	[sflag:s8] =	ssyncset.s32 @!p0 $0xFFFFF086;
	s6 =	sadd.s32 @!p0 s3, s7;
	s7 =	simm.s32 @!p0 $0x108  }
0x21: {  	s3 =	sadd.s32 s3, s9;
	s6 =	sadd.s32 @!p0 $0x88, s6;
	s7 =	simm.s32 @p2 $0x1082  }
0x22: {  	[simem:s7], [sflag:s8] =	dma.local @!p0 [hbm:s6], $0xF7A  }
0x23: {  	s9 =	sor.u32 $0xD0000000, s2;
	s6 =	simm.s32 $0x108;
	_ =	swait.ge @!p0 [sflag:s8], $0x0  }
0x24: {  	s3 =	sadd.s32 $0x88, s3;
	s6 =	simm.s32 @!p1 $0x1082;
	[sflag:s4] =	ssyncset.s32 $0xFFFFF086  }
0x25: {  	[simem:s6], [sflag:s4] =	dma.local [hbm:s3], $0xF7A  }
0x26: {  	[smem:$0x3F9F] =	sst s1;
	(tag) =	ssettag s2;
	_ =	strace s9  }
0x27: {  	s1 =	sld [smem:$0x3FAF]  }
0x28: {  	s2 =	sld [smem:$0x3FB0]  }
0x29: {  	s4 =	sld [smem:$0x3FB2]  }
0x2a: {  	p0 =	seq.s32 s5, $0x0;
	s5 =	sld [smem:$0x3FB3]  }
0x2b: {  	s6 =	sld [smem:$0x3FB4]  }
0x2c: {  	s7 =	sld [smem:$0x3FB5]  }
0x2d: {  	s3 =	simm.s32 $0x108;
	s8 =	sld [smem:$0x3FB6]  }
0x2e: {  	s3 =	simm.s32 @!p0 $0x1082;
	s9 =	sld [smem:$0x3FB7]  }
0x2f: {  	lr =	sadd.s32 s0, s3;
	s0 =	sld [smem:$0x3FAE]  }
0x30: {  	s3 =	sld [smem:$0x3FB1]  }
0x31: {  	[smem:$0x3FBA] =	sst s10  }
0x32: {  	s10 =	sld [smem:$0x3FB8];
	_ =	sdelay $0x3  }
0x33: {  	p0 =	seq.s32 s10, $0x1;
	s10 =	sld [smem:$0x3FBA];
	_ =	sdelay $0x3  }
0x34: {  	[smem:$0x3FBA] =	sst s10  }
0x35: {  	s10 =	sld [smem:$0x3FB9];
	_ =	sdelay $0x3  }
0x36: {  	p1 =	seq.s32 s10, $0x1;
	s10 =	sld [smem:$0x3FBA];
	_ =	sdelay $0x3  }
0x37: {  	[smem:$0x3FBA] =	sst s10  }
0x38: {  	s10 =	sld [smem:$0x3FBB]  }
0x39: {  	_ = 	snop;
	(pc) =	sbr.ind lr, $3  }
0x3a: {  	_ = 	snop  }
0x3b: {  	_ = 	snop  }
0x3c: {  	p2 =	seq.s32 s10, $0x1;
	s10 =	sld [smem:$0x3FBA]  }
0x3d: {  	_ =	shalt  }
0x3e: {  	_ =	shalt  }
0x3f: {  	_ =	shalt  }
0x40: {  	_ =	shalt  }
0x41: {  	_ =	shalt  }
0x42: {  	_ =	shalt  }
0x43: {  	_ =	shalt  }
0x44: {  	_ =	shalt  }
0x45: {  	_ =	shalt  }
0x46: {  	_ =	shalt  }
0x47: {  	_ =	shalt  }
0x48: {  	_ =	shalt  }
0x49: {  	_ =	shalt  }
0x4a: {  	_ =	shalt  }
0x4b: {  	_ =	shalt  }
0x4c: {  	_ =	shalt  }
0x4d: {  	_ =	shalt  }
0x4e: {  	_ =	shalt  }
0x4f: {  	_ =	shalt  }
0x50: {  	_ =	shalt  }
0x51: {  	_ =	shalt  }
0x52: {  	_ =	shalt  }
0x53: {  	_ =	shalt  }
0x54: {  	_ =	shalt  }
0x55: {  	_ =	shalt  }
0x56: {  	_ =	shalt  }
0x57: {  	_ =	shalt  }
0x58: {  	_ =	shalt  }
0x59: {  	_ =	shalt  }
0x5a: {  	_ =	shalt  }
0x5b: {  	_ =	shalt  }
0x5c: {  	_ =	shalt  }
0x5d: {  	_ =	shalt  }
0x5e: {  	_ =	shalt  }
0x5f: {  	_ =	shalt  }
0x60: {  	_ =	shalt  }
0x61: {  	_ =	shalt  }
0x62: {  	_ =	shalt  }
0x63: {  	_ =	shalt  }
0x64: {  	_ =	shalt  }
0x65: {  	_ =	shalt  }
0x66: {  	_ =	shalt  }
0x67: {  	_ =	shalt  }
0x68: {  	_ =	shalt  }
0x69: {  	_ =	shalt  }
0x6a: {  	_ =	shalt  }
0x6b: {  	_ =	shalt  }
0x6c: {  	_ =	shalt  }
0x6d: {  	_ =	shalt  }
0x6e: {  	_ =	shalt  }
0x6f: {  	_ =	shalt  }
0x70: {  	_ =	shalt  }
0x71: {  	_ =	shalt  }
0x72: {  	_ =	shalt  }
0x73: {  	_ =	shalt  }
0x74: {  	_ =	shalt  }
0x75: {  	_ =	shalt  }
0x76: {  	_ =	shalt  }
0x77: {  	_ =	shalt  }
0x78: {  	_ =	shalt  }
0x79: {  	_ =	shalt  }
0x7a: {  	_ =	shalt  }
0x7b: {  	_ =	shalt  }
0x7c: {  	_ =	shalt  }
0x7d: {  	_ =	shalt  }
0x7e: {  	_ =	shalt  }
0x7f: {  	_ =	shalt  }
0x80: {  	_ =	shalt  }
0x81: {  	_ =	shalt  }
0x82: {  	_ =	shalt  }
0x83: {  	_ =	shalt  }
0x84: {  	_ =	shalt  }
0x85: {  	_ =	shalt  }
0x86: {  	_ =	shalt  }
0x87: {  	_ =	shalt  }
.Lfunc_end0:
.L_simem_size_0:
called_computation_lowered:
.L_overlay_start_0:
0x88: {  	s2 =	sld [smem:$0x3FD9]  }
0x89: {  	s3 =	sld [smem:$0x3FFE];
	_ =	sdelay $0x1  }
0x8a: {  	s1 =	srdreg.scid  }
0x8b: {  	s0 =	sand.u32 $0x1, s1  }
0x8c: {  	s17 =	sshll.u32 s0, $0xA;
	s2 =	sadd.s32 s3, s2  }
0x8d: {  	s2 =	sadd.s32 s2, s17  }
0x8e: {  	[smem:$0x3FC6] =	sst s2  }
0x8f: {  	_ = 	snop  }
0x90: {  	s2 =	sld [smem:$0x3FD0];
	(tm) =	ssettm $0x1  }
0x91: {  	s18 =	sld [smem:$0x3FFB];
	_ =	sdelay $0x3  }
0x92: {  	_ =	strace s18  }
0x93: {  	s3 =	sld [smem:$0x3FFC];
	_ =	sdelay $0x3  }
0x94: {  	_ =	strace s3  }
0x95: {  	s3 =	sld [smem:$0x3FFD];
	_ =	sdelay $0x3  }
0x96: {  	_ =	strace s3  }
0x97: {  	_ =	strace $0x8FFFFFFF  }
0x98: {  	s19 =	sld [smem:$0x3FDB];
	_ =	sdelay $0x1  }
0x99: {  	s4 =	simm.s32 $_scs_section_size  }
0x9a: {  	s5 =	simm.s32 $_size__tile_overlayer_lowered;
	s6 =	simm.s32 $_tile_overlayer_lowered  }
0x9b: {  	s22 =	simm.s32 $0x1BFF;
	s21 =	sshll.u32 s6, $0x1;
	s3 =	sadd.s32 s4, s19  }
0x9c: {  	s7 =	simm.s32 $0x0;
	s20 =	sshll.u32 s5, $0x1;
	s5 =	sadd.s32 s21, s3  }
0x9d: {  	[timem:s7], [sflag:s22] =	dma.local [hbm:s5], s20  }
0x9e: {  	_ =	swait.ge [sflag:s22], s20  }
0x9f: {  	s4 =	ssub.s32 $0x0, s20;
	[sflag:s22] =	ssyncset.done $0x0  }
0xa0: {  	[sflag:s22] =	ssyncadd.s32 s4;
	_ =	sdelay $0x1  }
0xa1: {  	s23 =	simm.s32 $0x1B8B  }
0xa2: {  	_ =	swait.ge [sflag:s23], $0x1  }
0xa3: {  	[sflag:s23] =	ssyncset.done $0x0  }
0xa4: {  	s25 =	simm.s32 $0x1B8E;
	s24 =	sld [smem:$0x3FFE];
	[sflag:s23] =	ssyncadd.s32 $0xFFFFFFFF  }
0xa5: {  	s26 =	simm.s32 $execute0_lowered;
	[smem:$0x3FD2] =	sst s25  }
0xa6: {  	s5 =	sshll.u32 s26, $0x1;
	_ =	strace $0x80000046;
	[dreg:$0x1] =	wrdreg $0xFFFFFFFF  }
0xa7: {  	s28 =	simm.s32 $_size_execute0_lowered;
	s3 =	sadd.s32 s3, s5;
	[dreg:$0x0] =	wrdreg $0x0  }
0xa8: {  	s5 =	sshll.u32 s28, $0x1;
	[dreg:$0x2] =	wrdreg s3  }
0xa9: {  	[dreg:$0x3] =	wrdreg s5  }
0xaa: {  	[dreg:$0x4] =	wrdreg $0xC0  }
0xab: {  	_ =	task [dreg:s7], $0x5FFFF  }
0xac: {  	[dreg:$0x1] =	wrdreg $0xFFFFFFFF  }
0xad: {  	[dreg:$0x0] =	wrdreg $0x60  }
0xae: {  	[dreg:$0x2] =	wrdreg s24  }
0xaf: {  	[dreg:$0x3] =	wrdreg s2  }
0xb0: {  	[dreg:$0x4] =	wrdreg $0x9  }
0xb1: {  	_ =	task.clear_ibuf [dreg:s7], $0x5FFFF;
	_ =	strace $0x90000046  }
0xb2: {  	s29 =	simm.s32 $0x9;
	_ =	strace $0x80000048  }
0xb3: {  	_ =	swait.ge [sflag:s29], $0x1  }
0xb4: {  	[sflag:s29] =	ssyncadd.s32 $0xFFFFFFFF  }
0xb5: {  	_ =	strace $0x90000048  }
0xb6: {  	_ =	sfence  }
0xb7: {  	s30 =	sld [smem:$0x0];
	_ =	sdelay $0x2  }
0xb8: {  	s31 =	sshll.u32 s1, $0xD;
	s1 =	sshrl.u32 s1, $0x2  }
0xb9: {  	s3 =	sand.u32 $0x4000, s31;
	s1 =	sadd.s32 s1, s30  }
0xba: {  	s0 =	sor.u32 s3, s0;
	s1 =	sshll.u32 s1, $0x11  }
0xbb: {  	s0 =	sor.u32 s1, s0  }
0xbc: {  	s0 =	sadd.s32 $0x8F2B, s0  }
0xbd: {  	[sflag:s0] =	ssyncadd.remote.s32 $0x1  }
0xbe: {  	_ =	sfence.sel $0xFFFF  }
0xbf: {  	[dreg:$0x0] =	wrdreg $0xFFFFFFFF;
	(pc) =	sbr.abs _section_cstart, $3  }
0xc0: {  	[dreg:$0x1] =	wrdreg $0xFFFFFFFF  }
0xc1: {  	_ =	task.clear_ibuf [dreg:s7], $0x2FFFF;
	_ =	strace $0x9FFFFFFF  }
0xc2: {  	(tm) =	ssettm $0x7FFFFFFF  }
0xc3: {  	_ =	shalt  }
tec
execute0_lowered:
.L_overlay_start_1:
0x0: {  	(tag) =	ssettag $0x1  }
0x1: {  	s1 =	srdreg.scid;
	s0 =	stileid.u32  }
0x2: {  	s6 =	sand.u32 $0x1, s1;
	s26 =	sshll.u32 s0, $0x1  }
0x3: {  	s2 =	sor.u32 s6, s26  }
0x4: {  	s1 =	smul.u32 $0x3F, s2;
	_ =	sdelay $0x1  }
0x5: {  	s2 =	smul.u32 $0xC99CC, s2;
	s13 =	sadd.s32 $0x1, s1  }
0x6: {  	v0 =	vlaneseq.u32;
	s3 =	smul.u32 $0x3334, s13  }
0x7: {  	v0 =	vmul.u32 $0xC8, v0;
	s8 =	sshrl.u32 s2, $0x10  }
0x8: {  	s2 =	smul.u32 $0xFFFFFFFB, s8;
	s9 =	sshrl.u32 s3, $0x10  }
0x9: {  	v33 =	vor.u32 $0x2, v0;
	v34 =	vadd.s32 $0xC82, v0;
	v35 =	vadd.s32 $0x1902, v0;
	s3 =	smul.u32 $0xFFFFFFFB, s9  }
0xa: {  	v36 =	vadd.s32 $0x2582, v0;
	v37 =	vadd.s32 $0x3202, v0;
	v38 =	vadd.s32 $0x3E82, v0;
	s2 =	sadd.s32 s1, s2  }
0xb: {  	v39 =	vadd.s32 $0x4B02, v0;
	v40 =	vadd.s32 $0x5782, v0;
	v1 =	vmov s2;
	s3 =	sadd.s32 s13, s3  }
0xc: {  	v41 =	vor.u32 $0x3, v0;
	v42 =	vadd.s32 $0xC83, v0;
	[tilespmem:$0x1FEF0] =	vst v1;
	v1 =	vmov s3  }
0xd: {  	v43 =	vadd.s32 $0x1903, v0;
	v44 =	vadd.s32 $0x2583, v0;
	[tilespmem:$0x1FF00] =	vst v1;
	v1 =	vadd.s32 $0xC80, v0  }
0xe: {  	v45 =	vadd.s32 $0x3203, v0;
	v46 =	vadd.s32 $0x3E83, v0;
	[tilespmem:$0x1FF10] =	vst v1;
	v1 =	vadd.s32 $0x1900, v0  }
0xf: {  	v47 =	vadd.s32 $0x4B03, v0;
	v48 =	vadd.s32 $0x5783, v0;
	[tilespmem:$0x1FF20] =	vst v1;
	v1 =	vadd.s32 $0x2580, v0  }
0x10: {  	v49 =	vor.u32 $0x4, v0;
	v50 =	vadd.s32 $0xC84, v0;
	[tilespmem:$0x1FF30] =	vst v1;
	v1 =	vadd.s32 $0x3200, v0  }
0x11: {  	v51 =	vadd.s32 $0x1904, v0;
	v52 =	vadd.s32 $0x2584, v0;
	[tilespmem:$0x1FF40] =	vst v1;
	v1 =	vadd.s32 $0x3E80, v0  }
0x12: {  	s7 =	rddreg [dreg:$0x0];
	s14 =	simm.s32 $0x800;
	s15 =	simm.s32 $0x400;
	v53 =	vadd.s32 $0x3204, v0;
	v54 =	vadd.s32 $0x3E84, v0;
	[tilespmem:$0x1FF50] =	vst v1;
	v1 =	vadd.s32 $0x4B00, v0  }
0x13: {  	s4 =	simm.s32 $0x0;
	s16 =	simm.s32 $0x2000;
	s17 =	simm.s32 $0xD000;
	v55 =	vadd.s32 $0x4B04, v0;
	v56 =	vadd.s32 $0x5784, v0;
	[tilespmem:$0x1FF60] =	vst v1;
	v1 =	vadd.s32 $0x5780, v0  }
0x14: {  	s18 =	simm.s32 $0x2;
	s19 =	simm.s32 $0x6C00;
	s11 =	ssub.s32 $0x2, s6;
	v57 =	vor.u32 $0x5, v0;
	v58 =	vadd.s32 $0xC85, v0;
	[tilespmem:$0x1FF70] =	vst v1;
	v1 =	vor.u32 $0x1, v0  }
0x15: {  	s20 =	simm.s32 $0x13400;
	s21 =	simm.s32 $0x0;
	s12 =	sshrl.u32 s11, $0x1;
	v59 =	vadd.s32 $0x1905, v0;
	v60 =	vadd.s32 $0x2585, v0;
	[tilespmem:$0x1FF80] =	vst v1;
	v1 =	vadd.s32 $0xC81, v0  }
0x16: {  	[smem:$0x7FF] =	sst s4;
	s6 =	sadd.s32 $0x1E00, s7;
	v61 =	vadd.s32 $0x3205, v0;
	v62 =	vadd.s32 $0x3E85, v0;
	s11 =	ssub.s32 s11, s12;
	[tilespmem:$0x1FF90] =	vst v1;
	v1 =	vadd.s32 $0x1901, v0  }
0x17: {  	v63 =	vadd.s32 $0x4B05, v0;
	v18 =	vadd.s32 $0x5785, v0;
	s12 =	simm.s32 $0x5;
	s28 =	smin.u32 s1, $0x791;
	s5 =	smin.u32 s8, $0x182;
	[tilespmem:$0x1FFA0] =	vst v1;
	v1 =	vadd.s32 $0x2581, v0  }
0x18: {  	v19 =	vor.u32 $0x6, v0;
	v20 =	vadd.s32 $0xC86, v0;
	s11 =	smax.u32 s11, $0x1;
	s10 =	sshll.u32 s5, $0x4;
	s29 =	ssub.s32 s8, s5;
	[tilespmem:$0x1FFB0] =	vst v1;
	v1 =	vadd.s32 $0x3201, v0  }
.Ltmp0:
0x19: {  	v21 =	vadd.s32 $0x1906, v0;
	v22 =	vadd.s32 $0x2586, v0;
	s10 =	sadd.s32 s10, s7;
	s7 =	sadd.s32 $0x3F, s28;
	[tilespmem:$0x1FFC0] =	vst v1;
	v1 =	vadd.s32 $0x3E81, v0;
	(pc) =	sbr.rel .LBB2_1-.Ltmp0, $4  }
0x1a: {  	v23 =	vadd.s32 $0x3206, v0;
	v24 =	vadd.s32 $0x3E86, v0;
	s30 =	sshll.u32 s29, $0x9;
	s2 =	rddreg [dreg:$0x2];
	s9 =	ssub.s32 s9, s5;
	[tilespmem:$0x1FFD0] =	vst v1;
	v1 =	vadd.s32 $0x4B01, v0  }
0x1b: {  	v25 =	vadd.s32 $0x4B06, v0;
	v26 =	vadd.s32 $0x5786, v0;
	s8 =	sadd.s32 $0x400, s10;
	p0 =	sge.u32 s1, s7;
	s31 =	sshll.u32 s9, $0x9;
	[tilespmem:$0x1FFE0] =	vst v1;
	v1 =	vadd.s32 $0x5781, v0  }
0x1c: {  	v27 =	vor.u32 $0x7, v0;
	v28 =	vadd.s32 $0xC87, v0;
	v29 =	vadd.s32 $0x1907, v0;
	p1 =	sge.u32 s13, s7;
	s9 =	sshra.s32 s30, $0x2;
	s10 =	sshra.s32 s31, $0x2;
	[tilespmem:$0x1FFF0] =	vst v1  }
0x1d: {  	v30 =	vadd.s32 $0x2587, v0;
	v31 =	vadd.s32 $0x3207, v0;
	v32 =	vadd.s32 $0x3E87, v0;
	s13 =	simm.s32 $0x1;
	s3 =	rddreg [dreg:$0x1];
	_ =	strace $0x80000047  }
.LBB2_11:
0x1e: {  	s22 =	simm.s32 @!p0 $0x3;
	s21 =	sadd.s32 $0x1, s21  }
0x1f: {  	_ =	swait.ge @!p0 [sflag:s22], $0x6400;
	p2 =	sne.s32 s21, s11  }
.Ltmp1:
0x20: {  	[sflag:s22] =	ssyncset.done @!p0 $0x0;
	(pc) =	sbr.rel @!p2 .LBB2_12-.Ltmp1, $4  }
0x21: {  	[sflag:s22] =	ssyncadd.s32 @!p0 $0xFFFF9C00;
	s22 =	simm.s32 @!p1 $0x4  }
0x22: {  	_ =	swait.ge @!p1 [sflag:s22], $0x6400  }
0x23: {  	[sflag:s22] =	ssyncset.done @!p1 $0x0  }
0x24: {  	[sflag:s22] =	ssyncadd.s32 @!p1 $0xFFFF9C00  }
.LBB2_1:
0x25: {  	[tilespmem:s4], [sflag:$0x5] =	stream.linear.gather [hbm4b:s8+s4], $0x700, $0x38;
	[tilespmem:$0x19800] =	vst v63  }
0x26: {  	_ =	swait.ge [sflag:s12], $0x700  }
0x27: {  	[sflag:s12] =	ssyncset.done $0x0  }
0x28: {  	v2 =	vld [tilespmem:$0x1FEF0];
	[sflag:s12] =	ssyncadd.s32 $0xFFFFF900  }
0x29: {  	v1 =	vld @!p0 [tilespmem:s9+$0x0];
	_ =	sdelay $0x4  }
0x2a: {  	v1 =	vadd.s32 @!p0 v2, v1  }
0x2b: {  	[tilespmem:$0x700] =	vst @!p0 v1  }
0x2c: {  	v1 =	vld @!p0 [tilespmem:s9+$0x10];
	_ =	sdelay $0x4  }
0x2d: {  	v1 =	vadd.s32 @!p0 v2, v1  }
0x2e: {  	[tilespmem:$0x710] =	vst @!p0 v1  }
0x2f: {  	v1 =	vld @!p0 [tilespmem:s9+$0x20];
	_ =	sdelay $0x4  }
0x30: {  	v1 =	vadd.s32 @!p0 v2, v1  }
0x31: {  	[tilespmem:$0x720] =	vst @!p0 v1  }
0x32: {  	v1 =	vld @!p0 [tilespmem:s9+$0x30];
	_ =	sdelay $0x4  }
0x33: {  	v1 =	vadd.s32 @!p0 v2, v1  }
0x34: {  	[tilespmem:$0x730] =	vst @!p0 v1  }
0x35: {  	v1 =	vld @!p0 [tilespmem:s9+$0x40];
	_ =	sdelay $0x4  }
0x36: {  	v1 =	vadd.s32 @!p0 v2, v1  }
0x37: {  	[tilespmem:$0x740] =	vst @!p0 v1  }
0x38: {  	v1 =	vld @!p0 [tilespmem:s9+$0x50];
	_ =	sdelay $0x4  }
0x39: {  	v1 =	vadd.s32 @!p0 v2, v1  }
0x3a: {  	[tilespmem:$0x750] =	vst @!p0 v1  }
0x3b: {  	v1 =	vld @!p0 [tilespmem:s9+$0x60];
	_ =	sdelay $0x4  }
0x3c: {  	v1 =	vadd.s32 @!p0 v2, v1  }
0x3d: {  	[tilespmem:$0x760] =	vst @!p0 v1  }
0x3e: {  	v1 =	vld @!p0 [tilespmem:s9+$0x70];
	_ =	sdelay $0x4  }
0x3f: {  	v1 =	vadd.s32 @!p0 v2, v1  }
0x40: {  	s22 =	simm.s32 @!p0 $0x80;
	s23 =	simm.s32 @!p0 $0x700;
	s24 =	simm.s32 @!p0 $0x800;
	[tilespmem:$0x770] =	vst @!p0 v1  }
0x41: {  	v2 =	vld [tilespmem:$0x1FF00];
	[tilespmem:s24], [sflag:$0x1] =	stream.indirect.gather @!p0 [hbm4b:s6+s22], $0xC8, s23, s22, $0xb8  }
0x42: {  	v1 =	vld @!p1 [tilespmem:s10+$0x0];
	_ =	sdelay $0x4  }
0x43: {  	v1 =	vadd.s32 @!p1 v2, v1  }
0x44: {  	[tilespmem:$0x780] =	vst @!p1 v1  }
0x45: {  	v1 =	vld @!p1 [tilespmem:s10+$0x10];
	_ =	sdelay $0x4  }
0x46: {  	v1 =	vadd.s32 @!p1 v2, v1  }
0x47: {  	[tilespmem:$0x790] =	vst @!p1 v1  }
0x48: {  	v1 =	vld @!p1 [tilespmem:s10+$0x20];
	_ =	sdelay $0x4  }
0x49: {  	v1 =	vadd.s32 @!p1 v2, v1  }
0x4a: {  	[tilespmem:$0x7A0] =	vst @!p1 v1  }
0x4b: {  	v1 =	vld @!p1 [tilespmem:s10+$0x30];
	_ =	sdelay $0x4  }
0x4c: {  	v1 =	vadd.s32 @!p1 v2, v1  }
0x4d: {  	[tilespmem:$0x7B0] =	vst @!p1 v1  }
0x4e: {  	v1 =	vld @!p1 [tilespmem:s10+$0x40];
	_ =	sdelay $0x4  }
0x4f: {  	v1 =	vadd.s32 @!p1 v2, v1  }
0x50: {  	[tilespmem:$0x7C0] =	vst @!p1 v1  }
0x51: {  	v1 =	vld @!p1 [tilespmem:s10+$0x50];
	_ =	sdelay $0x4  }
0x52: {  	v1 =	vadd.s32 @!p1 v2, v1  }
0x53: {  	[tilespmem:$0x7D0] =	vst @!p1 v1  }
0x54: {  	v1 =	vld @!p1 [tilespmem:s10+$0x60];
	_ =	sdelay $0x4  }
0x55: {  	v1 =	vadd.s32 @!p1 v2, v1  }
0x56: {  	[tilespmem:$0x7E0] =	vst @!p1 v1  }
0x57: {  	v1 =	vld @!p1 [tilespmem:s10+$0x70];
	_ =	sdelay $0x3  }
.Ltmp2:
0x58: {  	_ = 	snop;
	(pc) =	sbr.rel .LBB2_2-.Ltmp2, $4  }
0x59: {  	v1 =	vadd.s32 @!p1 v2, v1  }
0x5a: {  	s22 =	simm.s32 @!p1 $0x80;
	s23 =	simm.s32 @!p1 $0x780;
	s24 =	simm.s32 @!p1 $0x6C00;
	[tilespmem:$0x7F0] =	vst @!p1 v1  }
0x5b: {  	[tilespmem:s24], [sflag:$0x2] =	stream.indirect.gather @!p1 [hbm4b:s6+s22], $0xC8, s23, s22, $0xb8;
	[tilespmem:$0x19800] =	vst v63  }
0x5c: {  	s22 =	simm.s32 $0x0  }
.LBB2_10:
0x5d: {  	s22 =	sadd.s32 $0x1, s22  }
0x5e: {  	p2 =	sne.s32 s22, $0x20  }
.Ltmp3:
0x5f: {  	_ = 	snop;
	(pc) =	sbr.rel @!p2 .LBB2_11-.Ltmp3, $1  }
0x60: {  	_ =	sdelay $0x3  }
.LBB2_2:
0x61: {  	s23 =	sshll.u32 s22, $0x1  }
0x62: {  	s23 =	sadd.s32 s1, s23  }
0x63: {  	p3 =	sge.u32 s23, s7  }
.Ltmp4:
0x64: {  	_ = 	snop;
	(pc) =	sbr.rel @p3 .LBB2_6-.Ltmp4, $2  }
0x65: {  	_ =	sdelay $0x2  }
0x66: {  	p2 =	seq.s32 s22, $0x0  }
0x67: {  	s24 =	simm.s32 @!p2 $0x3  }
0x68: {  	_ =	swait.ge @!p2 [sflag:s24], $0x6400  }
0x69: {  	[sflag:s24] =	ssyncset.done @!p2 $0x0  }
0x6a: {  	[sflag:s24] =	ssyncadd.s32 @!p2 $0xFFFF9C00  }
0x6b: {  	_ =	swait.ge [sflag:s13], $0x6400  }
0x6c: {  	[sflag:s13] =	ssyncset.done $0x0  }
0x6d: {  	s25 =	simm.s32 $0xD200;
	s24 =	simm.s32 $0x0;
	[sflag:s13] =	ssyncadd.s32 $0xFFFF9C00  }
.LBB2_4:
0x6e: {  	v3 =	vld [tilespmem:$0x1FF10]  }
0x6f: {  	v4 =	vld [tilespmem:$0x1FF20]  }
0x70: {  	v5 =	vld [tilespmem:$0x1FF30]  }
0x71: {  	v6 =	vld [tilespmem:$0x1FF40]  }
0x72: {  	v7 =	vld [tilespmem:$0x1FF50]  }
0x73: {  	v1 =	vmov s24;
	v8 =	vld [tilespmem:$0x1FF60]  }
0x74: {  	v9 =	vld [tilespmem:$0x1FF70];
	v1 =	vshrl.u32 v1, $0x3  }
0x75: {  	v10 =	vld [tilespmem:$0x1FF80];
	v1 =	vshll.u32 v1, $0x3  }
0x76: {  	v11 =	vld [tilespmem:$0x1FF90];
	v1 =	vbroadcast v1, $0x0  }
0x77: {  	v12 =	vld [tilespmem:$0x1FFA0]  }
0x78: {  	v13 =	vld [tilespmem:$0x1FFB0];
	v2 =	vadd.s32 v0, v1  }
0x79: {  	v14 =	vld [tilespmem:$0x1FFC0];
	v3 =	vadd.s32 v3, v1  }
0x7a: {  	v15 =	vld [tilespmem:$0x1FFD0];
	v4 =	vadd.s32 v4, v1  }
0x7b: {  	v16 =	vld [tilespmem:$0x1FFE0];
	v5 =	vadd.s32 v5, v1  }
0x7c: {  	v17 =	vld [tilespmem:$0x1FFF0];
	v6 =	vadd.s32 v6, v1  }
0x7d: {  	v7 =	vadd.s32 v7, v1;
	v2 =	vld.idx.msk [tilespmem:v2+s14+$0x0], $0xffff  }
0x7e: {  	v8 =	vadd.s32 v8, v1;
	v3 =	vld.idx.msk [tilespmem:v3+s14+$0x0], $0xffff  }
0x7f: {  	v9 =	vadd.s32 v9, v1;
	v4 =	vld.idx.msk [tilespmem:v4+s14+$0x0], $0xffff  }
0x80: {  	v10 =	vadd.s32 v10, v1;
	v5 =	vld.idx.msk [tilespmem:v5+s14+$0x0], $0xffff  }
0x81: {  	v11 =	vadd.s32 v11, v1;
	v6 =	vld.idx.msk [tilespmem:v6+s14+$0x0], $0xffff  }
0x82: {  	v12 =	vadd.s32 v12, v1;
	v7 =	vld.idx.msk [tilespmem:v7+s14+$0x0], $0xffff  }
0x83: {  	v13 =	vadd.s32 v13, v1;
	v8 =	vld.idx.msk [tilespmem:v8+s14+$0x0], $0xffff  }
0x84: {  	v14 =	vadd.s32 v14, v1;
	v9 =	vld.idx.msk [tilespmem:v9+s14+$0x0], $0xffff  }
0x85: {  	v15 =	vadd.s32 v15, v1;
	v10 =	vld.idx.msk [tilespmem:v10+s14+$0x0], $0xffff  }
0x86: {  	v16 =	vadd.s32 v16, v1;
	v11 =	vld.idx.msk [tilespmem:v11+s14+$0x0], $0xffff  }
0x87: {  	v17 =	vadd.s32 v17, v1;
	v12 =	vld.idx.msk [tilespmem:v12+s14+$0x0], $0xffff  }
0x88: {  	v13 =	vld.idx.msk [tilespmem:v13+s14+$0x0], $0xffff  }
0x89: {  	v14 =	vld.idx.msk [tilespmem:v14+s14+$0x0], $0xffff  }
0x8a: {  	v15 =	vld.idx.msk [tilespmem:v15+s14+$0x0], $0xffff  }
0x8b: {  	v16 =	vld.idx.msk [tilespmem:v16+s14+$0x0], $0xffff  }
0x8c: {  	v17 =	vld.idx.msk [tilespmem:v17+s14+$0x0], $0xffff;
	[tilespmem:s25+$0xFFFFFE00] =	vst v2  }
0x8d: {  	[tilespmem:s25+$0xFFFFFE10] =	vst v3  }
0x8e: {  	[tilespmem:s25+$0xFFFFFE20] =	vst v4  }
0x8f: {  	[tilespmem:s25+$0xFFFFFE30] =	vst v5  }
0x90: {  	[tilespmem:s25+$0xFFFFFE40] =	vst v6  }
0x91: {  	[tilespmem:s25+$0xFFFFFE50] =	vst v7  }
0x92: {  	[tilespmem:s25+$0xFFFFFE60] =	vst v8  }
0x93: {  	[tilespmem:s25+$0xFFFFFE70] =	vst v9  }
0x94: {  	[tilespmem:s25+$0xFFFFFE80] =	vst v10  }
0x95: {  	[tilespmem:s25+$0xFFFFFE90] =	vst v11  }
0x96: {  	[tilespmem:s25+$0xFFFFFEA0] =	vst v12  }
0x97: {  	[tilespmem:s25+$0xFFFFFEB0] =	vst v13;
	v2 =	vadd.s32 v33, v1  }
0x98: {  	[tilespmem:s25+$0xFFFFFEC0] =	vst v14;
	v3 =	vadd.s32 v34, v1  }
0x99: {  	[tilespmem:s25+$0xFFFFFED0] =	vst v15;
	v12 =	vadd.s32 v35, v1  }
0x9a: {  	[tilespmem:s25+$0xFFFFFEE0] =	vst v16;
	v13 =	vadd.s32 v36, v1  }
0x9b: {  	[tilespmem:s25+$0xFFFFFEF0] =	vst v17;
	v14 =	vadd.s32 v37, v1  }
0x9c: {  	v15 =	vadd.s32 v38, v1;
	v2 =	vld.idx.msk [tilespmem:v2+s14+$0x0], $0xffff  }
0x9d: {  	v8 =	vadd.s32 v39, v1;
	v3 =	vld.idx.msk [tilespmem:v3+s14+$0x0], $0xffff  }
0x9e: {  	v9 =	vadd.s32 v40, v1;
	v4 =	vld.idx.msk [tilespmem:v12+s14+$0x0], $0xffff  }
0x9f: {  	v10 =	vadd.s32 v41, v1;
	v5 =	vld.idx.msk [tilespmem:v13+s14+$0x0], $0xffff  }
0xa0: {  	v11 =	vadd.s32 v42, v1;
	v6 =	vld.idx.msk [tilespmem:v14+s14+$0x0], $0xffff  }
0xa1: {  	v16 =	vadd.s32 v47, v1;
	v7 =	vld.idx.msk [tilespmem:v15+s14+$0x0], $0xffff  }
0xa2: {  	v17 =	vadd.s32 v48, v1;
	v8 =	vld.idx.msk [tilespmem:v8+s14+$0x0], $0xffff  }
0xa3: {  	v12 =	vadd.s32 v43, v1;
	v9 =	vld.idx.msk [tilespmem:v9+s14+$0x0], $0xffff  }
0xa4: {  	v13 =	vadd.s32 v44, v1;
	v10 =	vld.idx.msk [tilespmem:v10+s14+$0x0], $0xffff  }
0xa5: {  	v14 =	vadd.s32 v45, v1;
	v11 =	vld.idx.msk [tilespmem:v11+s14+$0x0], $0xffff  }
0xa6: {  	v15 =	vadd.s32 v46, v1;
	v16 =	vld.idx.msk [tilespmem:v16+s14+$0x0], $0xffff  }
0xa7: {  	v17 =	vld.idx.msk [tilespmem:v17+s14+$0x0], $0xffff  }
0xa8: {  	v12 =	vld.idx.msk [tilespmem:v12+s14+$0x0], $0xffff  }
0xa9: {  	v13 =	vld.idx.msk [tilespmem:v13+s14+$0x0], $0xffff  }
0xaa: {  	v14 =	vld.idx.msk [tilespmem:v14+s14+$0x0], $0xffff  }
0xab: {  	v15 =	vld.idx.msk [tilespmem:v15+s14+$0x0], $0xffff;
	[tilespmem:s25+$0xFFFFFF00] =	vst v2  }
0xac: {  	[tilespmem:s25+$0xFFFFFF10] =	vst v3  }
0xad: {  	[tilespmem:s25+$0xFFFFFF20] =	vst v4  }
0xae: {  	[tilespmem:s25+$0xFFFFFF30] =	vst v5  }
0xaf: {  	[tilespmem:s25+$0xFFFFFF40] =	vst v6  }
0xb0: {  	[tilespmem:s25+$0xFFFFFF50] =	vst v7  }
0xb1: {  	[tilespmem:s25+$0xFFFFFF60] =	vst v8  }
0xb2: {  	[tilespmem:s25+$0xFFFFFF70] =	vst v9  }
0xb3: {  	[tilespmem:s25+$0xFFFFFF80] =	vst v10  }
0xb4: {  	[tilespmem:s25+$0xFFFFFF90] =	vst v11  }
0xb5: {  	[tilespmem:s25+$0xFFFFFFE0] =	vst v16  }
0xb6: {  	v2 =	vadd.s32 v49, v1;
	[tilespmem:s25+$0xFFFFFFF0] =	vst v17  }
0xb7: {  	v3 =	vadd.s32 v50, v1;
	[tilespmem:s25+$0xFFFFFFA0] =	vst v12  }
0xb8: {  	v8 =	vadd.s32 v55, v1;
	[tilespmem:s25+$0xFFFFFFB0] =	vst v13  }
0xb9: {  	v9 =	vadd.s32 v56, v1;
	[tilespmem:s25+$0xFFFFFFC0] =	vst v14  }
0xba: {  	v10 =	vadd.s32 v57, v1;
	[tilespmem:s25+$0xFFFFFFD0] =	vst v15  }
0xbb: {  	v11 =	vadd.s32 v58, v1;
	v2 =	vld.idx.msk [tilespmem:v2+s14+$0x0], $0xffff  }
0xbc: {  	v16 =	vadd.s32 v63, v1;
	v3 =	vld.idx.msk [tilespmem:v3+s14+$0x0], $0xffff  }
0xbd: {  	v12 =	vadd.s32 v51, v1;
	v8 =	vld.idx.msk [tilespmem:v8+s14+$0x0], $0xffff  }
0xbe: {  	v13 =	vadd.s32 v52, v1;
	v9 =	vld.idx.msk [tilespmem:v9+s14+$0x0], $0xffff  }
0xbf: {  	v14 =	vadd.s32 v53, v1;
	v10 =	vld.idx.msk [tilespmem:v10+s14+$0x0], $0xffff  }
0xc0: {  	v15 =	vadd.s32 v54, v1;
	v11 =	vld.idx.msk [tilespmem:v11+s14+$0x0], $0xffff  }
0xc1: {  	v17 =	vadd.s32 v18, v1;
	v16 =	vld.idx.msk [tilespmem:v16+s14+$0x0], $0xffff  }
0xc2: {  	v4 =	vld.idx.msk [tilespmem:v12+s14+$0x0], $0xffff;
	v12 =	vadd.s32 v59, v1  }
0xc3: {  	v5 =	vld.idx.msk [tilespmem:v13+s14+$0x0], $0xffff;
	v13 =	vadd.s32 v60, v1  }
0xc4: {  	v6 =	vld.idx.msk [tilespmem:v14+s14+$0x0], $0xffff;
	v14 =	vadd.s32 v61, v1  }
0xc5: {  	v7 =	vld.idx.msk [tilespmem:v15+s14+$0x0], $0xffff;
	v15 =	vadd.s32 v62, v1  }
0xc6: {  	v17 =	vld.idx.msk [tilespmem:v17+s14+$0x0], $0xffff  }
0xc7: {  	v12 =	vld.idx.msk [tilespmem:v12+s14+$0x0], $0xffff  }
0xc8: {  	v13 =	vld.idx.msk [tilespmem:v13+s14+$0x0], $0xffff  }
0xc9: {  	v14 =	vld.idx.msk [tilespmem:v14+s14+$0x0], $0xffff  }
0xca: {  	v15 =	vld.idx.msk [tilespmem:v15+s14+$0x0], $0xffff;
	[tilespmem:s25+$0x0] =	vst v2  }
0xcb: {  	[tilespmem:s25+$0x10] =	vst v3  }
0xcc: {  	[tilespmem:s25+$0x20] =	vst v4  }
0xcd: {  	[tilespmem:s25+$0x30] =	vst v5  }
0xce: {  	[tilespmem:s25+$0x40] =	vst v6  }
0xcf: {  	[tilespmem:s25+$0x50] =	vst v7  }
0xd0: {  	[tilespmem:s25+$0x60] =	vst v8  }
0xd1: {  	[tilespmem:s25+$0x70] =	vst v9  }
0xd2: {  	[tilespmem:s25+$0x80] =	vst v10  }
0xd3: {  	[tilespmem:s25+$0x90] =	vst v11  }
0xd4: {  	[tilespmem:s25+$0xE0] =	vst v16  }
0xd5: {  	v2 =	vadd.s32 v19, v1;
	[tilespmem:s25+$0xF0] =	vst v17  }
0xd6: {  	v3 =	vadd.s32 v20, v1;
	[tilespmem:s25+$0xA0] =	vst v12  }
0xd7: {  	v8 =	vadd.s32 v25, v1;
	[tilespmem:s25+$0xB0] =	vst v13  }
0xd8: {  	v9 =	vadd.s32 v26, v1;
	[tilespmem:s25+$0xC0] =	vst v14  }
0xd9: {  	v10 =	vadd.s32 v27, v1;
	[tilespmem:s25+$0xD0] =	vst v15  }
0xda: {  	v11 =	vadd.s32 v28, v1;
	v2 =	vld.idx.msk [tilespmem:v2+s14+$0x0], $0xffff  }
0xdb: {  	v12 =	vadd.s32 v21, v1;
	v3 =	vld.idx.msk [tilespmem:v3+s14+$0x0], $0xffff  }
0xdc: {  	v13 =	vadd.s32 v22, v1;
	v8 =	vld.idx.msk [tilespmem:v8+s14+$0x0], $0xffff  }
0xdd: {  	v14 =	vadd.s32 v23, v1;
	v9 =	vld.idx.msk [tilespmem:v9+s14+$0x0], $0xffff  }
0xde: {  	v16 =	vadd.s32 $0x4B07, v0;
	v15 =	vadd.s32 v24, v1;
	v10 =	vld.idx.msk [tilespmem:v10+s14+$0x0], $0xffff  }
0xdf: {  	v16 =	vadd.s32 v16, v1;
	v11 =	vld.idx.msk [tilespmem:v11+s14+$0x0], $0xffff  }
0xe0: {  	v4 =	vld.idx.msk [tilespmem:v12+s14+$0x0], $0xffff;
	v12 =	vadd.s32 v29, v1  }
0xe1: {  	v5 =	vld.idx.msk [tilespmem:v13+s14+$0x0], $0xffff;
	v13 =	vadd.s32 v30, v1  }
0xe2: {  	v6 =	vld.idx.msk [tilespmem:v14+s14+$0x0], $0xffff;
	v14 =	vadd.s32 v31, v1  }
0xe3: {  	v17 =	vadd.s32 $0x5787, v0;
	v7 =	vld.idx.msk [tilespmem:v15+s14+$0x0], $0xffff;
	v15 =	vadd.s32 v32, v1  }
0xe4: {  	v16 =	vld.idx.msk [tilespmem:v16+s14+$0x0], $0xffff;
	v1 =	vadd.s32 v17, v1  }
0xe5: {  	v12 =	vld.idx.msk [tilespmem:v12+s14+$0x0], $0xffff  }
0xe6: {  	v13 =	vld.idx.msk [tilespmem:v13+s14+$0x0], $0xffff  }
0xe7: {  	v14 =	vld.idx.msk [tilespmem:v14+s14+$0x0], $0xffff  }
0xe8: {  	v15 =	vld.idx.msk [tilespmem:v15+s14+$0x0], $0xffff  }
0xe9: {  	v1 =	vld.idx.msk [tilespmem:v1+s14+$0x0], $0xffff;
	[tilespmem:s25+$0x100] =	vst v2  }
0xea: {  	[tilespmem:s25+$0x110] =	vst v3  }
0xeb: {  	[tilespmem:s25+$0x120] =	vst v4  }
0xec: {  	[tilespmem:s25+$0x130] =	vst v5  }
0xed: {  	[tilespmem:s25+$0x140] =	vst v6  }
0xee: {  	[tilespmem:s25+$0x150] =	vst v7  }
0xef: {  	[tilespmem:s25+$0x160] =	vst v8  }
0xf0: {  	[tilespmem:s25+$0x170] =	vst v9  }
0xf1: {  	[tilespmem:s25+$0x180] =	vst v10  }
0xf2: {  	[tilespmem:s25+$0x190] =	vst v11  }
0xf3: {  	p3 =	sne.s32 s24, $0xC0;
	[tilespmem:s25+$0x1E0] =	vst v16  }
.Ltmp5:
0xf4: {  	[tilespmem:s25+$0x1A0] =	vst v12;
	(pc) =	sbr.rel @p3 .LBB2_4-.Ltmp5, $4  }
0xf5: {  	[tilespmem:s25+$0x1B0] =	vst v13  }
0xf6: {  	[tilespmem:s25+$0x1C0] =	vst v14  }
0xf7: {  	[tilespmem:s25+$0x1D0] =	vst v15  }
0xf8: {  	s24 =	sadd.s32 $0x8, s24;
	[tilespmem:s25+$0x1F0] =	vst v1;
	s25 =	sadd.s32 $0x400, s25  }
0xf9: {  	s24 =	smulhi.u32 $0x66666667, s23;
	_ =	sdelay $0x1  }
0xfa: {  	s25 =	sshrl.u32 s24, $0x1  }
0xfb: {  	s26 =	sand.u32 $0x7, s25  }
0xfc: {  	p3 =	slt.u32 s23, $0x5;
	p4 =	sne.s32 s26, $0x0  }
0xfd: {  	s31 =	smul.u32 $0xFFFFFFFB, s25;
	p3 =	por !p3, !p4  }
0xfe: {  	s28 =	simm.s32 $0x1;
	p3 =	por !p3, !p3  }
0xff: {  	s24 =	sshrl.u32 s24, $0x4;
	s26 =	sadd.s32 s23, s31;
	s28 =	simm.s32 @!p3 $0x0  }
0x100: {  	s26 =	smul.u32 $0x32000, s26;
	s24 =	ssub.s32 s24, s28  }
0x101: {  	s25 =	sshll.u32 s25, $0xA;
	s28 =	smul.u32 $0xFA000, s24  }
0x102: {  	s25 =	sadd.s32 s25, s26  }
0x103: {  	s24 =	sshll.u32 s24, $0xD;
	s25 =	sadd.s32 s28, s25  }
0x104: {  	s24 =	ssub.s32 s25, s24;
	s25 =	sadd.s32 $0x2, s23  }
0x105: {  	s24 =	sshrl.u32 s24, $0x3;
	p3 =	sge.u32 s25, s7  }
0x106: {  	s24 =	sadd.s32 s3, s24;
	s26 =	smulhi.u32 @!p3 $0x66666667, s25  }
0x107: {  	[hbm4b:s24+s15] =	stream.strided.scatter [tilespmem:s17], [sflag:$0x3], $0x6400, s16, s15, $0x38;
	[tilespmem:$0x19800] =	vst v63  }
0x108: {  	s24 =	sshrl.u32 @!p3 s26, $0x1  }
0x109: {  	s26 =	ssub.s32 @!p3 s24, s5  }
0x10a: {  	s26 =	sshll.u32 @!p3 s26, $0x9  }
0x10b: {  	s26 =	sshra.s32 @!p3 s26, $0x2  }
0x10c: {  	v1 =	vld @!p3 [tilespmem:s26+$0x0];
	_ =	sdelay $0x1  }
0x10d: {  	s24 =	smul.u32 @!p3 $0xFFFFFFFB, s24;
	_ =	sdelay $0x1  }
0x10e: {  	s24 =	sadd.s32 @!p3 s25, s24  }
0x10f: {  	v1 =	vadd.s32 @!p3 s24, v1  }
0x110: {  	[tilespmem:$0x700] =	vst @!p3 v1  }
0x111: {  	v1 =	vld @!p3 [tilespmem:s26+$0x10];
	_ =	sdelay $0x4  }
0x112: {  	v1 =	vadd.s32 @!p3 s24, v1  }
0x113: {  	[tilespmem:$0x710] =	vst @!p3 v1  }
0x114: {  	v1 =	vld @!p3 [tilespmem:s26+$0x20];
	_ =	sdelay $0x4  }
0x115: {  	v1 =	vadd.s32 @!p3 s24, v1  }
0x116: {  	[tilespmem:$0x720] =	vst @!p3 v1  }
0x117: {  	v1 =	vld @!p3 [tilespmem:s26+$0x30];
	_ =	sdelay $0x4  }
0x118: {  	v1 =	vadd.s32 @!p3 s24, v1  }
0x119: {  	[tilespmem:$0x730] =	vst @!p3 v1  }
0x11a: {  	v1 =	vld @!p3 [tilespmem:s26+$0x40];
	_ =	sdelay $0x4  }
0x11b: {  	v1 =	vadd.s32 @!p3 s24, v1  }
0x11c: {  	[tilespmem:$0x740] =	vst @!p3 v1  }
0x11d: {  	v1 =	vld @!p3 [tilespmem:s26+$0x50];
	_ =	sdelay $0x4  }
0x11e: {  	v1 =	vadd.s32 @!p3 s24, v1  }
0x11f: {  	[tilespmem:$0x750] =	vst @!p3 v1  }
0x120: {  	v1 =	vld @!p3 [tilespmem:s26+$0x60];
	_ =	sdelay $0x4  }
0x121: {  	v1 =	vadd.s32 @!p3 s24, v1  }
0x122: {  	[tilespmem:$0x760] =	vst @!p3 v1  }
0x123: {  	v1 =	vld @!p3 [tilespmem:s26+$0x70];
	_ =	sdelay $0x4  }
0x124: {  	v1 =	vadd.s32 @!p3 s24, v1  }
0x125: {  	s25 =	simm.s32 @!p3 $0x700;
	s26 =	simm.s32 @!p3 $0x800;
	s24 =	simm.s32 @!p3 $0x80;
	[tilespmem:$0x770] =	vst @!p3 v1  }
0x126: {  	[tilespmem:s26], [sflag:$0x1] =	stream.indirect.gather @!p3 [hbm4b:s6+s24], $0xC8, s25, s24, $0xb8;
	[tilespmem:$0x19800] =	vst v63  }
.LBB2_6:
0x127: {  	s24 =	sadd.s32 $0x1, s23  }
0x128: {  	p3 =	sge.u32 s24, s7  }
.Ltmp6:
0x129: {  	_ = 	snop;
	(pc) =	sbr.rel @p3 .LBB2_10-.Ltmp6, $1  }
0x12a: {  	_ =	sdelay $0x3  }
0x12b: {  	s25 =	simm.s32 @!p2 $0x4  }
0x12c: {  	_ =	swait.ge @!p2 [sflag:s25], $0x6400  }
0x12d: {  	[sflag:s25] =	ssyncset.done @!p2 $0x0  }
0x12e: {  	[sflag:s25] =	ssyncadd.s32 @!p2 $0xFFFF9C00  }
0x12f: {  	_ =	swait.ge [sflag:s18], $0x6400  }
0x130: {  	[sflag:s18] =	ssyncset.done $0x0  }
0x131: {  	s26 =	simm.s32 $0x13600;
	s25 =	simm.s32 $0x0;
	[sflag:s18] =	ssyncadd.s32 $0xFFFF9C00  }
.LBB2_8:
0x132: {  	v3 =	vld [tilespmem:$0x1FF10]  }
0x133: {  	v4 =	vld [tilespmem:$0x1FF20]  }
0x134: {  	v5 =	vld [tilespmem:$0x1FF30]  }
0x135: {  	v6 =	vld [tilespmem:$0x1FF40]  }
0x136: {  	v7 =	vld [tilespmem:$0x1FF50]  }
0x137: {  	v1 =	vmov s25;
	v8 =	vld [tilespmem:$0x1FF60]  }
0x138: {  	v9 =	vld [tilespmem:$0x1FF70];
	v1 =	vshrl.u32 v1, $0x3  }
0x139: {  	v10 =	vld [tilespmem:$0x1FF80];
	v1 =	vshll.u32 v1, $0x3  }
0x13a: {  	v11 =	vld [tilespmem:$0x1FF90];
	v1 =	vbroadcast v1, $0x0  }
0x13b: {  	v12 =	vld [tilespmem:$0x1FFA0]  }
0x13c: {  	v13 =	vld [tilespmem:$0x1FFB0];
	v2 =	vadd.s32 v0, v1  }
0x13d: {  	v14 =	vld [tilespmem:$0x1FFC0];
	v3 =	vadd.s32 v3, v1  }
0x13e: {  	v15 =	vld [tilespmem:$0x1FFD0];
	v4 =	vadd.s32 v4, v1  }
0x13f: {  	v16 =	vld [tilespmem:$0x1FFE0];
	v5 =	vadd.s32 v5, v1  }
0x140: {  	v17 =	vld [tilespmem:$0x1FFF0];
	v6 =	vadd.s32 v6, v1  }
0x141: {  	v7 =	vadd.s32 v7, v1;
	v2 =	vld.idx.msk [tilespmem:v2+s19+$0x0], $0xffff  }
0x142: {  	v8 =	vadd.s32 v8, v1;
	v3 =	vld.idx.msk [tilespmem:v3+s19+$0x0], $0xffff  }
0x143: {  	v9 =	vadd.s32 v9, v1;
	v4 =	vld.idx.msk [tilespmem:v4+s19+$0x0], $0xffff  }
0x144: {  	v10 =	vadd.s32 v10, v1;
	v5 =	vld.idx.msk [tilespmem:v5+s19+$0x0], $0xffff  }
0x145: {  	v11 =	vadd.s32 v11, v1;
	v6 =	vld.idx.msk [tilespmem:v6+s19+$0x0], $0xffff  }
0x146: {  	v12 =	vadd.s32 v12, v1;
	v7 =	vld.idx.msk [tilespmem:v7+s19+$0x0], $0xffff  }
0x147: {  	v13 =	vadd.s32 v13, v1;
	v8 =	vld.idx.msk [tilespmem:v8+s19+$0x0], $0xffff  }
0x148: {  	v14 =	vadd.s32 v14, v1;
	v9 =	vld.idx.msk [tilespmem:v9+s19+$0x0], $0xffff  }
0x149: {  	v15 =	vadd.s32 v15, v1;
	v10 =	vld.idx.msk [tilespmem:v10+s19+$0x0], $0xffff  }
0x14a: {  	v16 =	vadd.s32 v16, v1;
	v11 =	vld.idx.msk [tilespmem:v11+s19+$0x0], $0xffff  }
0x14b: {  	v17 =	vadd.s32 v17, v1;
	v12 =	vld.idx.msk [tilespmem:v12+s19+$0x0], $0xffff  }
0x14c: {  	v13 =	vld.idx.msk [tilespmem:v13+s19+$0x0], $0xffff  }
0x14d: {  	v14 =	vld.idx.msk [tilespmem:v14+s19+$0x0], $0xffff  }
0x14e: {  	v15 =	vld.idx.msk [tilespmem:v15+s19+$0x0], $0xffff  }
0x14f: {  	v16 =	vld.idx.msk [tilespmem:v16+s19+$0x0], $0xffff  }
0x150: {  	v17 =	vld.idx.msk [tilespmem:v17+s19+$0x0], $0xffff;
	[tilespmem:s26+$0xFFFFFE00] =	vst v2  }
0x151: {  	[tilespmem:s26+$0xFFFFFE10] =	vst v3  }
0x152: {  	[tilespmem:s26+$0xFFFFFE20] =	vst v4  }
0x153: {  	[tilespmem:s26+$0xFFFFFE30] =	vst v5  }
0x154: {  	[tilespmem:s26+$0xFFFFFE40] =	vst v6  }
0x155: {  	[tilespmem:s26+$0xFFFFFE50] =	vst v7  }
0x156: {  	[tilespmem:s26+$0xFFFFFE60] =	vst v8  }
0x157: {  	[tilespmem:s26+$0xFFFFFE70] =	vst v9  }
0x158: {  	[tilespmem:s26+$0xFFFFFE80] =	vst v10  }
0x159: {  	[tilespmem:s26+$0xFFFFFE90] =	vst v11  }
0x15a: {  	[tilespmem:s26+$0xFFFFFEA0] =	vst v12  }
0x15b: {  	[tilespmem:s26+$0xFFFFFEB0] =	vst v13;
	v2 =	vadd.s32 v33, v1  }
0x15c: {  	[tilespmem:s26+$0xFFFFFEC0] =	vst v14;
	v3 =	vadd.s32 v34, v1  }
0x15d: {  	[tilespmem:s26+$0xFFFFFED0] =	vst v15;
	v12 =	vadd.s32 v35, v1  }
0x15e: {  	[tilespmem:s26+$0xFFFFFEE0] =	vst v16;
	v13 =	vadd.s32 v36, v1  }
0x15f: {  	[tilespmem:s26+$0xFFFFFEF0] =	vst v17;
	v14 =	vadd.s32 v37, v1  }
0x160: {  	v15 =	vadd.s32 v38, v1;
	v2 =	vld.idx.msk [tilespmem:v2+s19+$0x0], $0xffff  }
0x161: {  	v8 =	vadd.s32 v39, v1;
	v3 =	vld.idx.msk [tilespmem:v3+s19+$0x0], $0xffff  }
0x162: {  	v9 =	vadd.s32 v40, v1;
	v4 =	vld.idx.msk [tilespmem:v12+s19+$0x0], $0xffff  }
0x163: {  	v10 =	vadd.s32 v41, v1;
	v5 =	vld.idx.msk [tilespmem:v13+s19+$0x0], $0xffff  }
0x164: {  	v11 =	vadd.s32 v42, v1;
	v6 =	vld.idx.msk [tilespmem:v14+s19+$0x0], $0xffff  }
0x165: {  	v16 =	vadd.s32 v47, v1;
	v7 =	vld.idx.msk [tilespmem:v15+s19+$0x0], $0xffff  }
0x166: {  	v17 =	vadd.s32 v48, v1;
	v8 =	vld.idx.msk [tilespmem:v8+s19+$0x0], $0xffff  }
0x167: {  	v12 =	vadd.s32 v43, v1;
	v9 =	vld.idx.msk [tilespmem:v9+s19+$0x0], $0xffff  }
0x168: {  	v13 =	vadd.s32 v44, v1;
	v10 =	vld.idx.msk [tilespmem:v10+s19+$0x0], $0xffff  }
0x169: {  	v14 =	vadd.s32 v45, v1;
	v11 =	vld.idx.msk [tilespmem:v11+s19+$0x0], $0xffff  }
0x16a: {  	v15 =	vadd.s32 v46, v1;
	v16 =	vld.idx.msk [tilespmem:v16+s19+$0x0], $0xffff  }
0x16b: {  	v17 =	vld.idx.msk [tilespmem:v17+s19+$0x0], $0xffff  }
0x16c: {  	v12 =	vld.idx.msk [tilespmem:v12+s19+$0x0], $0xffff  }
0x16d: {  	v13 =	vld.idx.msk [tilespmem:v13+s19+$0x0], $0xffff  }
0x16e: {  	v14 =	vld.idx.msk [tilespmem:v14+s19+$0x0], $0xffff  }
0x16f: {  	v15 =	vld.idx.msk [tilespmem:v15+s19+$0x0], $0xffff;
	[tilespmem:s26+$0xFFFFFF00] =	vst v2  }
0x170: {  	[tilespmem:s26+$0xFFFFFF10] =	vst v3  }
0x171: {  	[tilespmem:s26+$0xFFFFFF20] =	vst v4  }
0x172: {  	[tilespmem:s26+$0xFFFFFF30] =	vst v5  }
0x173: {  	[tilespmem:s26+$0xFFFFFF40] =	vst v6  }
0x174: {  	[tilespmem:s26+$0xFFFFFF50] =	vst v7  }
0x175: {  	[tilespmem:s26+$0xFFFFFF60] =	vst v8  }
0x176: {  	[tilespmem:s26+$0xFFFFFF70] =	vst v9  }
0x177: {  	[tilespmem:s26+$0xFFFFFF80] =	vst v10  }
0x178: {  	[tilespmem:s26+$0xFFFFFF90] =	vst v11  }
0x179: {  	[tilespmem:s26+$0xFFFFFFE0] =	vst v16  }
0x17a: {  	v2 =	vadd.s32 v49, v1;
	[tilespmem:s26+$0xFFFFFFF0] =	vst v17  }
0x17b: {  	v3 =	vadd.s32 v50, v1;
	[tilespmem:s26+$0xFFFFFFA0] =	vst v12  }
0x17c: {  	v8 =	vadd.s32 v55, v1;
	[tilespmem:s26+$0xFFFFFFB0] =	vst v13  }
0x17d: {  	v9 =	vadd.s32 v56, v1;
	[tilespmem:s26+$0xFFFFFFC0] =	vst v14  }
0x17e: {  	v10 =	vadd.s32 v57, v1;
	[tilespmem:s26+$0xFFFFFFD0] =	vst v15  }
0x17f: {  	v11 =	vadd.s32 v58, v1;
	v2 =	vld.idx.msk [tilespmem:v2+s19+$0x0], $0xffff  }
0x180: {  	v16 =	vadd.s32 v63, v1;
	v3 =	vld.idx.msk [tilespmem:v3+s19+$0x0], $0xffff  }
0x181: {  	v12 =	vadd.s32 v51, v1;
	v8 =	vld.idx.msk [tilespmem:v8+s19+$0x0], $0xffff  }
0x182: {  	v13 =	vadd.s32 v52, v1;
	v9 =	vld.idx.msk [tilespmem:v9+s19+$0x0], $0xffff  }
0x183: {  	v14 =	vadd.s32 v53, v1;
	v10 =	vld.idx.msk [tilespmem:v10+s19+$0x0], $0xffff  }
0x184: {  	v15 =	vadd.s32 v54, v1;
	v11 =	vld.idx.msk [tilespmem:v11+s19+$0x0], $0xffff  }
0x185: {  	v17 =	vadd.s32 v18, v1;
	v16 =	vld.idx.msk [tilespmem:v16+s19+$0x0], $0xffff  }
0x186: {  	v4 =	vld.idx.msk [tilespmem:v12+s19+$0x0], $0xffff;
	v12 =	vadd.s32 v59, v1  }
0x187: {  	v5 =	vld.idx.msk [tilespmem:v13+s19+$0x0], $0xffff;
	v13 =	vadd.s32 v60, v1  }
0x188: {  	v6 =	vld.idx.msk [tilespmem:v14+s19+$0x0], $0xffff;
	v14 =	vadd.s32 v61, v1  }
0x189: {  	v7 =	vld.idx.msk [tilespmem:v15+s19+$0x0], $0xffff;
	v15 =	vadd.s32 v62, v1  }
0x18a: {  	v17 =	vld.idx.msk [tilespmem:v17+s19+$0x0], $0xffff  }
0x18b: {  	v12 =	vld.idx.msk [tilespmem:v12+s19+$0x0], $0xffff  }
0x18c: {  	v13 =	vld.idx.msk [tilespmem:v13+s19+$0x0], $0xffff  }
0x18d: {  	v14 =	vld.idx.msk [tilespmem:v14+s19+$0x0], $0xffff  }
0x18e: {  	v15 =	vld.idx.msk [tilespmem:v15+s19+$0x0], $0xffff;
	[tilespmem:s26+$0x0] =	vst v2  }
0x18f: {  	[tilespmem:s26+$0x10] =	vst v3  }
0x190: {  	[tilespmem:s26+$0x20] =	vst v4  }
0x191: {  	[tilespmem:s26+$0x30] =	vst v5  }
0x192: {  	[tilespmem:s26+$0x40] =	vst v6  }
0x193: {  	[tilespmem:s26+$0x50] =	vst v7  }
0x194: {  	[tilespmem:s26+$0x60] =	vst v8  }
0x195: {  	[tilespmem:s26+$0x70] =	vst v9  }
0x196: {  	[tilespmem:s26+$0x80] =	vst v10  }
0x197: {  	[tilespmem:s26+$0x90] =	vst v11  }
0x198: {  	[tilespmem:s26+$0xE0] =	vst v16  }
0x199: {  	v2 =	vadd.s32 v19, v1;
	[tilespmem:s26+$0xF0] =	vst v17  }
0x19a: {  	v3 =	vadd.s32 v20, v1;
	[tilespmem:s26+$0xA0] =	vst v12  }
0x19b: {  	v8 =	vadd.s32 v25, v1;
	[tilespmem:s26+$0xB0] =	vst v13  }
0x19c: {  	v9 =	vadd.s32 v26, v1;
	[tilespmem:s26+$0xC0] =	vst v14  }
0x19d: {  	v10 =	vadd.s32 v27, v1;
	[tilespmem:s26+$0xD0] =	vst v15  }
0x19e: {  	v11 =	vadd.s32 v28, v1;
	v2 =	vld.idx.msk [tilespmem:v2+s19+$0x0], $0xffff  }
0x19f: {  	v12 =	vadd.s32 v21, v1;
	v3 =	vld.idx.msk [tilespmem:v3+s19+$0x0], $0xffff  }
0x1a0: {  	v13 =	vadd.s32 v22, v1;
	v8 =	vld.idx.msk [tilespmem:v8+s19+$0x0], $0xffff  }
0x1a1: {  	v14 =	vadd.s32 v23, v1;
	v9 =	vld.idx.msk [tilespmem:v9+s19+$0x0], $0xffff  }
0x1a2: {  	v16 =	vadd.s32 $0x4B07, v0;
	v15 =	vadd.s32 v24, v1;
	v10 =	vld.idx.msk [tilespmem:v10+s19+$0x0], $0xffff  }
0x1a3: {  	v16 =	vadd.s32 v16, v1;
	v11 =	vld.idx.msk [tilespmem:v11+s19+$0x0], $0xffff  }
0x1a4: {  	v4 =	vld.idx.msk [tilespmem:v12+s19+$0x0], $0xffff;
	v12 =	vadd.s32 v29, v1  }
0x1a5: {  	v5 =	vld.idx.msk [tilespmem:v13+s19+$0x0], $0xffff;
	v13 =	vadd.s32 v30, v1  }
0x1a6: {  	v6 =	vld.idx.msk [tilespmem:v14+s19+$0x0], $0xffff;
	v14 =	vadd.s32 v31, v1  }
0x1a7: {  	v17 =	vadd.s32 $0x5787, v0;
	v7 =	vld.idx.msk [tilespmem:v15+s19+$0x0], $0xffff;
	v15 =	vadd.s32 v32, v1  }
0x1a8: {  	v16 =	vld.idx.msk [tilespmem:v16+s19+$0x0], $0xffff;
	v1 =	vadd.s32 v17, v1  }
0x1a9: {  	v12 =	vld.idx.msk [tilespmem:v12+s19+$0x0], $0xffff  }
0x1aa: {  	v13 =	vld.idx.msk [tilespmem:v13+s19+$0x0], $0xffff  }
0x1ab: {  	v14 =	vld.idx.msk [tilespmem:v14+s19+$0x0], $0xffff  }
0x1ac: {  	v15 =	vld.idx.msk [tilespmem:v15+s19+$0x0], $0xffff  }
0x1ad: {  	v1 =	vld.idx.msk [tilespmem:v1+s19+$0x0], $0xffff;
	[tilespmem:s26+$0x100] =	vst v2  }
0x1ae: {  	[tilespmem:s26+$0x110] =	vst v3  }
0x1af: {  	[tilespmem:s26+$0x120] =	vst v4  }
0x1b0: {  	[tilespmem:s26+$0x130] =	vst v5  }
0x1b1: {  	[tilespmem:s26+$0x140] =	vst v6  }
0x1b2: {  	[tilespmem:s26+$0x150] =	vst v7  }
0x1b3: {  	[tilespmem:s26+$0x160] =	vst v8  }
0x1b4: {  	[tilespmem:s26+$0x170] =	vst v9  }
0x1b5: {  	[tilespmem:s26+$0x180] =	vst v10  }
0x1b6: {  	[tilespmem:s26+$0x190] =	vst v11  }
0x1b7: {  	p2 =	sne.s32 s25, $0xC0;
	[tilespmem:s26+$0x1E0] =	vst v16  }
.Ltmp7:
0x1b8: {  	[tilespmem:s26+$0x1A0] =	vst v12;
	(pc) =	sbr.rel @p2 .LBB2_8-.Ltmp7, $4  }
0x1b9: {  	[tilespmem:s26+$0x1B0] =	vst v13  }
0x1ba: {  	[tilespmem:s26+$0x1C0] =	vst v14  }
0x1bb: {  	[tilespmem:s26+$0x1D0] =	vst v15  }
0x1bc: {  	s25 =	sadd.s32 $0x8, s25;
	[tilespmem:s26+$0x1F0] =	vst v1;
	s26 =	sadd.s32 $0x400, s26  }
0x1bd: {  	s25 =	smulhi.u32 $0x66666667, s24;
	_ =	sdelay $0x1  }
0x1be: {  	s26 =	sshrl.u32 s25, $0x1  }
0x1bf: {  	s28 =	sand.u32 $0x7, s26  }
0x1c0: {  	p2 =	slt.u32 s23, $0x4;
	p3 =	sne.s32 s28, $0x0  }
0x1c1: {  	s31 =	smul.u32 $0xFFFFFFFB, s26;
	p2 =	por !p2, !p3  }
0x1c2: {  	s29 =	simm.s32 $0x1;
	p2 =	por !p2, !p2  }
0x1c3: {  	s25 =	sshrl.u32 s25, $0x4;
	s30 =	sadd.s32 s24, s31;
	s29 =	simm.s32 @!p2 $0x0  }
0x1c4: {  	s24 =	smul.u32 $0x32000, s30;
	s25 =	ssub.s32 s25, s29  }
0x1c5: {  	s26 =	sshll.u32 s26, $0xA;
	s31 =	smul.u32 $0xFA000, s25  }
0x1c6: {  	s24 =	sadd.s32 s26, s24  }
0x1c7: {  	s25 =	sshll.u32 s25, $0xD;
	s24 =	sadd.s32 s31, s24  }
0x1c8: {  	s23 =	sadd.s32 $0x3, s23;
	s24 =	ssub.s32 s24, s25  }
0x1c9: {  	p2 =	sge.u32 s23, s7;
	s24 =	sshrl.u32 s24, $0x3  }
0x1ca: {  	s25 =	smulhi.u32 @!p2 $0x66666667, s23;
	s24 =	sadd.s32 s3, s24  }
0x1cb: {  	[hbm4b:s24+s15] =	stream.strided.scatter [tilespmem:s20], [sflag:$0x4], $0x6400, s16, s15, $0x38;
	[tilespmem:$0x19800] =	vst v63  }
0x1cc: {  	s24 =	sshrl.u32 @!p2 s25, $0x1  }
0x1cd: {  	s25 =	ssub.s32 @!p2 s24, s5  }
0x1ce: {  	s25 =	sshll.u32 @!p2 s25, $0x9  }
0x1cf: {  	s25 =	sshra.s32 @!p2 s25, $0x2  }
0x1d0: {  	v1 =	vld @!p2 [tilespmem:s25+$0x0];
	_ =	sdelay $0x1  }
0x1d1: {  	s24 =	smul.u32 @!p2 $0xFFFFFFFB, s24;
	_ =	sdelay $0x1  }
0x1d2: {  	s23 =	sadd.s32 @!p2 s23, s24  }
0x1d3: {  	v1 =	vadd.s32 @!p2 s23, v1  }
0x1d4: {  	[tilespmem:$0x780] =	vst @!p2 v1  }
0x1d5: {  	v1 =	vld @!p2 [tilespmem:s25+$0x10];
	_ =	sdelay $0x4  }
0x1d6: {  	v1 =	vadd.s32 @!p2 s23, v1  }
0x1d7: {  	[tilespmem:$0x790] =	vst @!p2 v1  }
0x1d8: {  	v1 =	vld @!p2 [tilespmem:s25+$0x20];
	_ =	sdelay $0x4  }
0x1d9: {  	v1 =	vadd.s32 @!p2 s23, v1  }
0x1da: {  	[tilespmem:$0x7A0] =	vst @!p2 v1  }
0x1db: {  	v1 =	vld @!p2 [tilespmem:s25+$0x30];
	_ =	sdelay $0x4  }
0x1dc: {  	v1 =	vadd.s32 @!p2 s23, v1  }
0x1dd: {  	[tilespmem:$0x7B0] =	vst @!p2 v1  }
0x1de: {  	v1 =	vld @!p2 [tilespmem:s25+$0x40];
	_ =	sdelay $0x4  }
0x1df: {  	v1 =	vadd.s32 @!p2 s23, v1  }
0x1e0: {  	[tilespmem:$0x7C0] =	vst @!p2 v1  }
0x1e1: {  	v1 =	vld @!p2 [tilespmem:s25+$0x50];
	_ =	sdelay $0x4  }
0x1e2: {  	v1 =	vadd.s32 @!p2 s23, v1  }
0x1e3: {  	[tilespmem:$0x7D0] =	vst @!p2 v1  }
0x1e4: {  	v1 =	vld @!p2 [tilespmem:s25+$0x60];
	_ =	sdelay $0x4  }
0x1e5: {  	v1 =	vadd.s32 @!p2 s23, v1  }
0x1e6: {  	[tilespmem:$0x7E0] =	vst @!p2 v1  }
0x1e7: {  	v1 =	vld @!p2 [tilespmem:s25+$0x70];
	_ =	sdelay $0x2  }
.Ltmp8:
0x1e8: {  	_ = 	snop;
	(pc) =	sbr.rel .LBB2_10-.Ltmp8, $4  }
0x1e9: {  	_ = 	snop  }
0x1ea: {  	v1 =	vadd.s32 @!p2 s23, v1  }
0x1eb: {  	s24 =	simm.s32 @!p2 $0x780;
	s25 =	simm.s32 @!p2 $0x6C00;
	s23 =	simm.s32 @!p2 $0x80;
	[tilespmem:$0x7F0] =	vst @!p2 v1  }
0x1ec: {  	[tilespmem:s25], [sflag:$0x2] =	stream.indirect.gather @!p2 [hbm4b:s6+s23], $0xC8, s24, s23, $0xb8;
	[tilespmem:$0x19800] =	vst v63  }
.LBB2_12:
0x1ed: {  	_ =	sfence.sel $0x180000  }
0x1ee: {  	[bflag:$0x0] =	sbarrier.arrive $0xFFFF  }
0x1ef: {  	p0 =	sne.s32 s0, $0x0;
	_ =	strace $0x90000047  }
0x1f0: {  	s0 =	sadd.s32 @!p0 $0x100000, s2;
	[bflag:$0x2] =	sbarrier.arrive $0xFFFF  }
0x1f1: {  	[sflag:s0] =	ssyncadd.tile.s32 @!p0 $0x1;
	_ =	shalt  }
.Lfunc_end2:
_tile_overlayer_lowered:
.L_overlay_start_2:
0x1f2: {  	(tag) =	ssettag $0x2  }
0x1f3: {  	s0 =	rddreg [dreg:$0x0];
	s2 =	stileid.u32  }
0x1f4: {  	s1 =	rddreg [dreg:$0x1];
	p0 =	sne.s32 s2, $0x0  }
0x1f5: {  	s3 =	rddreg [dreg:$0x2];
	[bflag:$0x3] =	sbarrier.arrive $0xFFFF;
	s2 =	simm.s32 @!p0 $0x1C05  }
0x1f6: {  	[timem:s3], [sflag:s2] =	dma.local @!p0 [hbm:s0], s1  }
0x1f7: {  	s0 =	simm.s32 @!p0 $0x5  }
0x1f8: {  	_ =	swait.ge @!p0 [sflag:s0], s1  }
0x1f9: {  	s1 =	ssub.s32 @!p0 $0x0, s1;
	[sflag:s0] =	ssyncset.done @!p0 $0x0  }
0x1fa: {  	[sflag:s0] =	ssyncadd.s32 @!p0 s1  }
0x1fb: {  	[bflag:$0x3] =	sbarrier.arrive $0xFFFF  }
0x1fc: {  	_ =	shalt  }

</sc_bundles>
